<compile_context>
chip_gen: v7x
topology: tpu7x:2x2x1
jax: 0.10.2.dev20260603
libtpu: 0.0.44.dev20260713+nightly
codegen_flags: <defaults>
</compile_context>

<pallas_src>
import functools

import jax
import jax.numpy as jnp
from jax import lax
from jax.experimental import pallas as pl
from jax.experimental.pallas import tpu as pltpu
from jax.experimental.pallas import tpu_sc as plsc

H = W = D = 128
V = H * W * D
B = 4
N = B * V
NW = 32
TAIL = 16520
P = N // NW
C = 2048
CH = C // 128
NCHUNK = P // C
CW = 4096
NBCHUNK = P // CW


def _bf(t):
    return lax.convert_element_type(
        lax.convert_element_type(t, jnp.bfloat16), jnp.float32)


def _coord(tf_ref, b, gxb, gyb, gzb, row):
    p0 = _bf(tf_ref[b, row * 3]) * gxb
    p1 = _bf(tf_ref[b, row * 3 + 1]) * gyb
    p2 = _bf(tf_ref[b, row * 3 + 2]) * gzb
    x_s = ((p0 + p1) + p2) + tf_ref[b, 9 + row]
    return 0.5 * (x_s + 1.0) * jnp.float32(127.0)


def _idx_body(tf_ref, idx_ref):
    b = pl.program_id(0)
    i = pl.program_id(1)
    scale = jnp.float32(2.0 / 127.0)
    gx = _bf(i.astype(jnp.float32) * scale - 1.0)
    gy = _bf(lax.broadcasted_iota(jnp.int32, (H, D), 0).astype(jnp.float32) * scale - 1.0)
    gz = _bf(lax.broadcasted_iota(jnp.int32, (H, D), 1).astype(jnp.float32) * scale - 1.0)
    x = _coord(tf_ref, b, gx, gy, gz, 0)
    y = _coord(tf_ref, b, gx, gy, gz, 1)
    z = _coord(tf_ref, b, gx, gy, gz, 2)
    x0 = jnp.clip(jnp.floor(x).astype(jnp.int32), 0, 127)
    y0 = jnp.clip(jnp.floor(y).astype(jnp.int32), 0, 127)
    z0 = jnp.clip(jnp.floor(z).astype(jnp.int32), 0, 127)
    idx_ref[0, 0] = ((b * H + x0) * W + y0) * D + z0


def _indices(Tform):
    return pl.pallas_call(
        _idx_body,
        grid=(B, W),
        in_specs=[pl.BlockSpec(memory_space=pltpu.SMEM)],
        out_specs=pl.BlockSpec((1, 1, H, D), lambda b, i: (b, i, 0, 0)),
        out_shape=jax.ShapeDtypeStruct((B, H, W, D), jnp.int32),
    )(Tform)


def _oct_build_body(flat_hbm, oct_hbm, win0, win1, out0, out1,
                    si0, si1, so0, so1):
    wid = lax.axis_index("s") * 2 + lax.axis_index("c")
    base0 = wid * P
    lanes = lax.broadcasted_iota(jnp.int32, (16,), 0)
    pat = ((lanes >> 3) + (lanes & 1) + ((lanes >> 1) & 1) * D
           + ((lanes >> 2) & 1) * (W * D))
    wins = (win0, win1)
    outs = (out0, out1)
    sis = (si0, si1)
    sos = (so0, so1)

    def start_in(ci, buf):
        base = pl.multiple_of(base0 + ci * CW, CW)
        pltpu.async_copy(flat_hbm.at[pl.ds(base, CW + TAIL)], wins[buf],
                         sis[buf])

    def wait_in(buf):
        pltpu.make_async_copy(flat_hbm.at[pl.ds(0, CW + TAIL)], wins[buf],
                              sis[buf]).wait()

    def wait_out(buf):
        pltpu.make_async_copy(flat_hbm.at[pl.ds(0, CW * 8)], outs[buf],
                              sos[buf]).wait()

    start_in(0, 0)

    def chunk_body(ci, carry):
        b = lax.rem(ci, 2)

        def with_buf(bufi):
            def inner():
                wait_in(bufi)

                @pl.when(ci + 1 < NBCHUNK)
                def _():
                    start_in(ci + 1, 1 - bufi)

                @pl.when(ci >= 2)
                def _():
                    wait_out(bufi)

                def grp(g, c2):
                    g8 = g * 8
                    for u in range(8):
                        outs[bufi][pl.ds((g8 + u) * 16, 16)] = \
                            plsc.load_gather(wins[bufi], [pat + (g8 + u) * 2])
                    return c2

                lax.fori_loop(0, CW * 8 // 128, grp, 0)
                base = pl.multiple_of(base0 + ci * CW, CW)
                pltpu.async_copy(outs[bufi],
                                 oct_hbm.at[pl.ds(base * 8, CW * 8)],
                                 sos[bufi])
            return inner

        pl.when(b == 0)(with_buf(0))
        pl.when(b == 1)(with_buf(1))
        return carry

    lax.fori_loop(0, NBCHUNK, chunk_body, 0)
    wait_out(0)
    wait_out(1)


def _sc_gather_body(oct_hbm, idx_hbm, vals_hbm, idx0, idx1, rows0, rows1,
                    out0, out1, si0, si1, sg0, sg1, so0, so1,
                    npts=N):
    nchunk = npts // NW // C
    wid = lax.axis_index("s") * 2 + lax.axis_index("c")
    base0 = wid * (npts // NW)
    lanes = lax.broadcasted_iota(jnp.int32, (16,), 0)
    idxs = (idx0, idx1)
    rows = (rows0, rows1)
    outs = (out0, out1)
    sis = (si0, si1)
    sgs = (sg0, sg1)
    sos = (so0, so1)

    def start_idx(ci, buf):
        base = pl.multiple_of(base0 + ci * C, C)
        rbase = pl.multiple_of(base // 128, CH)
        pltpu.async_copy(idx_hbm.at[pl.ds(rbase, CH)], idxs[buf], sis[buf])

    def wait_idx(buf):
        pltpu.make_async_copy(idx_hbm.at[pl.ds(0, CH)], idxs[buf],
                              sis[buf]).wait()

    def fire_gathers(buf):
        def fire(r, c2):
            pltpu.async_copy(oct_hbm.at[idxs[buf].at[r]],
                             rows[buf].at[pl.ds(r * 128, 128)], sgs[buf])
            return c2

        lax.fori_loop(0, CH, fire, 0)

    def drain_gathers(buf):
        pltpu.make_async_copy(oct_hbm.at[pl.ds(0, C)], rows[buf],
                              sgs[buf]).wait()

    def wait_out(buf):
        pltpu.make_async_copy(vals_hbm.at[pl.ds(0, C * 8)], outs[buf],
                              sos[buf]).wait()

    start_idx(0, 0)
    wait_idx(0)
    fire_gathers(0)
    start_idx(1, 1)

    def chunk_body(ci, carry):
        b = lax.rem(ci, 2)

        def with_buf(bufi):
            def inner():
                drain_gathers(bufi)

                @pl.when(ci + 1 < nchunk)
                def _():
                    wait_idx(1 - bufi)
                    fire_gathers(1 - bufi)

                @pl.when(ci + 2 < nchunk)
                def _():
                    start_idx(ci + 2, bufi)

                @pl.when(ci >= 2)
                def _():
                    wait_out(bufi)

                def grp(t8, c2):
                    for u in range(8):
                        t = t8 * 8 + u
                        pid = (t >> 6) * 128 + (t & 7) * 16 + lanes
                        crn = jnp.broadcast_to((t >> 3) & 7, (16,))
                        outs[bufi][pl.ds(t * 16, 16)] = plsc.load_gather(
                            rows[bufi], [pid, crn])
                    return c2

                lax.fori_loop(0, C * 8 // 128, grp, 0)
                base = pl.multiple_of(base0 + ci * C, C)
                pltpu.async_copy(outs[bufi],
                                 vals_hbm.at[pl.ds(base * 8, C * 8)],
                                 sos[bufi])
            return inner

        pl.when(b == 0)(with_buf(0))
        pl.when(b == 1)(with_buf(1))
        return carry

    lax.fori_loop(0, nchunk, chunk_body, 0)
    wait_out(0)
    wait_out(1)


@functools.cache
def _sc_kernels():
    mesh = plsc.VectorSubcoreMesh(core_axis_name="c", subcore_axis_name="s",
                                  num_cores=2, num_subcores=16)
    params = pltpu.CompilerParams(use_tc_tiling_on_sc=False,
                                  needs_layout_passes=False)
    build = pl.kernel(
        _oct_build_body,
        out_type=jax.ShapeDtypeStruct((N * 8,), jnp.float32),
        mesh=mesh,
        scratch_types=[
            pltpu.VMEM((CW + TAIL,), jnp.float32),
            pltpu.VMEM((CW + TAIL,), jnp.float32),
            pltpu.VMEM((CW * 8,), jnp.float32),
            pltpu.VMEM((CW * 8,), jnp.float32),
            pltpu.SemaphoreType.DMA,
            pltpu.SemaphoreType.DMA,
            pltpu.SemaphoreType.DMA,
            pltpu.SemaphoreType.DMA,
        ],
        compiler_params=params,
    )
    npts = N
    gather = pl.kernel(
        functools.partial(_sc_gather_body, npts=npts),
        out_type=jax.ShapeDtypeStruct((npts * 8,), jnp.float32),
        mesh=mesh,
        scratch_types=[
            pltpu.VMEM((CH, 128), jnp.int32),
            pltpu.VMEM((CH, 128), jnp.int32),
            pltpu.VMEM((C, 8), jnp.float32),
            pltpu.VMEM((C, 8), jnp.float32),
            pltpu.VMEM((C * 8,), jnp.float32),
            pltpu.VMEM((C * 8,), jnp.float32),
            pltpu.SemaphoreType.DMA,
            pltpu.SemaphoreType.DMA,
            pltpu.SemaphoreType.DMA,
            pltpu.SemaphoreType.DMA,
            pltpu.SemaphoreType.DMA,
            pltpu.SemaphoreType.DMA,
        ],
        compiler_params=params,
    )
    return build, gather


def _combine_body(tf_ref, vals_ref, sum8_ref, out_ref, plane0=0):
    pid = plane0 + pl.program_id(0)
    b = pid // H
    i = pid % H
    scale = jnp.float32(2.0 / 127.0)
    gx = _bf(i.astype(jnp.float32) * scale - 1.0)
    r = lax.broadcasted_iota(jnp.int32, (1, 1024, 128), 1)
    k = lax.broadcasted_iota(jnp.int32, (1, 1024, 128), 2)
    j = r >> 3
    corner = r & 7
    gy = _bf(j.astype(jnp.float32) * scale - 1.0)
    gz = _bf(k.astype(jnp.float32) * scale - 1.0)
    x = _coord(tf_ref, b, gx, gy, gz, 0)
    y = _coord(tf_ref, b, gx, gy, gz, 1)
    z = _coord(tf_ref, b, gx, gy, gz, 2)
    fone = jnp.float32(1.0)
    fzero = jnp.float32(0.0)

    def axis_w(t, bit):
        f = t - jnp.floor(t)
        wsel = jnp.where(bit == 1, f, fone - f)
        lim = jnp.float32(128.0) - bit.astype(jnp.float32)
        return jnp.where((t >= 0.0) & (t < lim), wsel, fzero)

    wx = axis_w(x, lax.shift_right_logical(corner, 2) & 1)
    wy = axis_w(y, lax.shift_right_logical(corner, 1) & 1)
    wz = axis_w(z, corner & 1)
    prod = (vals_ref[...] * (wx * wy * wz)).reshape(1024, 128)
    s = lax.dot_general(sum8_ref[...], prod, (((1,), (0,)), ((), ())),
                        precision=lax.Precision.HIGHEST)
    out_ref[...] = s.reshape(1, W, D)


def _combine(Tform, vals, plane0, nplanes):
    sum8 = jnp.repeat(jnp.eye(W, dtype=jnp.float32), 8, axis=1)
    return pl.pallas_call(
        functools.partial(_combine_body, plane0=plane0),
        grid=(nplanes,),
        in_specs=[
            pl.BlockSpec(memory_space=pltpu.SMEM),
            pl.BlockSpec((1, 1024, 128), lambda p: (p, 0, 0)),
            pl.BlockSpec((W, 1024), lambda p: (0, 0)),
        ],
        out_specs=pl.BlockSpec((1, W, D), lambda p: (p, 0, 0)),
        out_shape=jax.ShapeDtypeStruct((nplanes, W, D), jnp.float32),
    )(Tform, vals.reshape(nplanes, 1024, 128), sum8)


def kernel(Img, Tform):
    idx = _indices(Tform)
    build, gather = _sc_kernels()
    flat_ext = jnp.concatenate(
        [Img.reshape(N), jnp.zeros((TAIL,), jnp.float32)])
    octt = build(flat_ext).reshape(N, 8)
    vals = gather(octt, idx.reshape(N // 128, 128))
    out = _combine(Tform, vals, 0, B * H)
    return out.reshape(B, H, W, D, 1)

# --- scband reference (transcript-rebuilt; emitter-appended) ---
"""Pipeline reference for scband-apply2-dtform-5506148074183 (READ-ONLY COPY).

The authoritative reference and input builder live on the scoring server;
editing this copy changes nothing except your own understanding.
"""

import jax, jax.numpy as jnp
import numpy as np

OUTPUT_SIZE = (128, 128, 128)

def setup_inputs(seed: int = 0) -> dict:
    key = jax.random.key(seed)
    k1, k2 = jax.random.split(key)
    Img = jax.random.normal(k1, (4, 128, 128, 128, 1), dtype=jnp.float32)
    Tform = jax.random.normal(k2, (4, 12), dtype=jnp.float32)
    return {"Img": Img, "Tform": Tform}

def _meshgrid(height, width, depth, vector, matrix):
    B = vector.shape[0]
    ax = jnp.linspace(-1.0, 1.0, height)
    ay = jnp.linspace(-1.0, 1.0, width)
    az = jnp.linspace(-1.0, 1.0, depth)
    # tf.meshgrid (indexing='xy') followed by permute (1,0,2) == 'ij' indexing
    x_t, y_t, z_t = jnp.meshgrid(ax, ay, az, indexing='ij')
    sampling_grid = jnp.stack([x_t.reshape(-1), y_t.reshape(-1), z_t.reshape(-1)])  # [3, N]
    sampling_grid = jnp.broadcast_to(sampling_grid[None], (B, 3, height * width * depth))
    batch_grids = jnp.matmul(matrix, sampling_grid) + vector[:, :, None]
    return batch_grids.reshape(B, 3, height, width, depth)

def _get_pixel_value(Img, x, y, z):
    B = x.shape[0]
    b = jnp.arange(B).reshape(B, 1, 1, 1)
    return Img[b, x, y, z]  # -> [B, H, W, D, C]

def _interpolate(Img, x_s, y_s, z_s):
    Img = jnp.pad(Img, ((0, 0), (0, 1), (0, 1), (0, 1), (0, 0)))
    H = Img.shape[1]; W = Img.shape[2]; D = Img.shape[3]
    max_x = H - 1; max_y = W - 1; max_z = D - 1
    x = 0.5 * (x_s + 1.0) * jnp.float32(max_x - 1)
    y = 0.5 * (y_s + 1.0) * jnp.float32(max_y - 1)
    z = 0.5 * (z_s + 1.0) * jnp.float32(max_z - 1)
    x0 = jnp.floor(x).astype(jnp.int32); x1 = x0 + 1
    y0 = jnp.floor(y).astype(jnp.int32); y1 = y0 + 1
    z0 = jnp.floor(z).astype(jnp.int32); z1 = z0 + 1
    x0 = jnp.clip(x0, 0, max_x); x1 = jnp.clip(x1, 0, max_x)
    y0 = jnp.clip(y0, 0, max_y); y1 = jnp.clip(y1, 0, max_y)
    z0 = jnp.clip(z0, 0, max_z); z1 = jnp.clip(z1, 0, max_z)
    I000 = _get_pixel_value(Img, x0, y0, z0)
    I001 = _get_pixel_value(Img, x0, y0, z1)
    I010 = _get_pixel_value(Img, x0, y1, z0)
    I100 = _get_pixel_value(Img, x1, y0, z0)
    I011 = _get_pixel_value(Img, x0, y1, z1)
    I101 = _get_pixel_value(Img, x1, y0, z1)
    I110 = _get_pixel_value(Img, x1, y1, z0)
    I111 = _get_pixel_value(Img, x1, y1, z1)
    x0f = x0.astype(jnp.float32); x1f = x1.astype(jnp.float32)
    y0f = y0.astype(jnp.float32); y1f = y1.astype(jnp.float32)
    z0f = z0.astype(jnp.float32); z1f = z1.astype(jnp.float32)
    W000 = ((x1f - x) * (y1f - y) * (z1f - z))[..., None]
    W001 = ((x1f - x) * (y1f - y) * (z - z0f))[..., None]
    W010 = ((x1f - x) * (y - y0f) * (z1f - z))[..., None]
    W100 = ((x - x0f) * (y1f - y) * (z1f - z))[..., None]
    W011 = ((x1f - x) * (y - y0f) * (z - z0f))[..., None]
    W101 = ((x - x0f) * (y1f - y) * (z - z0f))[..., None]
    W110 = ((x - x0f) * (y - y0f) * (z1f - z))[..., None]
    W111 = ((x - x0f) * (y - y0f) * (z - z0f))[..., None]
    out = (W000 * I000 + W001 * I001 + W010 * I010 + W100 * I100 +
           W011 * I011 + W101 * I101 + W110 * I110 + W111 * I111)
    return out

def reference(Img, Tform):
    B = Img.shape[0]
    matrix = Tform[:, :9].reshape(B, 3, 3)
    vector = Tform[:, 9:12]
    H, W, D = OUTPUT_SIZE
    grids = _meshgrid(H, W, D, vector, matrix)
    x_s = grids[:, 0]; y_s = grids[:, 1]; z_s = grids[:, 2]
    return _interpolate(Img, x_s, y_s, z_s)

if __name__ == "__main__":
    import jax
    _d = setup_inputs()
    print(jax.jit(kernel)(*tuple(_d.values())))

</pallas_src>

<mosaic_0001>
#map = affine_map<(d0, d1) -> (0)>
module attributes {stable_mosaic.version = 14 : i64} {
  func.func @_oct_build_body(%arg0: i32, %arg1: i32, %arg2: memref<8405128xf32, #tpu.memory_space<hbm>>, %arg3: memref<67108864xf32, #tpu.memory_space<hbm>>, %arg4: memref<20616xf32, #tpu.memory_space<vmem>>, %arg5: memref<20616xf32, #tpu.memory_space<vmem>>, %arg6: memref<32768xf32, #tpu.memory_space<vmem>>, %arg7: memref<32768xf32, #tpu.memory_space<vmem>>, %arg8: memref<!tpu.dma_semaphore, #tpu.memory_space<semaphore_mem>>, %arg9: memref<!tpu.dma_semaphore, #tpu.memory_space<semaphore_mem>>, %arg10: memref<!tpu.dma_semaphore, #tpu.memory_space<semaphore_mem>>, %arg11: memref<!tpu.dma_semaphore, #tpu.memory_space<semaphore_mem>>) attributes {dimension_semantics = [#tpu.dimension_semantics<core_parallel>, #tpu.dimension_semantics<subcore_parallel>], iteration_bounds = array<i64: 2, 16>, scalar_prefetch = 0 : i64, scratch_operands = 8 : i64, tpu.core_type = #tpu.core_type<sc_vector_subcore>, window_params = [{transform_indices = #map}, {transform_indices = #map}]} {
    %mul3A = arith.constant 2 : i32
    %mul3A_0 = arith.muli %arg1, %mul3A : i32
    %add3A = arith.addi %mul3A_0, %arg0 : i32
    %mul3A_1 = arith.constant 262144 : i32
    %mul3A_2 = arith.muli %add3A, %mul3A_1 : i32
    %iota3A = tpu.iota {dimensions = array<i32: 0>} : vector<16xi32>
    %shift_right_arithmetic3A = arith.constant 3 : i32
    %shift_right_arithmetic3A_3 = vector.broadcast %shift_right_arithmetic3A : i32 to vector<16xi32>
    %shift_right_arithmetic3A_4 = arith.shrsi %iota3A, %shift_right_arithmetic3A_3 : vector<16xi32>
    %and3A = arith.constant 1 : i32
    %and3A_5 = vector.broadcast %and3A : i32 to vector<16xi32>
    %and3A_6 = arith.andi %iota3A, %and3A_5 : vector<16xi32>
    %add3A_7 = arith.addi %shift_right_arithmetic3A_4, %and3A_6 : vector<16xi32>
    %shift_right_arithmetic3A_8 = arith.constant 1 : i32
    %shift_right_arithmetic3A_9 = vector.broadcast %shift_right_arithmetic3A_8 : i32 to vector<16xi32>
    %shift_right_arithmetic3A_10 = arith.shrsi %iota3A, %shift_right_arithmetic3A_9 : vector<16xi32>
    %and3A_11 = arith.constant 1 : i32
    %and3A_12 = vector.broadcast %and3A_11 : i32 to vector<16xi32>
    %and3A_13 = arith.andi %shift_right_arithmetic3A_10, %and3A_12 : vector<16xi32>
    %mul3A_14 = arith.constant 128 : i32
    %mul3A_15 = vector.broadcast %mul3A_14 : i32 to vector<16xi32>
    %mul3A_16 = arith.muli %and3A_13, %mul3A_15 : vector<16xi32>
    %add3A_17 = arith.addi %add3A_7, %mul3A_16 : vector<16xi32>
    %shift_right_arithmetic3A_18 = arith.constant 2 : i32
    %shift_right_arithmetic3A_19 = vector.broadcast %shift_right_arithmetic3A_18 : i32 to vector<16xi32>
    %shift_right_arithmetic3A_20 = arith.shrsi %iota3A, %shift_right_arithmetic3A_19 : vector<16xi32>
    %and3A_21 = arith.constant 1 : i32
    %and3A_22 = vector.broadcast %and3A_21 : i32 to vector<16xi32>
    %and3A_23 = arith.andi %shift_right_arithmetic3A_20, %and3A_22 : vector<16xi32>
    %mul3A_24 = arith.constant 16384 : i32
    %mul3A_25 = vector.broadcast %mul3A_24 : i32 to vector<16xi32>
    %mul3A_26 = arith.muli %and3A_23, %mul3A_25 : vector<16xi32>
    %add3A_27 = arith.addi %add3A_17, %mul3A_26 : vector<16xi32>
    %add3A_28 = arith.constant 0 : i32
    %add3A_29 = arith.addi %mul3A_2, %add3A_28 : i32
    %multiple_of3A = tpu.assume_multiple %add3A_29, 4096 : i32
    %dma_start3A = tpu.memref_slice %arg2[%multiple_of3A] : memref<8405128xf32, #tpu.memory_space<hbm>> -> memref<20616xf32, #tpu.memory_space<hbm>>
    %dma_start3A_30 = tpu.memref_slice %arg2[%multiple_of3A] : memref<8405128xf32, #tpu.memory_space<hbm>> -> memref<20616xf32, #tpu.memory_space<hbm>>
    tpu.enqueue_dma source(%dma_start3A_30 : memref<20616xf32, #tpu.memory_space<hbm>>) target(%arg4 : memref<20616xf32, #tpu.memory_space<vmem>>) target_semaphore(%arg8 : memref<!tpu.dma_semaphore, #tpu.memory_space<semaphore_mem>>)
    %scan3A = arith.constant 0 : i32
    %scan3A_31 = arith.constant 0 : i32
    %scan3A_32 = arith.constant 64 : i32
    %scan3A_33 = arith.addi %scan3A_31, %scan3A_32 : i32
    %scan3A_34 = arith.constant 1 : i32
    scf.for %scan3A_43 = %scan3A_31 to %scan3A_33 step %scan3A_34  : i32 {
      %rem3A = arith.constant 2 : i32
      %rem3A_44 = arith.remsi %scan3A_43, %rem3A : i32
      %eq3A = arith.constant 0 : i32
      %eq3A_45 = arith.cmpi eq, %rem3A_44, %eq3A : i32
      %convert_element_type3A = arith.extui %eq3A_45 : i1 to i32
      %cond3A = arith.constant 0 : i32
      %cond3A_46 = arith.cmpi ne, %convert_element_type3A, %cond3A : i32
      scf.if %cond3A_46 {
        %dma_wait3A_52 = arith.constant 0 : i32
        %dma_wait3A_53 = tpu.memref_slice %arg2[%dma_wait3A_52] : memref<8405128xf32, #tpu.memory_space<hbm>> -> memref<20616xf32, #tpu.memory_space<hbm>>
        %dma_wait3A_54 = arith.constant 0 : i32
        %dma_wait3A_55 = tpu.memref_slice %arg2[%dma_wait3A_54] : memref<8405128xf32, #tpu.memory_space<hbm>> -> memref<20616xf32, #tpu.memory_space<hbm>>
        tpu.wait_dma2 semaphore(%arg8 : memref<!tpu.dma_semaphore, #tpu.memory_space<semaphore_mem>>) src(%dma_wait3A_55 : memref<20616xf32, #tpu.memory_space<hbm>>) dst(%arg4 : memref<20616xf32, #tpu.memory_space<vmem>>)
        %add3A_56 = arith.constant 1 : i32
        %add3A_57 = arith.addi %scan3A_43, %add3A_56 : i32
        %lt3A = arith.constant 64 : i32
        %lt3A_58 = arith.cmpi slt, %add3A_57, %lt3A : i32
        %convert_element_type3A_59 = arith.extui %lt3A_58 : i1 to i32
        %cond3A_60 = arith.constant 0 : i32
        %cond3A_61 = arith.cmpi ne, %convert_element_type3A_59, %cond3A_60 : i32
        scf.if %cond3A_61 {
          %add3A_80 = arith.constant 1 : i32
          %add3A_81 = arith.addi %scan3A_43, %add3A_80 : i32
          %mul3A_82 = arith.constant 4096 : i32
          %mul3A_83 = arith.muli %add3A_81, %mul3A_82 : i32
          %add3A_84 = arith.addi %mul3A_2, %mul3A_83 : i32
          %multiple_of3A_85 = tpu.assume_multiple %add3A_84, 4096 : i32
          %dma_start3A_86 = tpu.memref_slice %arg2[%multiple_of3A_85] : memref<8405128xf32, #tpu.memory_space<hbm>> -> memref<20616xf32, #tpu.memory_space<hbm>>
          %dma_start3A_87 = tpu.memref_slice %arg2[%multiple_of3A_85] : memref<8405128xf32, #tpu.memory_space<hbm>> -> memref<20616xf32, #tpu.memory_space<hbm>>
          tpu.enqueue_dma source(%dma_start3A_87 : memref<20616xf32, #tpu.memory_space<hbm>>) target(%arg5 : memref<20616xf32, #tpu.memory_space<vmem>>) target_semaphore(%arg9 : memref<!tpu.dma_semaphore, #tpu.memory_space<semaphore_mem>>)
        } else {
        }
        %ge3A = arith.constant 2 : i32
        %ge3A_62 = arith.cmpi sge, %scan3A_43, %ge3A : i32
        %convert_element_type3A_63 = arith.extui %ge3A_62 : i1 to i32
        %cond3A_64 = arith.constant 0 : i32
        %cond3A_65 = arith.cmpi ne, %convert_element_type3A_63, %cond3A_64 : i32
        scf.if %cond3A_65 {
          %dma_wait3A_80 = arith.constant 0 : i32
          %dma_wait3A_81 = tpu.memref_slice %arg2[%dma_wait3A_80] : memref<8405128xf32, #tpu.memory_space<hbm>> -> memref<32768xf32, #tpu.memory_space<hbm>>
          %dma_wait3A_82 = arith.constant 0 : i32
          %dma_wait3A_83 = tpu.memref_slice %arg2[%dma_wait3A_82] : memref<8405128xf32, #tpu.memory_space<hbm>> -> memref<32768xf32, #tpu.memory_space<hbm>>
          tpu.wait_dma2 semaphore(%arg10 : memref<!tpu.dma_semaphore, #tpu.memory_space<semaphore_mem>>) src(%dma_wait3A_83 : memref<32768xf32, #tpu.memory_space<hbm>>) dst(%arg6 : memref<32768xf32, #tpu.memory_space<vmem>>)
        } else {
        }
        %scan3A_66 = arith.constant 0 : i32
        %scan3A_67 = arith.constant 0 : i32
        %scan3A_68 = arith.constant 256 : i32
        %scan3A_69 = arith.addi %scan3A_67, %scan3A_68 : i32
        %scan3A_70 = arith.constant 1 : i32
        scf.for %scan3A_80 = %scan3A_67 to %scan3A_69 step %scan3A_70  : i32 {
          %mul3A_81 = arith.constant 8 : i32
          %mul3A_82 = arith.muli %scan3A_80, %mul3A_81 : i32
          %add3A_83 = arith.constant 0 : i32
          %add3A_84 = arith.addi %mul3A_82, %add3A_83 : i32
          %mul3A_85 = arith.constant 2 : i32
          %mul3A_86 = arith.muli %add3A_84, %mul3A_85 : i32
          %add3A_87 = vector.broadcast %mul3A_86 : i32 to vector<16xi32>
          %add3A_88 = arith.addi %add3A_27, %add3A_87 : vector<16xi32>
          %gather3A = tpu.vector_load_idx %arg4[%add3A_88] : memref<20616xf32, #tpu.memory_space<vmem>>[vector<16xi32>], vector<16xf32>,
          %add3A_89 = arith.constant 0 : i32
          %add3A_90 = arith.addi %mul3A_82, %add3A_89 : i32
          %mul3A_91 = arith.constant 16 : i32
          %mul3A_92 = arith.muli %add3A_90, %mul3A_91 : i32
          %swap3A = arith.index_cast %mul3A_92 : i32 to index
          %swap3A_93 = tpu.vector_load %arg6[%swap3A] {strides = array<i32>} : memref<32768xf32, #tpu.memory_space<vmem>>, vector<16xf32>,
          tpu.vector_store %arg6[%swap3A], %gather3A {strides = array<i32>} : memref<32768xf32, #tpu.memory_space<vmem>>, vector<16xf32>,
          %add3A_94 = arith.constant 1 : i32
          %add3A_95 = arith.addi %mul3A_82, %add3A_94 : i32
          %mul3A_96 = arith.constant 2 : i32
          %mul3A_97 = arith.muli %add3A_95, %mul3A_96 : i32
          %add3A_98 = vector.broadcast %mul3A_97 : i32 to vector<16xi32>
          %add3A_99 = arith.addi %add3A_27, %add3A_98 : vector<16xi32>
          %gather3A_100 = tpu.vector_load_idx %arg4[%add3A_99] : memref<20616xf32, #tpu.memory_space<vmem>>[vector<16xi32>], vector<16xf32>,
          %add3A_101 = arith.constant 1 : i32
          %add3A_102 = arith.addi %mul3A_82, %add3A_101 : i32
          %mul3A_103 = arith.constant 16 : i32
          %mul3A_104 = arith.muli %add3A_102, %mul3A_103 : i32
          %swap3A_105 = arith.index_cast %mul3A_104 : i32 to index
          %swap3A_106 = tpu.vector_load %arg6[%swap3A_105] {strides = array<i32>} : memref<32768xf32, #tpu.memory_space<vmem>>, vector<16xf32>,
          tpu.vector_store %arg6[%swap3A_105], %gather3A_100 {strides = array<i32>} : memref<32768xf32, #tpu.memory_space<vmem>>, vector<16xf32>,
          %add3A_107 = arith.constant 2 : i32
          %add3A_108 = arith.addi %mul3A_82, %add3A_107 : i32
          %mul3A_109 = arith.constant 2 : i32
          %mul3A_110 = arith.muli %add3A_108, %mul3A_109 : i32
          %add3A_111 = vector.broadcast %mul3A_110 : i32 to vector<16xi32>
          %add3A_112 = arith.addi %add3A_27, %add3A_111 : vector<16xi32>
          %gather3A_113 = tpu.vector_load_idx %arg4[%add3A_112] : memref<20616xf32, #tpu.memory_space<vmem>>[vector<16xi32>], vector<16xf32>,
          %add3A_114 = arith.constant 2 : i32
          %add3A_115 = arith.addi %mul3A_82, %add3A_114 : i32
          %mul3A_116 = arith.constant 16 : i32
          %mul3A_117 = arith.muli %add3A_115, %mul3A_116 : i32
          %swap3A_118 = arith.index_cast %mul3A_117 : i32 to index
          %swap3A_119 = tpu.vector_load %arg6[%swap3A_118] {strides = array<i32>} : memref<32768xf32, #tpu.memory_space<vmem>>, vector<16xf32>,
          tpu.vector_store %arg6[%swap3A_118], %gather3A_113 {strides = array<i32>} : memref<32768xf32, #tpu.memory_space<vmem>>, vector<16xf32>,
          %add3A_120 = arith.constant 3 : i32
          %add3A_121 = arith.addi %mul3A_82, %add3A_120 : i32
          %mul3A_122 = arith.constant 2 : i32
          %mul3A_123 = arith.muli %add3A_121, %mul3A_122 : i32
          %add3A_124 = vector.broadcast %mul3A_123 : i32 to vector<16xi32>
          %add3A_125 = arith.addi %add3A_27, %add3A_124 : vector<16xi32>
          %gather3A_126 = tpu.vector_load_idx %arg4[%add3A_125] : memref<20616xf32, #tpu.memory_space<vmem>>[vector<16xi32>], vector<16xf32>,
          %add3A_127 = arith.constant 3 : i32
          %add3A_128 = arith.addi %mul3A_82, %add3A_127 : i32
          %mul3A_129 = arith.constant 16 : i32
          %mul3A_130 = arith.muli %add3A_128, %mul3A_129 : i32
          %swap3A_131 = arith.index_cast %mul3A_130 : i32 to index
          %swap3A_132 = tpu.vector_load %arg6[%swap3A_131] {strides = array<i32>} : memref<32768xf32, #tpu.memory_space<vmem>>, vector<16xf32>,
          tpu.vector_store %arg6[%swap3A_131], %gather3A_126 {strides = array<i32>} : memref<32768xf32, #tpu.memory_space<vmem>>, vector<16xf32>,
          %add3A_133 = arith.constant 4 : i32
          %add3A_134 = arith.addi %mul3A_82, %add3A_133 : i32
          %mul3A_135 = arith.constant 2 : i32
          %mul3A_136 = arith.muli %add3A_134, %mul3A_135 : i32
          %add3A_137 = vector.broadcast %mul3A_136 : i32 to vector<16xi32>
          %add3A_138 = arith.addi %add3A_27, %add3A_137 : vector<16xi32>
          %gather3A_139 = tpu.vector_load_idx %arg4[%add3A_138] : memref<20616xf32, #tpu.memory_space<vmem>>[vector<16xi32>], vector<16xf32>,
          %add3A_140 = arith.constant 4 : i32
          %add3A_141 = arith.addi %mul3A_82, %add3A_140 : i32
          %mul3A_142 = arith.constant 16 : i32
          %mul3A_143 = arith.muli %add3A_141, %mul3A_142 : i32
          %swap3A_144 = arith.index_cast %mul3A_143 : i32 to index
          %swap3A_145 = tpu.vector_load %arg6[%swap3A_144] {strides = array<i32>} : memref<32768xf32, #tpu.memory_space<vmem>>, vector<16xf32>,
          tpu.vector_store %arg6[%swap3A_144], %gather3A_139 {strides = array<i32>} : memref<32768xf32, #tpu.memory_space<vmem>>, vector<16xf32>,
          %add3A_146 = arith.constant 5 : i32
          %add3A_147 = arith.addi %mul3A_82, %add3A_146 : i32
          %mul3A_148 = arith.constant 2 : i32
          %mul3A_149 = arith.muli %add3A_147, %mul3A_148 : i32
          %add3A_150 = vector.broadcast %mul3A_149 : i32 to vector<16xi32>
          %add3A_151 = arith.addi %add3A_27, %add3A_150 : vector<16xi32>
          %gather3A_152 = tpu.vector_load_idx %arg4[%add3A_151] : memref<20616xf32, #tpu.memory_space<vmem>>[vector<16xi32>], vector<16xf32>,
          %add3A_153 = arith.constant 5 : i32
          %add3A_154 = arith.addi %mul3A_82, %add3A_153 : i32
          %mul3A_155 = arith.constant 16 : i32
          %mul3A_156 = arith.muli %add3A_154, %mul3A_155 : i32
          %swap3A_157 = arith.index_cast %mul3A_156 : i32 to index
          %swap3A_158 = tpu.vector_load %arg6[%swap3A_157] {strides = array<i32>} : memref<32768xf32, #tpu.memory_space<vmem>>, vector<16xf32>,
          tpu.vector_store %arg6[%swap3A_157], %gather3A_152 {strides = array<i32>} : memref<32768xf32, #tpu.memory_space<vmem>>, vector<16xf32>,
          %add3A_159 = arith.constant 6 : i32
          %add3A_160 = arith.addi %mul3A_82, %add3A_159 : i32
          %mul3A_161 = arith.constant 2 : i32
          %mul3A_162 = arith.muli %add3A_160, %mul3A_161 : i32
          %add3A_163 = vector.broadcast %mul3A_162 : i32 to vector<16xi32>
          %add3A_164 = arith.addi %add3A_27, %add3A_163 : vector<16xi32>
          %gather3A_165 = tpu.vector_load_idx %arg4[%add3A_164] : memref<20616xf32, #tpu.memory_space<vmem>>[vector<16xi32>], vector<16xf32>,
          %add3A_166 = arith.constant 6 : i32
          %add3A_167 = arith.addi %mul3A_82, %add3A_166 : i32
          %mul3A_168 = arith.constant 16 : i32
          %mul3A_169 = arith.muli %add3A_167, %mul3A_168 : i32
          %swap3A_170 = arith.index_cast %mul3A_169 : i32 to index
          %swap3A_171 = tpu.vector_load %arg6[%swap3A_170] {strides = array<i32>} : memref<32768xf32, #tpu.memory_space<vmem>>, vector<16xf32>,
          tpu.vector_store %arg6[%swap3A_170], %gather3A_165 {strides = array<i32>} : memref<32768xf32, #tpu.memory_space<vmem>>, vector<16xf32>,
          %add3A_172 = arith.constant 7 : i32
          %add3A_173 = arith.addi %mul3A_82, %add3A_172 : i32
          %mul3A_174 = arith.constant 2 : i32
          %mul3A_175 = arith.muli %add3A_173, %mul3A_174 : i32
          %add3A_176 = vector.broadcast %mul3A_175 : i32 to vector<16xi32>
          %add3A_177 = arith.addi %add3A_27, %add3A_176 : vector<16xi32>
          %gather3A_178 = tpu.vector_load_idx %arg4[%add3A_177] : memref<20616xf32, #tpu.memory_space<vmem>>[vector<16xi32>], vector<16xf32>,
          %add3A_179 = arith.constant 7 : i32
          %add3A_180 = arith.addi %mul3A_82, %add3A_179 : i32
          %mul3A_181 = arith.constant 16 : i32
          %mul3A_182 = arith.muli %add3A_180, %mul3A_181 : i32
          %swap3A_183 = arith.index_cast %mul3A_182 : i32 to index
          %swap3A_184 = tpu.vector_load %arg6[%swap3A_183] {strides = array<i32>} : memref<32768xf32, #tpu.memory_space<vmem>>, vector<16xf32>,
          tpu.vector_store %arg6[%swap3A_183], %gather3A_178 {strides = array<i32>} : memref<32768xf32, #tpu.memory_space<vmem>>, vector<16xf32>,
        }
        %scan3A_71 = arith.constant 256 : i32
        %mul3A_72 = arith.constant 4096 : i32
        %mul3A_73 = arith.muli %scan3A_43, %mul3A_72 : i32
        %add3A_74 = arith.addi %mul3A_2, %mul3A_73 : i32
        %multiple_of3A_75 = tpu.assume_multiple %add3A_74, 4096 : i32
        %mul3A_76 = arith.constant 8 : i32
        %mul3A_77 = arith.muli %multiple_of3A_75, %mul3A_76 : i32
        %dma_start3A_78 = tpu.memref_slice %arg3[%mul3A_77] : memref<67108864xf32, #tpu.memory_space<hbm>> -> memref<32768xf32, #tpu.memory_space<hbm>>
        %dma_start3A_79 = tpu.memref_slice %arg3[%mul3A_77] : memref<67108864xf32, #tpu.memory_space<hbm>> -> memref<32768xf32, #tpu.memory_space<hbm>>
        tpu.enqueue_dma source(%arg6 : memref<32768xf32, #tpu.memory_space<vmem>>) target(%dma_start3A_79 : memref<32768xf32, #tpu.memory_space<hbm>>) target_semaphore(%arg10 : memref<!tpu.dma_semaphore, #tpu.memory_space<semaphore_mem>>)
      } else {
      }
      %eq3A_47 = arith.constant 1 : i32
      %eq3A_48 = arith.cmpi eq, %rem3A_44, %eq3A_47 : i32
      %convert_element_type3A_49 = arith.extui %eq3A_48 : i1 to i32
      %cond3A_50 = arith.constant 0 : i32
      %cond3A_51 = arith.cmpi ne, %convert_element_type3A_49, %cond3A_50 : i32
      scf.if %cond3A_51 {
        %dma_wait3A_52 = arith.constant 0 : i32
        %dma_wait3A_53 = tpu.memref_slice %arg2[%dma_wait3A_52] : memref<8405128xf32, #tpu.memory_space<hbm>> -> memref<20616xf32, #tpu.memory_space<hbm>>
        %dma_wait3A_54 = arith.constant 0 : i32
        %dma_wait3A_55 = tpu.memref_slice %arg2[%dma_wait3A_54] : memref<8405128xf32, #tpu.memory_space<hbm>> -> memref<20616xf32, #tpu.memory_space<hbm>>
        tpu.wait_dma2 semaphore(%arg9 : memref<!tpu.dma_semaphore, #tpu.memory_space<semaphore_mem>>) src(%dma_wait3A_55 : memref<20616xf32, #tpu.memory_space<hbm>>) dst(%arg5 : memref<20616xf32, #tpu.memory_space<vmem>>)
        %add3A_56 = arith.constant 1 : i32
        %add3A_57 = arith.addi %scan3A_43, %add3A_56 : i32
        %lt3A = arith.constant 64 : i32
        %lt3A_58 = arith.cmpi slt, %add3A_57, %lt3A : i32
        %convert_element_type3A_59 = arith.extui %lt3A_58 : i1 to i32
        %cond3A_60 = arith.constant 0 : i32
        %cond3A_61 = arith.cmpi ne, %convert_element_type3A_59, %cond3A_60 : i32
        scf.if %cond3A_61 {
          %add3A_80 = arith.constant 1 : i32
          %add3A_81 = arith.addi %scan3A_43, %add3A_80 : i32
          %mul3A_82 = arith.constant 4096 : i32
          %mul3A_83 = arith.muli %add3A_81, %mul3A_82 : i32
          %add3A_84 = arith.addi %mul3A_2, %mul3A_83 : i32
          %multiple_of3A_85 = tpu.assume_multiple %add3A_84, 4096 : i32
          %dma_start3A_86 = tpu.memref_slice %arg2[%multiple_of3A_85] : memref<8405128xf32, #tpu.memory_space<hbm>> -> memref<20616xf32, #tpu.memory_space<hbm>>
          %dma_start3A_87 = tpu.memref_slice %arg2[%multiple_of3A_85] : memref<8405128xf32, #tpu.memory_space<hbm>> -> memref<20616xf32, #tpu.memory_space<hbm>>
          tpu.enqueue_dma source(%dma_start3A_87 : memref<20616xf32, #tpu.memory_space<hbm>>) target(%arg4 : memref<20616xf32, #tpu.memory_space<vmem>>) target_semaphore(%arg8 : memref<!tpu.dma_semaphore, #tpu.memory_space<semaphore_mem>>)
        } else {
        }
        %ge3A = arith.constant 2 : i32
        %ge3A_62 = arith.cmpi sge, %scan3A_43, %ge3A : i32
        %convert_element_type3A_63 = arith.extui %ge3A_62 : i1 to i32
        %cond3A_64 = arith.constant 0 : i32
        %cond3A_65 = arith.cmpi ne, %convert_element_type3A_63, %cond3A_64 : i32
        scf.if %cond3A_65 {
          %dma_wait3A_80 = arith.constant 0 : i32
          %dma_wait3A_81 = tpu.memref_slice %arg2[%dma_wait3A_80] : memref<8405128xf32, #tpu.memory_space<hbm>> -> memref<32768xf32, #tpu.memory_space<hbm>>
          %dma_wait3A_82 = arith.constant 0 : i32
          %dma_wait3A_83 = tpu.memref_slice %arg2[%dma_wait3A_82] : memref<8405128xf32, #tpu.memory_space<hbm>> -> memref<32768xf32, #tpu.memory_space<hbm>>
          tpu.wait_dma2 semaphore(%arg11 : memref<!tpu.dma_semaphore, #tpu.memory_space<semaphore_mem>>) src(%dma_wait3A_83 : memref<32768xf32, #tpu.memory_space<hbm>>) dst(%arg7 : memref<32768xf32, #tpu.memory_space<vmem>>)
        } else {
        }
        %scan3A_66 = arith.constant 0 : i32
        %scan3A_67 = arith.constant 0 : i32
        %scan3A_68 = arith.constant 256 : i32
        %scan3A_69 = arith.addi %scan3A_67, %scan3A_68 : i32
        %scan3A_70 = arith.constant 1 : i32
        scf.for %scan3A_80 = %scan3A_67 to %scan3A_69 step %scan3A_70  : i32 {
          %mul3A_81 = arith.constant 8 : i32
          %mul3A_82 = arith.muli %scan3A_80, %mul3A_81 : i32
          %add3A_83 = arith.constant 0 : i32
          %add3A_84 = arith.addi %mul3A_82, %add3A_83 : i32
          %mul3A_85 = arith.constant 2 : i32
          %mul3A_86 = arith.muli %add3A_84, %mul3A_85 : i32
          %add3A_87 = vector.broadcast %mul3A_86 : i32 to vector<16xi32>
          %add3A_88 = arith.addi %add3A_27, %add3A_87 : vector<16xi32>
          %gather3A = tpu.vector_load_idx %arg5[%add3A_88] : memref<20616xf32, #tpu.memory_space<vmem>>[vector<16xi32>], vector<16xf32>,
          %add3A_89 = arith.constant 0 : i32
          %add3A_90 = arith.addi %mul3A_82, %add3A_89 : i32
          %mul3A_91 = arith.constant 16 : i32
          %mul3A_92 = arith.muli %add3A_90, %mul3A_91 : i32
          %swap3A = arith.index_cast %mul3A_92 : i32 to index
          %swap3A_93 = tpu.vector_load %arg7[%swap3A] {strides = array<i32>} : memref<32768xf32, #tpu.memory_space<vmem>>, vector<16xf32>,
          tpu.vector_store %arg7[%swap3A], %gather3A {strides = array<i32>} : memref<32768xf32, #tpu.memory_space<vmem>>, vector<16xf32>,
          %add3A_94 = arith.constant 1 : i32
          %add3A_95 = arith.addi %mul3A_82, %add3A_94 : i32
          %mul3A_96 = arith.constant 2 : i32
          %mul3A_97 = arith.muli %add3A_95, %mul3A_96 : i32
          %add3A_98 = vector.broadcast %mul3A_97 : i32 to vector<16xi32>
          %add3A_99 = arith.addi %add3A_27, %add3A_98 : vector<16xi32>
          %gather3A_100 = tpu.vector_load_idx %arg5[%add3A_99] : memref<20616xf32, #tpu.memory_space<vmem>>[vector<16xi32>], vector<16xf32>,
          %add3A_101 = arith.constant 1 : i32
          %add3A_102 = arith.addi %mul3A_82, %add3A_101 : i32
          %mul3A_103 = arith.constant 16 : i32
          %mul3A_104 = arith.muli %add3A_102, %mul3A_103 : i32
          %swap3A_105 = arith.index_cast %mul3A_104 : i32 to index
          %swap3A_106 = tpu.vector_load %arg7[%swap3A_105] {strides = array<i32>} : memref<32768xf32, #tpu.memory_space<vmem>>, vector<16xf32>,
          tpu.vector_store %arg7[%swap3A_105], %gather3A_100 {strides = array<i32>} : memref<32768xf32, #tpu.memory_space<vmem>>, vector<16xf32>,
          %add3A_107 = arith.constant 2 : i32
          %add3A_108 = arith.addi %mul3A_82, %add3A_107 : i32
          %mul3A_109 = arith.constant 2 : i32
          %mul3A_110 = arith.muli %add3A_108, %mul3A_109 : i32
          %add3A_111 = vector.broadcast %mul3A_110 : i32 to vector<16xi32>
          %add3A_112 = arith.addi %add3A_27, %add3A_111 : vector<16xi32>
          %gather3A_113 = tpu.vector_load_idx %arg5[%add3A_112] : memref<20616xf32, #tpu.memory_space<vmem>>[vector<16xi32>], vector<16xf32>,
          %add3A_114 = arith.constant 2 : i32
          %add3A_115 = arith.addi %mul3A_82, %add3A_114 : i32
          %mul3A_116 = arith.constant 16 : i32
          %mul3A_117 = arith.muli %add3A_115, %mul3A_116 : i32
          %swap3A_118 = arith.index_cast %mul3A_117 : i32 to index
          %swap3A_119 = tpu.vector_load %arg7[%swap3A_118] {strides = array<i32>} : memref<32768xf32, #tpu.memory_space<vmem>>, vector<16xf32>,
          tpu.vector_store %arg7[%swap3A_118], %gather3A_113 {strides = array<i32>} : memref<32768xf32, #tpu.memory_space<vmem>>, vector<16xf32>,
          %add3A_120 = arith.constant 3 : i32
          %add3A_121 = arith.addi %mul3A_82, %add3A_120 : i32
          %mul3A_122 = arith.constant 2 : i32
          %mul3A_123 = arith.muli %add3A_121, %mul3A_122 : i32
          %add3A_124 = vector.broadcast %mul3A_123 : i32 to vector<16xi32>
          %add3A_125 = arith.addi %add3A_27, %add3A_124 : vector<16xi32>
          %gather3A_126 = tpu.vector_load_idx %arg5[%add3A_125] : memref<20616xf32, #tpu.memory_space<vmem>>[vector<16xi32>], vector<16xf32>,
          %add3A_127 = arith.constant 3 : i32
          %add3A_128 = arith.addi %mul3A_82, %add3A_127 : i32
          %mul3A_129 = arith.constant 16 : i32
          %mul3A_130 = arith.muli %add3A_128, %mul3A_129 : i32
          %swap3A_131 = arith.index_cast %mul3A_130 : i32 to index
          %swap3A_132 = tpu.vector_load %arg7[%swap3A_131] {strides = array<i32>} : memref<32768xf32, #tpu.memory_space<vmem>>, vector<16xf32>,
          tpu.vector_store %arg7[%swap3A_131], %gather3A_126 {strides = array<i32>} : memref<32768xf32, #tpu.memory_space<vmem>>, vector<16xf32>,
          %add3A_133 = arith.constant 4 : i32
          %add3A_134 = arith.addi %mul3A_82, %add3A_133 : i32
          %mul3A_135 = arith.constant 2 : i32
          %mul3A_136 = arith.muli %add3A_134, %mul3A_135 : i32
          %add3A_137 = vector.broadcast %mul3A_136 : i32 to vector<16xi32>
          %add3A_138 = arith.addi %add3A_27, %add3A_137 : vector<16xi32>
          %gather3A_139 = tpu.vector_load_idx %arg5[%add3A_138] : memref<20616xf32, #tpu.memory_space<vmem>>[vector<16xi32>], vector<16xf32>,
          %add3A_140 = arith.constant 4 : i32
          %add3A_141 = arith.addi %mul3A_82, %add3A_140 : i32
          %mul3A_142 = arith.constant 16 : i32
          %mul3A_143 = arith.muli %add3A_141, %mul3A_142 : i32
          %swap3A_144 = arith.index_cast %mul3A_143 : i32 to index
          %swap3A_145 = tpu.vector_load %arg7[%swap3A_144] {strides = array<i32>} : memref<32768xf32, #tpu.memory_space<vmem>>, vector<16xf32>,
          tpu.vector_store %arg7[%swap3A_144], %gather3A_139 {strides = array<i32>} : memref<32768xf32, #tpu.memory_space<vmem>>, vector<16xf32>,
          %add3A_146 = arith.constant 5 : i32
          %add3A_147 = arith.addi %mul3A_82, %add3A_146 : i32
          %mul3A_148 = arith.constant 2 : i32
          %mul3A_149 = arith.muli %add3A_147, %mul3A_148 : i32
          %add3A_150 = vector.broadcast %mul3A_149 : i32 to vector<16xi32>
          %add3A_151 = arith.addi %add3A_27, %add3A_150 : vector<16xi32>
          %gather3A_152 = tpu.vector_load_idx %arg5[%add3A_151] : memref<20616xf32, #tpu.memory_space<vmem>>[vector<16xi32>], vector<16xf32>,
          %add3A_153 = arith.constant 5 : i32
          %add3A_154 = arith.addi %mul3A_82, %add3A_153 : i32
          %mul3A_155 = arith.constant 16 : i32
          %mul3A_156 = arith.muli %add3A_154, %mul3A_155 : i32
          %swap3A_157 = arith.index_cast %mul3A_156 : i32 to index
          %swap3A_158 = tpu.vector_load %arg7[%swap3A_157] {strides = array<i32>} : memref<32768xf32, #tpu.memory_space<vmem>>, vector<16xf32>,
          tpu.vector_store %arg7[%swap3A_157], %gather3A_152 {strides = array<i32>} : memref<32768xf32, #tpu.memory_space<vmem>>, vector<16xf32>,
          %add3A_159 = arith.constant 6 : i32
          %add3A_160 = arith.addi %mul3A_82, %add3A_159 : i32
          %mul3A_161 = arith.constant 2 : i32
          %mul3A_162 = arith.muli %add3A_160, %mul3A_161 : i32
          %add3A_163 = vector.broadcast %mul3A_162 : i32 to vector<16xi32>
          %add3A_164 = arith.addi %add3A_27, %add3A_163 : vector<16xi32>
          %gather3A_165 = tpu.vector_load_idx %arg5[%add3A_164] : memref<20616xf32, #tpu.memory_space<vmem>>[vector<16xi32>], vector<16xf32>,
          %add3A_166 = arith.constant 6 : i32
          %add3A_167 = arith.addi %mul3A_82, %add3A_166 : i32
          %mul3A_168 = arith.constant 16 : i32
          %mul3A_169 = arith.muli %add3A_167, %mul3A_168 : i32
          %swap3A_170 = arith.index_cast %mul3A_169 : i32 to index
          %swap3A_171 = tpu.vector_load %arg7[%swap3A_170] {strides = array<i32>} : memref<32768xf32, #tpu.memory_space<vmem>>, vector<16xf32>,
          tpu.vector_store %arg7[%swap3A_170], %gather3A_165 {strides = array<i32>} : memref<32768xf32, #tpu.memory_space<vmem>>, vector<16xf32>,
          %add3A_172 = arith.constant 7 : i32
          %add3A_173 = arith.addi %mul3A_82, %add3A_172 : i32
          %mul3A_174 = arith.constant 2 : i32
          %mul3A_175 = arith.muli %add3A_173, %mul3A_174 : i32
          %add3A_176 = vector.broadcast %mul3A_175 : i32 to vector<16xi32>
          %add3A_177 = arith.addi %add3A_27, %add3A_176 : vector<16xi32>
          %gather3A_178 = tpu.vector_load_idx %arg5[%add3A_177] : memref<20616xf32, #tpu.memory_space<vmem>>[vector<16xi32>], vector<16xf32>,
          %add3A_179 = arith.constant 7 : i32
          %add3A_180 = arith.addi %mul3A_82, %add3A_179 : i32
          %mul3A_181 = arith.constant 16 : i32
          %mul3A_182 = arith.muli %add3A_180, %mul3A_181 : i32
          %swap3A_183 = arith.index_cast %mul3A_182 : i32 to index
          %swap3A_184 = tpu.vector_load %arg7[%swap3A_183] {strides = array<i32>} : memref<32768xf32, #tpu.memory_space<vmem>>, vector<16xf32>,
          tpu.vector_store %arg7[%swap3A_183], %gather3A_178 {strides = array<i32>} : memref<32768xf32, #tpu.memory_space<vmem>>, vector<16xf32>,
        }
        %scan3A_71 = arith.constant 256 : i32
        %mul3A_72 = arith.constant 4096 : i32
        %mul3A_73 = arith.muli %scan3A_43, %mul3A_72 : i32
        %add3A_74 = arith.addi %mul3A_2, %mul3A_73 : i32
        %multiple_of3A_75 = tpu.assume_multiple %add3A_74, 4096 : i32
        %mul3A_76 = arith.constant 8 : i32
        %mul3A_77 = arith.muli %multiple_of3A_75, %mul3A_76 : i32
        %dma_start3A_78 = tpu.memref_slice %arg3[%mul3A_77] : memref<67108864xf32, #tpu.memory_space<hbm>> -> memref<32768xf32, #tpu.memory_space<hbm>>
        %dma_start3A_79 = tpu.memref_slice %arg3[%mul3A_77] : memref<67108864xf32, #tpu.memory_space<hbm>> -> memref<32768xf32, #tpu.memory_space<hbm>>
        tpu.enqueue_dma source(%arg7 : memref<32768xf32, #tpu.memory_space<vmem>>) target(%dma_start3A_79 : memref<32768xf32, #tpu.memory_space<hbm>>) target_semaphore(%arg11 : memref<!tpu.dma_semaphore, #tpu.memory_space<semaphore_mem>>)
      } else {
      }
    }
    %scan3A_35 = arith.constant 64 : i32
    %dma_wait3A = arith.constant 0 : i32
    %dma_wait3A_36 = tpu.memref_slice %arg2[%dma_wait3A] : memref<8405128xf32, #tpu.memory_space<hbm>> -> memref<32768xf32, #tpu.memory_space<hbm>>
    %dma_wait3A_37 = arith.constant 0 : i32
    %dma_wait3A_38 = tpu.memref_slice %arg2[%dma_wait3A_37] : memref<8405128xf32, #tpu.memory_space<hbm>> -> memref<32768xf32, #tpu.memory_space<hbm>>
    tpu.wait_dma2 semaphore(%arg10 : memref<!tpu.dma_semaphore, #tpu.memory_space<semaphore_mem>>) src(%dma_wait3A_38 : memref<32768xf32, #tpu.memory_space<hbm>>) dst(%arg6 : memref<32768xf32, #tpu.memory_space<vmem>>)
    %dma_wait3A_39 = arith.constant 0 : i32
    %dma_wait3A_40 = tpu.memref_slice %arg2[%dma_wait3A_39] : memref<8405128xf32, #tpu.memory_space<hbm>> -> memref<32768xf32, #tpu.memory_space<hbm>>
    %dma_wait3A_41 = arith.constant 0 : i32
    %dma_wait3A_42 = tpu.memref_slice %arg2[%dma_wait3A_41] : memref<8405128xf32, #tpu.memory_space<hbm>> -> memref<32768xf32, #tpu.memory_space<hbm>>
    tpu.wait_dma2 semaphore(%arg11 : memref<!tpu.dma_semaphore, #tpu.memory_space<semaphore_mem>>) src(%dma_wait3A_42 : memref<32768xf32, #tpu.memory_space<hbm>>) dst(%arg7 : memref<32768xf32, #tpu.memory_space<vmem>>)
    return
  }
}

#map = affine_map<(d0, d1) -> (0, 0)>
#map1 = affine_map<(d0, d1) -> (0)>
module attributes {stable_mosaic.version = 14 : i64} {
  func.func @_sc_gather_body(%arg0: i32, %arg1: i32, %arg2: memref<8388608x8xf32, #tpu.memory_space<hbm>>, %arg3: memref<65536x128xi32, #tpu.memory_space<hbm>>, %arg4: memref<67108864xf32, #tpu.memory_space<hbm>>, %arg5: memref<16x128xi32, #tpu.memory_space<vmem>>, %arg6: memref<16x128xi32, #tpu.memory_space<vmem>>, %arg7: memref<2048x8xf32, #tpu.memory_space<vmem>>, %arg8: memref<2048x8xf32, #tpu.memory_space<vmem>>, %arg9: memref<16384xf32, #tpu.memory_space<vmem>>, %arg10: memref<16384xf32, #tpu.memory_space<vmem>>, %arg11: memref<!tpu.dma_semaphore, #tpu.memory_space<semaphore_mem>>, %arg12: memref<!tpu.dma_semaphore, #tpu.memory_space<semaphore_mem>>, %arg13: memref<!tpu.dma_semaphore, #tpu.memory_space<semaphore_mem>>, %arg14: memref<!tpu.dma_semaphore, #tpu.memory_space<semaphore_mem>>, %arg15: memref<!tpu.dma_semaphore, #tpu.memory_space<semaphore_mem>>, %arg16: memref<!tpu.dma_semaphore, #tpu.memory_space<semaphore_mem>>) attributes {dimension_semantics = [#tpu.dimension_semantics<core_parallel>, #tpu.dimension_semantics<subcore_parallel>], iteration_bounds = array<i64: 2, 16>, scalar_prefetch = 0 : i64, scratch_operands = 12 : i64, tpu.core_type = #tpu.core_type<sc_vector_subcore>, window_params = [{transform_indices = #map}, {transform_indices = #map}, {transform_indices = #map1}]} {
    %mul3A = arith.constant 2 : i32
    %mul3A_0 = arith.muli %arg1, %mul3A : i32
    %add3A = arith.addi %mul3A_0, %arg0 : i32
    %mul3A_1 = arith.constant 262144 : i32
    %mul3A_2 = arith.muli %add3A, %mul3A_1 : i32
    %iota3A = tpu.iota {dimensions = array<i32: 0>} : vector<16xi32>
    %add3A_3 = arith.constant 0 : i32
    %add3A_4 = arith.addi %mul3A_2, %add3A_3 : i32
    %multiple_of3A = tpu.assume_multiple %add3A_4, 2048 : i32
    %jit3A = arith.constant 128 : i32
    %div3A = arith.divsi %multiple_of3A, %jit3A : i32
    %sign3A = arith.constant 0 : i32
    %sign3A_5 = arith.cmpi sgt, %multiple_of3A, %sign3A : i32
    %sign3A_6 = arith.extui %sign3A_5 : i1 to i32
    %sign3A_7 = arith.constant 0 : i32
    %sign3A_8 = arith.cmpi slt, %multiple_of3A, %sign3A_7 : i32
    %sign3A_9 = arith.extui %sign3A_8 : i1 to i32
    %sign3A_10 = arith.subi %sign3A_6, %sign3A_9 : i32
    %sign3A_11 = arith.constant 0 : i32
    %sign3A_12 = arith.cmpi sgt, %jit3A, %sign3A_11 : i32
    %sign3A_13 = arith.extui %sign3A_12 : i1 to i32
    %sign3A_14 = arith.constant 0 : i32
    %sign3A_15 = arith.cmpi slt, %jit3A, %sign3A_14 : i32
    %sign3A_16 = arith.extui %sign3A_15 : i1 to i32
    %sign3A_17 = arith.subi %sign3A_13, %sign3A_16 : i32
    %ne3A = arith.cmpi ne, %sign3A_10, %sign3A_17 : i32
    %rem3A = arith.remsi %multiple_of3A, %jit3A : i32
    %ne3A_18 = arith.constant 0 : i32
    %ne3A_19 = arith.cmpi ne, %rem3A, %ne3A_18 : i32
    %and3A = arith.andi %ne3A, %ne3A_19 : i1
    %sub3A = arith.constant 1 : i32
    %sub3A_20 = arith.subi %div3A, %sub3A : i32
    %select_n3A = arith.select %and3A, %sub3A_20, %div3A : i32
    %multiple_of3A_21 = tpu.assume_multiple %select_n3A, 16 : i32
    %dma_start3A = arith.constant 0 : i32
    %dma_start3A_22 = tpu.memref_slice %arg3[%multiple_of3A_21, %dma_start3A] : memref<65536x128xi32, #tpu.memory_space<hbm>> -> memref<16x128xi32, #tpu.memory_space<hbm>>
    %dma_start3A_23 = arith.constant 0 : i32
    %dma_start3A_24 = tpu.memref_slice %arg3[%multiple_of3A_21, %dma_start3A_23] : memref<65536x128xi32, #tpu.memory_space<hbm>> -> memref<16x128xi32, #tpu.memory_space<hbm>>
    tpu.enqueue_dma source(%dma_start3A_24 : memref<16x128xi32, #tpu.memory_space<hbm>>) target(%arg5 : memref<16x128xi32, #tpu.memory_space<vmem>>) target_semaphore(%arg11 : memref<!tpu.dma_semaphore, #tpu.memory_space<semaphore_mem>>)
    %dma_wait3A = arith.constant 0 : i32
    %dma_wait3A_25 = arith.constant 0 : i32
    %dma_wait3A_26 = tpu.memref_slice %arg3[%dma_wait3A, %dma_wait3A_25] : memref<65536x128xi32, #tpu.memory_space<hbm>> -> memref<16x128xi32, #tpu.memory_space<hbm>>
    %dma_wait3A_27 = arith.constant 0 : i32
    %dma_wait3A_28 = arith.constant 0 : i32
    %dma_wait3A_29 = tpu.memref_slice %arg3[%dma_wait3A_27, %dma_wait3A_28] : memref<65536x128xi32, #tpu.memory_space<hbm>> -> memref<16x128xi32, #tpu.memory_space<hbm>>
    tpu.wait_dma2 semaphore(%arg11 : memref<!tpu.dma_semaphore, #tpu.memory_space<semaphore_mem>>) src(%dma_wait3A_29 : memref<16x128xi32, #tpu.memory_space<hbm>>) dst(%arg5 : memref<16x128xi32, #tpu.memory_space<vmem>>)
    %scan3A = arith.constant 0 : i32
    %scan3A_30 = arith.constant 0 : i32
    %scan3A_31 = arith.constant 16 : i32
    %scan3A_32 = arith.addi %scan3A_30, %scan3A_31 : i32
    %scan3A_33 = arith.constant 1 : i32
    scf.for %scan3A_81 = %scan3A_30 to %scan3A_32 step %scan3A_33  : i32 {
      %mul3A_82 = arith.constant 128 : i32
      %mul3A_83 = arith.muli %scan3A_81, %mul3A_82 : i32
      %dma_start3A_84 = arith.constant 0 : i32
      %dma_start3A_85 = tpu.memref_slice %arg7[%mul3A_83, %dma_start3A_84] : memref<2048x8xf32, #tpu.memory_space<vmem>> -> memref<128x8xf32, #tpu.memory_space<vmem>>
      %dma_start3A_86 = arith.constant 0 : i32
      %dma_start3A_87 = tpu.memref_slice %arg5[%scan3A_81, %dma_start3A_86] : memref<16x128xi32, #tpu.memory_space<vmem>> -> memref<1x128xi32, #tpu.memory_space<vmem>>
      %dma_start3A_88 = tpu.memref_squeeze %dma_start3A_87 : memref<1x128xi32, #tpu.memory_space<vmem>> -> memref<128xi32, #tpu.memory_space<vmem>>
      %dma_start3A_89 = arith.constant 0 : i32
      %dma_start3A_90 = arith.constant 0 : i32
      %dma_start3A_91 = tpu.memref_slice %arg2[%dma_start3A_89, %dma_start3A_90] : memref<8388608x8xf32, #tpu.memory_space<hbm>> -> memref<8388608x8xf32, #tpu.memory_space<hbm>>
      tpu.enqueue_indirect_dma source(%dma_start3A_91 : memref<8388608x8xf32, #tpu.memory_space<hbm>>) target(%dma_start3A_85 : memref<128x8xf32, #tpu.memory_space<vmem>>) offsets(%dma_start3A_88 : memref<128xi32, #tpu.memory_space<vmem>>) semaphore(%arg13 : memref<!tpu.dma_semaphore, #tpu.memory_space<semaphore_mem>>)
    }
    %scan3A_34 = arith.constant 16 : i32
    %add3A_35 = arith.constant 2048 : i32
    %add3A_36 = arith.addi %mul3A_2, %add3A_35 : i32
    %multiple_of3A_37 = tpu.assume_multiple %add3A_36, 2048 : i32
    %jit3A_38 = arith.constant 128 : i32
    %div3A_39 = arith.divsi %multiple_of3A_37, %jit3A_38 : i32
    %sign3A_40 = arith.constant 0 : i32
    %sign3A_41 = arith.cmpi sgt, %multiple_of3A_37, %sign3A_40 : i32
    %sign3A_42 = arith.extui %sign3A_41 : i1 to i32
    %sign3A_43 = arith.constant 0 : i32
    %sign3A_44 = arith.cmpi slt, %multiple_of3A_37, %sign3A_43 : i32
    %sign3A_45 = arith.extui %sign3A_44 : i1 to i32
    %sign3A_46 = arith.subi %sign3A_42, %sign3A_45 : i32
    %sign3A_47 = arith.constant 0 : i32
    %sign3A_48 = arith.cmpi sgt, %jit3A_38, %sign3A_47 : i32
    %sign3A_49 = arith.extui %sign3A_48 : i1 to i32
    %sign3A_50 = arith.constant 0 : i32
    %sign3A_51 = arith.cmpi slt, %jit3A_38, %sign3A_50 : i32
    %sign3A_52 = arith.extui %sign3A_51 : i1 to i32
    %sign3A_53 = arith.subi %sign3A_49, %sign3A_52 : i32
    %ne3A_54 = arith.cmpi ne, %sign3A_46, %sign3A_53 : i32
    %rem3A_55 = arith.remsi %multiple_of3A_37, %jit3A_38 : i32
    %ne3A_56 = arith.constant 0 : i32
    %ne3A_57 = arith.cmpi ne, %rem3A_55, %ne3A_56 : i32
    %and3A_58 = arith.andi %ne3A_54, %ne3A_57 : i1
    %sub3A_59 = arith.constant 1 : i32
    %sub3A_60 = arith.subi %div3A_39, %sub3A_59 : i32
    %select_n3A_61 = arith.select %and3A_58, %sub3A_60, %div3A_39 : i32
    %multiple_of3A_62 = tpu.assume_multiple %select_n3A_61, 16 : i32
    %dma_start3A_63 = arith.constant 0 : i32
    %dma_start3A_64 = tpu.memref_slice %arg3[%multiple_of3A_62, %dma_start3A_63] : memref<65536x128xi32, #tpu.memory_space<hbm>> -> memref<16x128xi32, #tpu.memory_space<hbm>>
    %dma_start3A_65 = arith.constant 0 : i32
    %dma_start3A_66 = tpu.memref_slice %arg3[%multiple_of3A_62, %dma_start3A_65] : memref<65536x128xi32, #tpu.memory_space<hbm>> -> memref<16x128xi32, #tpu.memory_space<hbm>>
    tpu.enqueue_dma source(%dma_start3A_66 : memref<16x128xi32, #tpu.memory_space<hbm>>) target(%arg6 : memref<16x128xi32, #tpu.memory_space<vmem>>) target_semaphore(%arg12 : memref<!tpu.dma_semaphore, #tpu.memory_space<semaphore_mem>>)
    %scan3A_67 = arith.constant 0 : i32
    %scan3A_68 = arith.constant 0 : i32
    %scan3A_69 = arith.constant 128 : i32
    %scan3A_70 = arith.addi %scan3A_68, %scan3A_69 : i32
    %scan3A_71 = arith.constant 1 : i32
    scf.for %scan3A_81 = %scan3A_68 to %scan3A_70 step %scan3A_71  : i32 {
      %rem3A_82 = arith.constant 2 : i32
      %rem3A_83 = arith.remsi %scan3A_81, %rem3A_82 : i32
      %eq3A = arith.constant 0 : i32
      %eq3A_84 = arith.cmpi eq, %rem3A_83, %eq3A : i32
      %convert_element_type3A = arith.extui %eq3A_84 : i1 to i32
      %cond3A = arith.constant 0 : i32
      %cond3A_85 = arith.cmpi ne, %convert_element_type3A, %cond3A : i32
      scf.if %cond3A_85 {
        %dma_wait3A_91 = arith.constant 0 : i32
        %dma_wait3A_92 = arith.constant 0 : i32
        %dma_wait3A_93 = tpu.memref_slice %arg2[%dma_wait3A_91, %dma_wait3A_92] : memref<8388608x8xf32, #tpu.memory_space<hbm>> -> memref<2048x8xf32, #tpu.memory_space<hbm>>
        %dma_wait3A_94 = arith.constant 0 : i32
        %dma_wait3A_95 = arith.constant 0 : i32
        %dma_wait3A_96 = tpu.memref_slice %arg2[%dma_wait3A_94, %dma_wait3A_95] : memref<8388608x8xf32, #tpu.memory_space<hbm>> -> memref<2048x8xf32, #tpu.memory_space<hbm>>
        tpu.wait_dma2 semaphore(%arg13 : memref<!tpu.dma_semaphore, #tpu.memory_space<semaphore_mem>>) src(%dma_wait3A_96 : memref<2048x8xf32, #tpu.memory_space<hbm>>) dst(%arg7 : memref<2048x8xf32, #tpu.memory_space<vmem>>)
        %add3A_97 = arith.constant 1 : i32
        %add3A_98 = arith.addi %scan3A_81, %add3A_97 : i32
        %lt3A = arith.constant 128 : i32
        %lt3A_99 = arith.cmpi slt, %add3A_98, %lt3A : i32
        %convert_element_type3A_100 = arith.extui %lt3A_99 : i1 to i32
        %cond3A_101 = arith.constant 0 : i32
        %cond3A_102 = arith.cmpi ne, %convert_element_type3A_100, %cond3A_101 : i32
        scf.if %cond3A_102 {
          %dma_wait3A_128 = arith.constant 0 : i32
          %dma_wait3A_129 = arith.constant 0 : i32
          %dma_wait3A_130 = tpu.memref_slice %arg3[%dma_wait3A_128, %dma_wait3A_129] : memref<65536x128xi32, #tpu.memory_space<hbm>> -> memref<16x128xi32, #tpu.memory_space<hbm>>
          %dma_wait3A_131 = arith.constant 0 : i32
          %dma_wait3A_132 = arith.constant 0 : i32
          %dma_wait3A_133 = tpu.memref_slice %arg3[%dma_wait3A_131, %dma_wait3A_132] : memref<65536x128xi32, #tpu.memory_space<hbm>> -> memref<16x128xi32, #tpu.memory_space<hbm>>
          tpu.wait_dma2 semaphore(%arg12 : memref<!tpu.dma_semaphore, #tpu.memory_space<semaphore_mem>>) src(%dma_wait3A_133 : memref<16x128xi32, #tpu.memory_space<hbm>>) dst(%arg6 : memref<16x128xi32, #tpu.memory_space<vmem>>)
          %scan3A_134 = arith.constant 0 : i32
          %scan3A_135 = arith.constant 0 : i32
          %scan3A_136 = arith.constant 16 : i32
          %scan3A_137 = arith.addi %scan3A_135, %scan3A_136 : i32
          %scan3A_138 = arith.constant 1 : i32
          scf.for %scan3A_140 = %scan3A_135 to %scan3A_137 step %scan3A_138  : i32 {
            %mul3A_141 = arith.constant 128 : i32
            %mul3A_142 = arith.muli %scan3A_140, %mul3A_141 : i32
            %dma_start3A_143 = arith.constant 0 : i32
            %dma_start3A_144 = tpu.memref_slice %arg8[%mul3A_142, %dma_start3A_143] : memref<2048x8xf32, #tpu.memory_space<vmem>> -> memref<128x8xf32, #tpu.memory_space<vmem>>
            %dma_start3A_145 = arith.constant 0 : i32
            %dma_start3A_146 = tpu.memref_slice %arg6[%scan3A_140, %dma_start3A_145] : memref<16x128xi32, #tpu.memory_space<vmem>> -> memref<1x128xi32, #tpu.memory_space<vmem>>
            %dma_start3A_147 = tpu.memref_squeeze %dma_start3A_146 : memref<1x128xi32, #tpu.memory_space<vmem>> -> memref<128xi32, #tpu.memory_space<vmem>>
            %dma_start3A_148 = arith.constant 0 : i32
            %dma_start3A_149 = arith.constant 0 : i32
            %dma_start3A_150 = tpu.memref_slice %arg2[%dma_start3A_148, %dma_start3A_149] : memref<8388608x8xf32, #tpu.memory_space<hbm>> -> memref<8388608x8xf32, #tpu.memory_space<hbm>>
            tpu.enqueue_indirect_dma source(%dma_start3A_150 : memref<8388608x8xf32, #tpu.memory_space<hbm>>) target(%dma_start3A_144 : memref<128x8xf32, #tpu.memory_space<vmem>>) offsets(%dma_start3A_147 : memref<128xi32, #tpu.memory_space<vmem>>) semaphore(%arg14 : memref<!tpu.dma_semaphore, #tpu.memory_space<semaphore_mem>>)
          }
          %scan3A_139 = arith.constant 16 : i32
        } else {
        }
        %add3A_103 = arith.constant 2 : i32
        %add3A_104 = arith.addi %scan3A_81, %add3A_103 : i32
        %lt3A_105 = arith.constant 128 : i32
        %lt3A_106 = arith.cmpi slt, %add3A_104, %lt3A_105 : i32
        %convert_element_type3A_107 = arith.extui %lt3A_106 : i1 to i32
        %cond3A_108 = arith.constant 0 : i32
        %cond3A_109 = arith.cmpi ne, %convert_element_type3A_107, %cond3A_108 : i32
        scf.if %cond3A_109 {
          %add3A_128 = arith.constant 2 : i32
          %add3A_129 = arith.addi %scan3A_81, %add3A_128 : i32
          %mul3A_130 = arith.constant 2048 : i32
          %mul3A_131 = arith.muli %add3A_129, %mul3A_130 : i32
          %add3A_132 = arith.addi %mul3A_2, %mul3A_131 : i32
          %multiple_of3A_133 = tpu.assume_multiple %add3A_132, 2048 : i32
          %jit3A_134 = arith.constant 128 : i32
          %div3A_135 = arith.divsi %multiple_of3A_133, %jit3A_134 : i32
          %sign3A_136 = arith.constant 0 : i32
          %sign3A_137 = arith.cmpi sgt, %multiple_of3A_133, %sign3A_136 : i32
          %sign3A_138 = arith.extui %sign3A_137 : i1 to i32
          %sign3A_139 = arith.constant 0 : i32
          %sign3A_140 = arith.cmpi slt, %multiple_of3A_133, %sign3A_139 : i32
          %sign3A_141 = arith.extui %sign3A_140 : i1 to i32
          %sign3A_142 = arith.subi %sign3A_138, %sign3A_141 : i32
          %sign3A_143 = arith.constant 0 : i32
          %sign3A_144 = arith.cmpi sgt, %jit3A_134, %sign3A_143 : i32
          %sign3A_145 = arith.extui %sign3A_144 : i1 to i32
          %sign3A_146 = arith.constant 0 : i32
          %sign3A_147 = arith.cmpi slt, %jit3A_134, %sign3A_146 : i32
          %sign3A_148 = arith.extui %sign3A_147 : i1 to i32
          %sign3A_149 = arith.subi %sign3A_145, %sign3A_148 : i32
          %ne3A_150 = arith.cmpi ne, %sign3A_142, %sign3A_149 : i32
          %rem3A_151 = arith.remsi %multiple_of3A_133, %jit3A_134 : i32
          %ne3A_152 = arith.constant 0 : i32
          %ne3A_153 = arith.cmpi ne, %rem3A_151, %ne3A_152 : i32
          %and3A_154 = arith.andi %ne3A_150, %ne3A_153 : i1
          %sub3A_155 = arith.constant 1 : i32
          %sub3A_156 = arith.subi %div3A_135, %sub3A_155 : i32
          %select_n3A_157 = arith.select %and3A_154, %sub3A_156, %div3A_135 : i32
          %multiple_of3A_158 = tpu.assume_multiple %select_n3A_157, 16 : i32
          %dma_start3A_159 = arith.constant 0 : i32
          %dma_start3A_160 = tpu.memref_slice %arg3[%multiple_of3A_158, %dma_start3A_159] : memref<65536x128xi32, #tpu.memory_space<hbm>> -> memref<16x128xi32, #tpu.memory_space<hbm>>
          %dma_start3A_161 = arith.constant 0 : i32
          %dma_start3A_162 = tpu.memref_slice %arg3[%multiple_of3A_158, %dma_start3A_161] : memref<65536x128xi32, #tpu.memory_space<hbm>> -> memref<16x128xi32, #tpu.memory_space<hbm>>
          tpu.enqueue_dma source(%dma_start3A_162 : memref<16x128xi32, #tpu.memory_space<hbm>>) target(%arg5 : memref<16x128xi32, #tpu.memory_space<vmem>>) target_semaphore(%arg11 : memref<!tpu.dma_semaphore, #tpu.memory_space<semaphore_mem>>)
        } else {
        }
        %ge3A = arith.constant 2 : i32
        %ge3A_110 = arith.cmpi sge, %scan3A_81, %ge3A : i32
        %convert_element_type3A_111 = arith.extui %ge3A_110 : i1 to i32
        %cond3A_112 = arith.constant 0 : i32
        %cond3A_113 = arith.cmpi ne, %convert_element_type3A_111, %cond3A_112 : i32
        scf.if %cond3A_113 {
          %dma_wait3A_128 = arith.constant 0 : i32
          %dma_wait3A_129 = tpu.memref_slice %arg4[%dma_wait3A_128] : memref<67108864xf32, #tpu.memory_space<hbm>> -> memref<16384xf32, #tpu.memory_space<hbm>>
          %dma_wait3A_130 = arith.constant 0 : i32
          %dma_wait3A_131 = tpu.memref_slice %arg4[%dma_wait3A_130] : memref<67108864xf32, #tpu.memory_space<hbm>> -> memref<16384xf32, #tpu.memory_space<hbm>>
          tpu.wait_dma2 semaphore(%arg15 : memref<!tpu.dma_semaphore, #tpu.memory_space<semaphore_mem>>) src(%dma_wait3A_131 : memref<16384xf32, #tpu.memory_space<hbm>>) dst(%arg9 : memref<16384xf32, #tpu.memory_space<vmem>>)
        } else {
        }
        %scan3A_114 = arith.constant 0 : i32
        %scan3A_115 = arith.constant 0 : i32
        %scan3A_116 = arith.constant 128 : i32
        %scan3A_117 = arith.addi %scan3A_115, %scan3A_116 : i32
        %scan3A_118 = arith.constant 1 : i32
        scf.for %scan3A_128 = %scan3A_115 to %scan3A_117 step %scan3A_118  : i32 {
          %mul3A_129 = arith.constant 8 : i32
          %mul3A_130 = arith.muli %scan3A_128, %mul3A_129 : i32
          %add3A_131 = arith.constant 0 : i32
          %add3A_132 = arith.addi %mul3A_130, %add3A_131 : i32
          %shift_right_arithmetic3A = arith.constant 6 : i32
          %shift_right_arithmetic3A_133 = arith.shrsi %add3A_132, %shift_right_arithmetic3A : i32
          %mul3A_134 = arith.constant 128 : i32
          %mul3A_135 = arith.muli %shift_right_arithmetic3A_133, %mul3A_134 : i32
          %and3A_136 = arith.constant 7 : i32
          %and3A_137 = arith.andi %add3A_132, %and3A_136 : i32
          %mul3A_138 = arith.constant 16 : i32
          %mul3A_139 = arith.muli %and3A_137, %mul3A_138 : i32
          %add3A_140 = arith.addi %mul3A_135, %mul3A_139 : i32
          %add3A_141 = vector.broadcast %add3A_140 : i32 to vector<16xi32>
          %add3A_142 = arith.addi %add3A_141, %iota3A : vector<16xi32>
          %shift_right_arithmetic3A_143 = arith.constant 3 : i32
          %shift_right_arithmetic3A_144 = arith.shrsi %add3A_132, %shift_right_arithmetic3A_143 : i32
          %and3A_145 = arith.constant 7 : i32
          %and3A_146 = arith.andi %shift_right_arithmetic3A_144, %and3A_145 : i32
          %broadcast_in_dim3A = vector.broadcast %and3A_146 : i32 to vector<16xi32>
          %gather3A = tpu.vector_load_idx %arg7[%add3A_142, %broadcast_in_dim3A] : memref<2048x8xf32, #tpu.memory_space<vmem>>[vector<16xi32>, vector<16xi32>], vector<16xf32>,
          %mul3A_147 = arith.constant 16 : i32
          %mul3A_148 = arith.muli %add3A_132, %mul3A_147 : i32
          %swap3A = arith.index_cast %mul3A_148 : i32 to index
          %swap3A_149 = tpu.vector_load %arg9[%swap3A] {strides = array<i32>} : memref<16384xf32, #tpu.memory_space<vmem>>, vector<16xf32>,
          tpu.vector_store %arg9[%swap3A], %gather3A {strides = array<i32>} : memref<16384xf32, #tpu.memory_space<vmem>>, vector<16xf32>,
          %mul3A_150 = arith.constant 8 : i32
          %mul3A_151 = arith.muli %scan3A_128, %mul3A_150 : i32
          %add3A_152 = arith.constant 1 : i32
          %add3A_153 = arith.addi %mul3A_151, %add3A_152 : i32
          %shift_right_arithmetic3A_154 = arith.constant 6 : i32
          %shift_right_arithmetic3A_155 = arith.shrsi %add3A_153, %shift_right_arithmetic3A_154 : i32
          %mul3A_156 = arith.constant 128 : i32
          %mul3A_157 = arith.muli %shift_right_arithmetic3A_155, %mul3A_156 : i32
          %and3A_158 = arith.constant 7 : i32
          %and3A_159 = arith.andi %add3A_153, %and3A_158 : i32
          %mul3A_160 = arith.constant 16 : i32
          %mul3A_161 = arith.muli %and3A_159, %mul3A_160 : i32
          %add3A_162 = arith.addi %mul3A_157, %mul3A_161 : i32
          %add3A_163 = vector.broadcast %add3A_162 : i32 to vector<16xi32>
          %add3A_164 = arith.addi %add3A_163, %iota3A : vector<16xi32>
          %shift_right_arithmetic3A_165 = arith.constant 3 : i32
          %shift_right_arithmetic3A_166 = arith.shrsi %add3A_153, %shift_right_arithmetic3A_165 : i32
          %and3A_167 = arith.constant 7 : i32
          %and3A_168 = arith.andi %shift_right_arithmetic3A_166, %and3A_167 : i32
          %broadcast_in_dim3A_169 = vector.broadcast %and3A_168 : i32 to vector<16xi32>
          %gather3A_170 = tpu.vector_load_idx %arg7[%add3A_164, %broadcast_in_dim3A_169] : memref<2048x8xf32, #tpu.memory_space<vmem>>[vector<16xi32>, vector<16xi32>], vector<16xf32>,
          %mul3A_171 = arith.constant 16 : i32
          %mul3A_172 = arith.muli %add3A_153, %mul3A_171 : i32
          %swap3A_173 = arith.index_cast %mul3A_172 : i32 to index
          %swap3A_174 = tpu.vector_load %arg9[%swap3A_173] {strides = array<i32>} : memref<16384xf32, #tpu.memory_space<vmem>>, vector<16xf32>,
          tpu.vector_store %arg9[%swap3A_173], %gather3A_170 {strides = array<i32>} : memref<16384xf32, #tpu.memory_space<vmem>>, vector<16xf32>,
          %mul3A_175 = arith.constant 8 : i32
          %mul3A_176 = arith.muli %scan3A_128, %mul3A_175 : i32
          %add3A_177 = arith.constant 2 : i32
          %add3A_178 = arith.addi %mul3A_176, %add3A_177 : i32
          %shift_right_arithmetic3A_179 = arith.constant 6 : i32
          %shift_right_arithmetic3A_180 = arith.shrsi %add3A_178, %shift_right_arithmetic3A_179 : i32
          %mul3A_181 = arith.constant 128 : i32
          %mul3A_182 = arith.muli %shift_right_arithmetic3A_180, %mul3A_181 : i32
          %and3A_183 = arith.constant 7 : i32
          %and3A_184 = arith.andi %add3A_178, %and3A_183 : i32
          %mul3A_185 = arith.constant 16 : i32
          %mul3A_186 = arith.muli %and3A_184, %mul3A_185 : i32
          %add3A_187 = arith.addi %mul3A_182, %mul3A_186 : i32
          %add3A_188 = vector.broadcast %add3A_187 : i32 to vector<16xi32>
          %add3A_189 = arith.addi %add3A_188, %iota3A : vector<16xi32>
          %shift_right_arithmetic3A_190 = arith.constant 3 : i32
          %shift_right_arithmetic3A_191 = arith.shrsi %add3A_178, %shift_right_arithmetic3A_190 : i32
          %and3A_192 = arith.constant 7 : i32
          %and3A_193 = arith.andi %shift_right_arithmetic3A_191, %and3A_192 : i32
          %broadcast_in_dim3A_194 = vector.broadcast %and3A_193 : i32 to vector<16xi32>
          %gather3A_195 = tpu.vector_load_idx %arg7[%add3A_189, %broadcast_in_dim3A_194] : memref<2048x8xf32, #tpu.memory_space<vmem>>[vector<16xi32>, vector<16xi32>], vector<16xf32>,
          %mul3A_196 = arith.constant 16 : i32
          %mul3A_197 = arith.muli %add3A_178, %mul3A_196 : i32
          %swap3A_198 = arith.index_cast %mul3A_197 : i32 to index
          %swap3A_199 = tpu.vector_load %arg9[%swap3A_198] {strides = array<i32>} : memref<16384xf32, #tpu.memory_space<vmem>>, vector<16xf32>,
          tpu.vector_store %arg9[%swap3A_198], %gather3A_195 {strides = array<i32>} : memref<16384xf32, #tpu.memory_space<vmem>>, vector<16xf32>,
          %mul3A_200 = arith.constant 8 : i32
          %mul3A_201 = arith.muli %scan3A_128, %mul3A_200 : i32
          %add3A_202 = arith.constant 3 : i32
          %add3A_203 = arith.addi %mul3A_201, %add3A_202 : i32
          %shift_right_arithmetic3A_204 = arith.constant 6 : i32
          %shift_right_arithmetic3A_205 = arith.shrsi %add3A_203, %shift_right_arithmetic3A_204 : i32
          %mul3A_206 = arith.constant 128 : i32
          %mul3A_207 = arith.muli %shift_right_arithmetic3A_205, %mul3A_206 : i32
          %and3A_208 = arith.constant 7 : i32
          %and3A_209 = arith.andi %add3A_203, %and3A_208 : i32
          %mul3A_210 = arith.constant 16 : i32
          %mul3A_211 = arith.muli %and3A_209, %mul3A_210 : i32
          %add3A_212 = arith.addi %mul3A_207, %mul3A_211 : i32
          %add3A_213 = vector.broadcast %add3A_212 : i32 to vector<16xi32>
          %add3A_214 = arith.addi %add3A_213, %iota3A : vector<16xi32>
          %shift_right_arithmetic3A_215 = arith.constant 3 : i32
          %shift_right_arithmetic3A_216 = arith.shrsi %add3A_203, %shift_right_arithmetic3A_215 : i32
          %and3A_217 = arith.constant 7 : i32
          %and3A_218 = arith.andi %shift_right_arithmetic3A_216, %and3A_217 : i32
          %broadcast_in_dim3A_219 = vector.broadcast %and3A_218 : i32 to vector<16xi32>
          %gather3A_220 = tpu.vector_load_idx %arg7[%add3A_214, %broadcast_in_dim3A_219] : memref<2048x8xf32, #tpu.memory_space<vmem>>[vector<16xi32>, vector<16xi32>], vector<16xf32>,
          %mul3A_221 = arith.constant 16 : i32
          %mul3A_222 = arith.muli %add3A_203, %mul3A_221 : i32
          %swap3A_223 = arith.index_cast %mul3A_222 : i32 to index
          %swap3A_224 = tpu.vector_load %arg9[%swap3A_223] {strides = array<i32>} : memref<16384xf32, #tpu.memory_space<vmem>>, vector<16xf32>,
          tpu.vector_store %arg9[%swap3A_223], %gather3A_220 {strides = array<i32>} : memref<16384xf32, #tpu.memory_space<vmem>>, vector<16xf32>,
          %mul3A_225 = arith.constant 8 : i32
          %mul3A_226 = arith.muli %scan3A_128, %mul3A_225 : i32
          %add3A_227 = arith.constant 4 : i32
          %add3A_228 = arith.addi %mul3A_226, %add3A_227 : i32
          %shift_right_arithmetic3A_229 = arith.constant 6 : i32
          %shift_right_arithmetic3A_230 = arith.shrsi %add3A_228, %shift_right_arithmetic3A_229 : i32
          %mul3A_231 = arith.constant 128 : i32
          %mul3A_232 = arith.muli %shift_right_arithmetic3A_230, %mul3A_231 : i32
          %and3A_233 = arith.constant 7 : i32
          %and3A_234 = arith.andi %add3A_228, %and3A_233 : i32
          %mul3A_235 = arith.constant 16 : i32
          %mul3A_236 = arith.muli %and3A_234, %mul3A_235 : i32
          %add3A_237 = arith.addi %mul3A_232, %mul3A_236 : i32
          %add3A_238 = vector.broadcast %add3A_237 : i32 to vector<16xi32>
          %add3A_239 = arith.addi %add3A_238, %iota3A : vector<16xi32>
          %shift_right_arithmetic3A_240 = arith.constant 3 : i32
          %shift_right_arithmetic3A_241 = arith.shrsi %add3A_228, %shift_right_arithmetic3A_240 : i32
          %and3A_242 = arith.constant 7 : i32
          %and3A_243 = arith.andi %shift_right_arithmetic3A_241, %and3A_242 : i32
          %broadcast_in_dim3A_244 = vector.broadcast %and3A_243 : i32 to vector<16xi32>
          %gather3A_245 = tpu.vector_load_idx %arg7[%add3A_239, %broadcast_in_dim3A_244] : memref<2048x8xf32, #tpu.memory_space<vmem>>[vector<16xi32>, vector<16xi32>], vector<16xf32>,
          %mul3A_246 = arith.constant 16 : i32
          %mul3A_247 = arith.muli %add3A_228, %mul3A_246 : i32
          %swap3A_248 = arith.index_cast %mul3A_247 : i32 to index
          %swap3A_249 = tpu.vector_load %arg9[%swap3A_248] {strides = array<i32>} : memref<16384xf32, #tpu.memory_space<vmem>>, vector<16xf32>,
          tpu.vector_store %arg9[%swap3A_248], %gather3A_245 {strides = array<i32>} : memref<16384xf32, #tpu.memory_space<vmem>>, vector<16xf32>,
          %mul3A_250 = arith.constant 8 : i32
          %mul3A_251 = arith.muli %scan3A_128, %mul3A_250 : i32
          %add3A_252 = arith.constant 5 : i32
          %add3A_253 = arith.addi %mul3A_251, %add3A_252 : i32
          %shift_right_arithmetic3A_254 = arith.constant 6 : i32
          %shift_right_arithmetic3A_255 = arith.shrsi %add3A_253, %shift_right_arithmetic3A_254 : i32
          %mul3A_256 = arith.constant 128 : i32
          %mul3A_257 = arith.muli %shift_right_arithmetic3A_255, %mul3A_256 : i32
          %and3A_258 = arith.constant 7 : i32
          %and3A_259 = arith.andi %add3A_253, %and3A_258 : i32
          %mul3A_260 = arith.constant 16 : i32
          %mul3A_261 = arith.muli %and3A_259, %mul3A_260 : i32
          %add3A_262 = arith.addi %mul3A_257, %mul3A_261 : i32
          %add3A_263 = vector.broadcast %add3A_262 : i32 to vector<16xi32>
          %add3A_264 = arith.addi %add3A_263, %iota3A : vector<16xi32>
          %shift_right_arithmetic3A_265 = arith.constant 3 : i32
          %shift_right_arithmetic3A_266 = arith.shrsi %add3A_253, %shift_right_arithmetic3A_265 : i32
          %and3A_267 = arith.constant 7 : i32
          %and3A_268 = arith.andi %shift_right_arithmetic3A_266, %and3A_267 : i32
          %broadcast_in_dim3A_269 = vector.broadcast %and3A_268 : i32 to vector<16xi32>
          %gather3A_270 = tpu.vector_load_idx %arg7[%add3A_264, %broadcast_in_dim3A_269] : memref<2048x8xf32, #tpu.memory_space<vmem>>[vector<16xi32>, vector<16xi32>], vector<16xf32>,
          %mul3A_271 = arith.constant 16 : i32
          %mul3A_272 = arith.muli %add3A_253, %mul3A_271 : i32
          %swap3A_273 = arith.index_cast %mul3A_272 : i32 to index
          %swap3A_274 = tpu.vector_load %arg9[%swap3A_273] {strides = array<i32>} : memref<16384xf32, #tpu.memory_space<vmem>>, vector<16xf32>,
          tpu.vector_store %arg9[%swap3A_273], %gather3A_270 {strides = array<i32>} : memref<16384xf32, #tpu.memory_space<vmem>>, vector<16xf32>,
          %mul3A_275 = arith.constant 8 : i32
          %mul3A_276 = arith.muli %scan3A_128, %mul3A_275 : i32
          %add3A_277 = arith.constant 6 : i32
          %add3A_278 = arith.addi %mul3A_276, %add3A_277 : i32
          %shift_right_arithmetic3A_279 = arith.constant 6 : i32
          %shift_right_arithmetic3A_280 = arith.shrsi %add3A_278, %shift_right_arithmetic3A_279 : i32
          %mul3A_281 = arith.constant 128 : i32
          %mul3A_282 = arith.muli %shift_right_arithmetic3A_280, %mul3A_281 : i32
          %and3A_283 = arith.constant 7 : i32
          %and3A_284 = arith.andi %add3A_278, %and3A_283 : i32
          %mul3A_285 = arith.constant 16 : i32
          %mul3A_286 = arith.muli %and3A_284, %mul3A_285 : i32
          %add3A_287 = arith.addi %mul3A_282, %mul3A_286 : i32
          %add3A_288 = vector.broadcast %add3A_287 : i32 to vector<16xi32>
          %add3A_289 = arith.addi %add3A_288, %iota3A : vector<16xi32>
          %shift_right_arithmetic3A_290 = arith.constant 3 : i32
          %shift_right_arithmetic3A_291 = arith.shrsi %add3A_278, %shift_right_arithmetic3A_290 : i32
          %and3A_292 = arith.constant 7 : i32
          %and3A_293 = arith.andi %shift_right_arithmetic3A_291, %and3A_292 : i32
          %broadcast_in_dim3A_294 = vector.broadcast %and3A_293 : i32 to vector<16xi32>
          %gather3A_295 = tpu.vector_load_idx %arg7[%add3A_289, %broadcast_in_dim3A_294] : memref<2048x8xf32, #tpu.memory_space<vmem>>[vector<16xi32>, vector<16xi32>], vector<16xf32>,
          %mul3A_296 = arith.constant 16 : i32
          %mul3A_297 = arith.muli %add3A_278, %mul3A_296 : i32
          %swap3A_298 = arith.index_cast %mul3A_297 : i32 to index
          %swap3A_299 = tpu.vector_load %arg9[%swap3A_298] {strides = array<i32>} : memref<16384xf32, #tpu.memory_space<vmem>>, vector<16xf32>,
          tpu.vector_store %arg9[%swap3A_298], %gather3A_295 {strides = array<i32>} : memref<16384xf32, #tpu.memory_space<vmem>>, vector<16xf32>,
          %mul3A_300 = arith.constant 8 : i32
          %mul3A_301 = arith.muli %scan3A_128, %mul3A_300 : i32
          %add3A_302 = arith.constant 7 : i32
          %add3A_303 = arith.addi %mul3A_301, %add3A_302 : i32
          %shift_right_arithmetic3A_304 = arith.constant 6 : i32
          %shift_right_arithmetic3A_305 = arith.shrsi %add3A_303, %shift_right_arithmetic3A_304 : i32
          %mul3A_306 = arith.constant 128 : i32
          %mul3A_307 = arith.muli %shift_right_arithmetic3A_305, %mul3A_306 : i32
          %and3A_308 = arith.constant 7 : i32
          %and3A_309 = arith.andi %add3A_303, %and3A_308 : i32
          %mul3A_310 = arith.constant 16 : i32
          %mul3A_311 = arith.muli %and3A_309, %mul3A_310 : i32
          %add3A_312 = arith.addi %mul3A_307, %mul3A_311 : i32
          %add3A_313 = vector.broadcast %add3A_312 : i32 to vector<16xi32>
          %add3A_314 = arith.addi %add3A_313, %iota3A : vector<16xi32>
          %shift_right_arithmetic3A_315 = arith.constant 3 : i32
          %shift_right_arithmetic3A_316 = arith.shrsi %add3A_303, %shift_right_arithmetic3A_315 : i32
          %and3A_317 = arith.constant 7 : i32
          %and3A_318 = arith.andi %shift_right_arithmetic3A_316, %and3A_317 : i32
          %broadcast_in_dim3A_319 = vector.broadcast %and3A_318 : i32 to vector<16xi32>
          %gather3A_320 = tpu.vector_load_idx %arg7[%add3A_314, %broadcast_in_dim3A_319] : memref<2048x8xf32, #tpu.memory_space<vmem>>[vector<16xi32>, vector<16xi32>], vector<16xf32>,
          %mul3A_321 = arith.constant 16 : i32
          %mul3A_322 = arith.muli %add3A_303, %mul3A_321 : i32
          %swap3A_323 = arith.index_cast %mul3A_322 : i32 to index
          %swap3A_324 = tpu.vector_load %arg9[%swap3A_323] {strides = array<i32>} : memref<16384xf32, #tpu.memory_space<vmem>>, vector<16xf32>,
          tpu.vector_store %arg9[%swap3A_323], %gather3A_320 {strides = array<i32>} : memref<16384xf32, #tpu.memory_space<vmem>>, vector<16xf32>,
        }
        %scan3A_119 = arith.constant 128 : i32
        %mul3A_120 = arith.constant 2048 : i32
        %mul3A_121 = arith.muli %scan3A_81, %mul3A_120 : i32
        %add3A_122 = arith.addi %mul3A_2, %mul3A_121 : i32
        %multiple_of3A_123 = tpu.assume_multiple %add3A_122, 2048 : i32
        %mul3A_124 = arith.constant 8 : i32
        %mul3A_125 = arith.muli %multiple_of3A_123, %mul3A_124 : i32
        %dma_start3A_126 = tpu.memref_slice %arg4[%mul3A_125] : memref<67108864xf32, #tpu.memory_space<hbm>> -> memref<16384xf32, #tpu.memory_space<hbm>>
        %dma_start3A_127 = tpu.memref_slice %arg4[%mul3A_125] : memref<67108864xf32, #tpu.memory_space<hbm>> -> memref<16384xf32, #tpu.memory_space<hbm>>
        tpu.enqueue_dma source(%arg9 : memref<16384xf32, #tpu.memory_space<vmem>>) target(%dma_start3A_127 : memref<16384xf32, #tpu.memory_space<hbm>>) target_semaphore(%arg15 : memref<!tpu.dma_semaphore, #tpu.memory_space<semaphore_mem>>)
      } else {
      }
      %eq3A_86 = arith.constant 1 : i32
      %eq3A_87 = arith.cmpi eq, %rem3A_83, %eq3A_86 : i32
      %convert_element_type3A_88 = arith.extui %eq3A_87 : i1 to i32
      %cond3A_89 = arith.constant 0 : i32
      %cond3A_90 = arith.cmpi ne, %convert_element_type3A_88, %cond3A_89 : i32
      scf.if %cond3A_90 {
        %dma_wait3A_91 = arith.constant 0 : i32
        %dma_wait3A_92 = arith.constant 0 : i32
        %dma_wait3A_93 = tpu.memref_slice %arg2[%dma_wait3A_91, %dma_wait3A_92] : memref<8388608x8xf32, #tpu.memory_space<hbm>> -> memref<2048x8xf32, #tpu.memory_space<hbm>>
        %dma_wait3A_94 = arith.constant 0 : i32
        %dma_wait3A_95 = arith.constant 0 : i32
        %dma_wait3A_96 = tpu.memref_slice %arg2[%dma_wait3A_94, %dma_wait3A_95] : memref<8388608x8xf32, #tpu.memory_space<hbm>> -> memref<2048x8xf32, #tpu.memory_space<hbm>>
        tpu.wait_dma2 semaphore(%arg14 : memref<!tpu.dma_semaphore, #tpu.memory_space<semaphore_mem>>) src(%dma_wait3A_96 : memref<2048x8xf32, #tpu.memory_space<hbm>>) dst(%arg8 : memref<2048x8xf32, #tpu.memory_space<vmem>>)
        %add3A_97 = arith.constant 1 : i32
        %add3A_98 = arith.addi %scan3A_81, %add3A_97 : i32
        %lt3A = arith.constant 128 : i32
        %lt3A_99 = arith.cmpi slt, %add3A_98, %lt3A : i32
        %convert_element_type3A_100 = arith.extui %lt3A_99 : i1 to i32
        %cond3A_101 = arith.constant 0 : i32
        %cond3A_102 = arith.cmpi ne, %convert_element_type3A_100, %cond3A_101 : i32
        scf.if %cond3A_102 {
          %dma_wait3A_128 = arith.constant 0 : i32
          %dma_wait3A_129 = arith.constant 0 : i32
          %dma_wait3A_130 = tpu.memref_slice %arg3[%dma_wait3A_128, %dma_wait3A_129] : memref<65536x128xi32, #tpu.memory_space<hbm>> -> memref<16x128xi32, #tpu.memory_space<hbm>>
          %dma_wait3A_131 = arith.constant 0 : i32
          %dma_wait3A_132 = arith.constant 0 : i32
          %dma_wait3A_133 = tpu.memref_slice %arg3[%dma_wait3A_131, %dma_wait3A_132] : memref<65536x128xi32, #tpu.memory_space<hbm>> -> memref<16x128xi32, #tpu.memory_space<hbm>>
          tpu.wait_dma2 semaphore(%arg11 : memref<!tpu.dma_semaphore, #tpu.memory_space<semaphore_mem>>) src(%dma_wait3A_133 : memref<16x128xi32, #tpu.memory_space<hbm>>) dst(%arg5 : memref<16x128xi32, #tpu.memory_space<vmem>>)
          %scan3A_134 = arith.constant 0 : i32
          %scan3A_135 = arith.constant 0 : i32
          %scan3A_136 = arith.constant 16 : i32
          %scan3A_137 = arith.addi %scan3A_135, %scan3A_136 : i32
          %scan3A_138 = arith.constant 1 : i32
          scf.for %scan3A_140 = %scan3A_135 to %scan3A_137 step %scan3A_138  : i32 {
            %mul3A_141 = arith.constant 128 : i32
            %mul3A_142 = arith.muli %scan3A_140, %mul3A_141 : i32
            %dma_start3A_143 = arith.constant 0 : i32
            %dma_start3A_144 = tpu.memref_slice %arg7[%mul3A_142, %dma_start3A_143] : memref<2048x8xf32, #tpu.memory_space<vmem>> -> memref<128x8xf32, #tpu.memory_space<vmem>>
            %dma_start3A_145 = arith.constant 0 : i32
            %dma_start3A_146 = tpu.memref_slice %arg5[%scan3A_140, %dma_start3A_145] : memref<16x128xi32, #tpu.memory_space<vmem>> -> memref<1x128xi32, #tpu.memory_space<vmem>>
            %dma_start3A_147 = tpu.memref_squeeze %dma_start3A_146 : memref<1x128xi32, #tpu.memory_space<vmem>> -> memref<128xi32, #tpu.memory_space<vmem>>
            %dma_start3A_148 = arith.constant 0 : i32
            %dma_start3A_149 = arith.constant 0 : i32
            %dma_start3A_150 = tpu.memref_slice %arg2[%dma_start3A_148, %dma_start3A_149] : memref<8388608x8xf32, #tpu.memory_space<hbm>> -> memref<8388608x8xf32, #tpu.memory_space<hbm>>
            tpu.enqueue_indirect_dma source(%dma_start3A_150 : memref<8388608x8xf32, #tpu.memory_space<hbm>>) target(%dma_start3A_144 : memref<128x8xf32, #tpu.memory_space<vmem>>) offsets(%dma_start3A_147 : memref<128xi32, #tpu.memory_space<vmem>>) semaphore(%arg13 : memref<!tpu.dma_semaphore, #tpu.memory_space<semaphore_mem>>)
          }
          %scan3A_139 = arith.constant 16 : i32
        } else {
        }
        %add3A_103 = arith.constant 2 : i32
        %add3A_104 = arith.addi %scan3A_81, %add3A_103 : i32
        %lt3A_105 = arith.constant 128 : i32
        %lt3A_106 = arith.cmpi slt, %add3A_104, %lt3A_105 : i32
        %convert_element_type3A_107 = arith.extui %lt3A_106 : i1 to i32
        %cond3A_108 = arith.constant 0 : i32
        %cond3A_109 = arith.cmpi ne, %convert_element_type3A_107, %cond3A_108 : i32
        scf.if %cond3A_109 {
          %add3A_128 = arith.constant 2 : i32
          %add3A_129 = arith.addi %scan3A_81, %add3A_128 : i32
          %mul3A_130 = arith.constant 2048 : i32
          %mul3A_131 = arith.muli %add3A_129, %mul3A_130 : i32
          %add3A_132 = arith.addi %mul3A_2, %mul3A_131 : i32
          %multiple_of3A_133 = tpu.assume_multiple %add3A_132, 2048 : i32
          %jit3A_134 = arith.constant 128 : i32
          %div3A_135 = arith.divsi %multiple_of3A_133, %jit3A_134 : i32
          %sign3A_136 = arith.constant 0 : i32
          %sign3A_137 = arith.cmpi sgt, %multiple_of3A_133, %sign3A_136 : i32
          %sign3A_138 = arith.extui %sign3A_137 : i1 to i32
          %sign3A_139 = arith.constant 0 : i32
          %sign3A_140 = arith.cmpi slt, %multiple_of3A_133, %sign3A_139 : i32
          %sign3A_141 = arith.extui %sign3A_140 : i1 to i32
          %sign3A_142 = arith.subi %sign3A_138, %sign3A_141 : i32
          %sign3A_143 = arith.constant 0 : i32
          %sign3A_144 = arith.cmpi sgt, %jit3A_134, %sign3A_143 : i32
          %sign3A_145 = arith.extui %sign3A_144 : i1 to i32
          %sign3A_146 = arith.constant 0 : i32
          %sign3A_147 = arith.cmpi slt, %jit3A_134, %sign3A_146 : i32
          %sign3A_148 = arith.extui %sign3A_147 : i1 to i32
          %sign3A_149 = arith.subi %sign3A_145, %sign3A_148 : i32
          %ne3A_150 = arith.cmpi ne, %sign3A_142, %sign3A_149 : i32
          %rem3A_151 = arith.remsi %multiple_of3A_133, %jit3A_134 : i32
          %ne3A_152 = arith.constant 0 : i32
          %ne3A_153 = arith.cmpi ne, %rem3A_151, %ne3A_152 : i32
          %and3A_154 = arith.andi %ne3A_150, %ne3A_153 : i1
          %sub3A_155 = arith.constant 1 : i32
          %sub3A_156 = arith.subi %div3A_135, %sub3A_155 : i32
          %select_n3A_157 = arith.select %and3A_154, %sub3A_156, %div3A_135 : i32
          %multiple_of3A_158 = tpu.assume_multiple %select_n3A_157, 16 : i32
          %dma_start3A_159 = arith.constant 0 : i32
          %dma_start3A_160 = tpu.memref_slice %arg3[%multiple_of3A_158, %dma_start3A_159] : memref<65536x128xi32, #tpu.memory_space<hbm>> -> memref<16x128xi32, #tpu.memory_space<hbm>>
          %dma_start3A_161 = arith.constant 0 : i32
          %dma_start3A_162 = tpu.memref_slice %arg3[%multiple_of3A_158, %dma_start3A_161] : memref<65536x128xi32, #tpu.memory_space<hbm>> -> memref<16x128xi32, #tpu.memory_space<hbm>>
          tpu.enqueue_dma source(%dma_start3A_162 : memref<16x128xi32, #tpu.memory_space<hbm>>) target(%arg6 : memref<16x128xi32, #tpu.memory_space<vmem>>) target_semaphore(%arg12 : memref<!tpu.dma_semaphore, #tpu.memory_space<semaphore_mem>>)
        } else {
        }
        %ge3A = arith.constant 2 : i32
        %ge3A_110 = arith.cmpi sge, %scan3A_81, %ge3A : i32
        %convert_element_type3A_111 = arith.extui %ge3A_110 : i1 to i32
        %cond3A_112 = arith.constant 0 : i32
        %cond3A_113 = arith.cmpi ne, %convert_element_type3A_111, %cond3A_112 : i32
        scf.if %cond3A_113 {
          %dma_wait3A_128 = arith.constant 0 : i32
          %dma_wait3A_129 = tpu.memref_slice %arg4[%dma_wait3A_128] : memref<67108864xf32, #tpu.memory_space<hbm>> -> memref<16384xf32, #tpu.memory_space<hbm>>
          %dma_wait3A_130 = arith.constant 0 : i32
          %dma_wait3A_131 = tpu.memref_slice %arg4[%dma_wait3A_130] : memref<67108864xf32, #tpu.memory_space<hbm>> -> memref<16384xf32, #tpu.memory_space<hbm>>
          tpu.wait_dma2 semaphore(%arg16 : memref<!tpu.dma_semaphore, #tpu.memory_space<semaphore_mem>>) src(%dma_wait3A_131 : memref<16384xf32, #tpu.memory_space<hbm>>) dst(%arg10 : memref<16384xf32, #tpu.memory_space<vmem>>)
        } else {
        }
        %scan3A_114 = arith.constant 0 : i32
        %scan3A_115 = arith.constant 0 : i32
        %scan3A_116 = arith.constant 128 : i32
        %scan3A_117 = arith.addi %scan3A_115, %scan3A_116 : i32
        %scan3A_118 = arith.constant 1 : i32
        scf.for %scan3A_128 = %scan3A_115 to %scan3A_117 step %scan3A_118  : i32 {
          %mul3A_129 = arith.constant 8 : i32
          %mul3A_130 = arith.muli %scan3A_128, %mul3A_129 : i32
          %add3A_131 = arith.constant 0 : i32
          %add3A_132 = arith.addi %mul3A_130, %add3A_131 : i32
          %shift_right_arithmetic3A = arith.constant 6 : i32
          %shift_right_arithmetic3A_133 = arith.shrsi %add3A_132, %shift_right_arithmetic3A : i32
          %mul3A_134 = arith.constant 128 : i32
          %mul3A_135 = arith.muli %shift_right_arithmetic3A_133, %mul3A_134 : i32
          %and3A_136 = arith.constant 7 : i32
          %and3A_137 = arith.andi %add3A_132, %and3A_136 : i32
          %mul3A_138 = arith.constant 16 : i32
          %mul3A_139 = arith.muli %and3A_137, %mul3A_138 : i32
          %add3A_140 = arith.addi %mul3A_135, %mul3A_139 : i32
          %add3A_141 = vector.broadcast %add3A_140 : i32 to vector<16xi32>
          %add3A_142 = arith.addi %add3A_141, %iota3A : vector<16xi32>
          %shift_right_arithmetic3A_143 = arith.constant 3 : i32
          %shift_right_arithmetic3A_144 = arith.shrsi %add3A_132, %shift_right_arithmetic3A_143 : i32
          %and3A_145 = arith.constant 7 : i32
          %and3A_146 = arith.andi %shift_right_arithmetic3A_144, %and3A_145 : i32
          %broadcast_in_dim3A = vector.broadcast %and3A_146 : i32 to vector<16xi32>
          %gather3A = tpu.vector_load_idx %arg8[%add3A_142, %broadcast_in_dim3A] : memref<2048x8xf32, #tpu.memory_space<vmem>>[vector<16xi32>, vector<16xi32>], vector<16xf32>,
          %mul3A_147 = arith.constant 16 : i32
          %mul3A_148 = arith.muli %add3A_132, %mul3A_147 : i32
          %swap3A = arith.index_cast %mul3A_148 : i32 to index
          %swap3A_149 = tpu.vector_load %arg10[%swap3A] {strides = array<i32>} : memref<16384xf32, #tpu.memory_space<vmem>>, vector<16xf32>,
          tpu.vector_store %arg10[%swap3A], %gather3A {strides = array<i32>} : memref<16384xf32, #tpu.memory_space<vmem>>, vector<16xf32>,
          %mul3A_150 = arith.constant 8 : i32
          %mul3A_151 = arith.muli %scan3A_128, %mul3A_150 : i32
          %add3A_152 = arith.constant 1 : i32
          %add3A_153 = arith.addi %mul3A_151, %add3A_152 : i32
          %shift_right_arithmetic3A_154 = arith.constant 6 : i32
          %shift_right_arithmetic3A_155 = arith.shrsi %add3A_153, %shift_right_arithmetic3A_154 : i32
          %mul3A_156 = arith.constant 128 : i32
          %mul3A_157 = arith.muli %shift_right_arithmetic3A_155, %mul3A_156 : i32
          %and3A_158 = arith.constant 7 : i32
          %and3A_159 = arith.andi %add3A_153, %and3A_158 : i32
          %mul3A_160 = arith.constant 16 : i32
          %mul3A_161 = arith.muli %and3A_159, %mul3A_160 : i32
          %add3A_162 = arith.addi %mul3A_157, %mul3A_161 : i32
          %add3A_163 = vector.broadcast %add3A_162 : i32 to vector<16xi32>
          %add3A_164 = arith.addi %add3A_163, %iota3A : vector<16xi32>
          %shift_right_arithmetic3A_165 = arith.constant 3 : i32
          %shift_right_arithmetic3A_166 = arith.shrsi %add3A_153, %shift_right_arithmetic3A_165 : i32
          %and3A_167 = arith.constant 7 : i32
          %and3A_168 = arith.andi %shift_right_arithmetic3A_166, %and3A_167 : i32
          %broadcast_in_dim3A_169 = vector.broadcast %and3A_168 : i32 to vector<16xi32>
          %gather3A_170 = tpu.vector_load_idx %arg8[%add3A_164, %broadcast_in_dim3A_169] : memref<2048x8xf32, #tpu.memory_space<vmem>>[vector<16xi32>, vector<16xi32>], vector<16xf32>,
          %mul3A_171 = arith.constant 16 : i32
          %mul3A_172 = arith.muli %add3A_153, %mul3A_171 : i32
          %swap3A_173 = arith.index_cast %mul3A_172 : i32 to index
          %swap3A_174 = tpu.vector_load %arg10[%swap3A_173] {strides = array<i32>} : memref<16384xf32, #tpu.memory_space<vmem>>, vector<16xf32>,
          tpu.vector_store %arg10[%swap3A_173], %gather3A_170 {strides = array<i32>} : memref<16384xf32, #tpu.memory_space<vmem>>, vector<16xf32>,
          %mul3A_175 = arith.constant 8 : i32
          %mul3A_176 = arith.muli %scan3A_128, %mul3A_175 : i32
          %add3A_177 = arith.constant 2 : i32
          %add3A_178 = arith.addi %mul3A_176, %add3A_177 : i32
          %shift_right_arithmetic3A_179 = arith.constant 6 : i32
          %shift_right_arithmetic3A_180 = arith.shrsi %add3A_178, %shift_right_arithmetic3A_179 : i32
          %mul3A_181 = arith.constant 128 : i32
          %mul3A_182 = arith.muli %shift_right_arithmetic3A_180, %mul3A_181 : i32
          %and3A_183 = arith.constant 7 : i32
          %and3A_184 = arith.andi %add3A_178, %and3A_183 : i32
          %mul3A_185 = arith.constant 16 : i32
          %mul3A_186 = arith.muli %and3A_184, %mul3A_185 : i32
          %add3A_187 = arith.addi %mul3A_182, %mul3A_186 : i32
          %add3A_188 = vector.broadcast %add3A_187 : i32 to vector<16xi32>
          %add3A_189 = arith.addi %add3A_188, %iota3A : vector<16xi32>
          %shift_right_arithmetic3A_190 = arith.constant 3 : i32
          %shift_right_arithmetic3A_191 = arith.shrsi %add3A_178, %shift_right_arithmetic3A_190 : i32
          %and3A_192 = arith.constant 7 : i32
          %and3A_193 = arith.andi %shift_right_arithmetic3A_191, %and3A_192 : i32
          %broadcast_in_dim3A_194 = vector.broadcast %and3A_193 : i32 to vector<16xi32>
          %gather3A_195 = tpu.vector_load_idx %arg8[%add3A_189, %broadcast_in_dim3A_194] : memref<2048x8xf32, #tpu.memory_space<vmem>>[vector<16xi32>, vector<16xi32>], vector<16xf32>,
          %mul3A_196 = arith.constant 16 : i32
          %mul3A_197 = arith.muli %add3A_178, %mul3A_196 : i32
          %swap3A_198 = arith.index_cast %mul3A_197 : i32 to index
          %swap3A_199 = tpu.vector_load %arg10[%swap3A_198] {strides = array<i32>} : memref<16384xf32, #tpu.memory_space<vmem>>, vector<16xf32>,
          tpu.vector_store %arg10[%swap3A_198], %gather3A_195 {strides = array<i32>} : memref<16384xf32, #tpu.memory_space<vmem>>, vector<16xf32>,
          %mul3A_200 = arith.constant 8 : i32
          %mul3A_201 = arith.muli %scan3A_128, %mul3A_200 : i32
          %add3A_202 = arith.constant 3 : i32
          %add3A_203 = arith.addi %mul3A_201, %add3A_202 : i32
          %shift_right_arithmetic3A_204 = arith.constant 6 : i32
          %shift_right_arithmetic3A_205 = arith.shrsi %add3A_203, %shift_right_arithmetic3A_204 : i32
          %mul3A_206 = arith.constant 128 : i32
          %mul3A_207 = arith.muli %shift_right_arithmetic3A_205, %mul3A_206 : i32
          %and3A_208 = arith.constant 7 : i32
          %and3A_209 = arith.andi %add3A_203, %and3A_208 : i32
          %mul3A_210 = arith.constant 16 : i32
          %mul3A_211 = arith.muli %and3A_209, %mul3A_210 : i32
          %add3A_212 = arith.addi %mul3A_207, %mul3A_211 : i32
          %add3A_213 = vector.broadcast %add3A_212 : i32 to vector<16xi32>
          %add3A_214 = arith.addi %add3A_213, %iota3A : vector<16xi32>
          %shift_right_arithmetic3A_215 = arith.constant 3 : i32
          %shift_right_arithmetic3A_216 = arith.shrsi %add3A_203, %shift_right_arithmetic3A_215 : i32
          %and3A_217 = arith.constant 7 : i32
          %and3A_218 = arith.andi %shift_right_arithmetic3A_216, %and3A_217 : i32
          %broadcast_in_dim3A_219 = vector.broadcast %and3A_218 : i32 to vector<16xi32>
          %gather3A_220 = tpu.vector_load_idx %arg8[%add3A_214, %broadcast_in_dim3A_219] : memref<2048x8xf32, #tpu.memory_space<vmem>>[vector<16xi32>, vector<16xi32>], vector<16xf32>,
          %mul3A_221 = arith.constant 16 : i32
          %mul3A_222 = arith.muli %add3A_203, %mul3A_221 : i32
          %swap3A_223 = arith.index_cast %mul3A_222 : i32 to index
          %swap3A_224 = tpu.vector_load %arg10[%swap3A_223] {strides = array<i32>} : memref<16384xf32, #tpu.memory_space<vmem>>, vector<16xf32>,
          tpu.vector_store %arg10[%swap3A_223], %gather3A_220 {strides = array<i32>} : memref<16384xf32, #tpu.memory_space<vmem>>, vector<16xf32>,
          %mul3A_225 = arith.constant 8 : i32
          %mul3A_226 = arith.muli %scan3A_128, %mul3A_225 : i32
          %add3A_227 = arith.constant 4 : i32
          %add3A_228 = arith.addi %mul3A_226, %add3A_227 : i32
          %shift_right_arithmetic3A_229 = arith.constant 6 : i32
          %shift_right_arithmetic3A_230 = arith.shrsi %add3A_228, %shift_right_arithmetic3A_229 : i32
          %mul3A_231 = arith.constant 128 : i32
          %mul3A_232 = arith.muli %shift_right_arithmetic3A_230, %mul3A_231 : i32
          %and3A_233 = arith.constant 7 : i32
          %and3A_234 = arith.andi %add3A_228, %and3A_233 : i32
          %mul3A_235 = arith.constant 16 : i32
          %mul3A_236 = arith.muli %and3A_234, %mul3A_235 : i32
          %add3A_237 = arith.addi %mul3A_232, %mul3A_236 : i32
          %add3A_238 = vector.broadcast %add3A_237 : i32 to vector<16xi32>
          %add3A_239 = arith.addi %add3A_238, %iota3A : vector<16xi32>
          %shift_right_arithmetic3A_240 = arith.constant 3 : i32
          %shift_right_arithmetic3A_241 = arith.shrsi %add3A_228, %shift_right_arithmetic3A_240 : i32
          %and3A_242 = arith.constant 7 : i32
          %and3A_243 = arith.andi %shift_right_arithmetic3A_241, %and3A_242 : i32
          %broadcast_in_dim3A_244 = vector.broadcast %and3A_243 : i32 to vector<16xi32>
          %gather3A_245 = tpu.vector_load_idx %arg8[%add3A_239, %broadcast_in_dim3A_244] : memref<2048x8xf32, #tpu.memory_space<vmem>>[vector<16xi32>, vector<16xi32>], vector<16xf32>,
          %mul3A_246 = arith.constant 16 : i32
          %mul3A_247 = arith.muli %add3A_228, %mul3A_246 : i32
          %swap3A_248 = arith.index_cast %mul3A_247 : i32 to index
          %swap3A_249 = tpu.vector_load %arg10[%swap3A_248] {strides = array<i32>} : memref<16384xf32, #tpu.memory_space<vmem>>, vector<16xf32>,
          tpu.vector_store %arg10[%swap3A_248], %gather3A_245 {strides = array<i32>} : memref<16384xf32, #tpu.memory_space<vmem>>, vector<16xf32>,
          %mul3A_250 = arith.constant 8 : i32
          %mul3A_251 = arith.muli %scan3A_128, %mul3A_250 : i32
          %add3A_252 = arith.constant 5 : i32
          %add3A_253 = arith.addi %mul3A_251, %add3A_252 : i32
          %shift_right_arithmetic3A_254 = arith.constant 6 : i32
          %shift_right_arithmetic3A_255 = arith.shrsi %add3A_253, %shift_right_arithmetic3A_254 : i32
          %mul3A_256 = arith.constant 128 : i32
          %mul3A_257 = arith.muli %shift_right_arithmetic3A_255, %mul3A_256 : i32
          %and3A_258 = arith.constant 7 : i32
          %and3A_259 = arith.andi %add3A_253, %and3A_258 : i32
          %mul3A_260 = arith.constant 16 : i32
          %mul3A_261 = arith.muli %and3A_259, %mul3A_260 : i32
          %add3A_262 = arith.addi %mul3A_257, %mul3A_261 : i32
          %add3A_263 = vector.broadcast %add3A_262 : i32 to vector<16xi32>
          %add3A_264 = arith.addi %add3A_263, %iota3A : vector<16xi32>
          %shift_right_arithmetic3A_265 = arith.constant 3 : i32
          %shift_right_arithmetic3A_266 = arith.shrsi %add3A_253, %shift_right_arithmetic3A_265 : i32
          %and3A_267 = arith.constant 7 : i32
          %and3A_268 = arith.andi %shift_right_arithmetic3A_266, %and3A_267 : i32
          %broadcast_in_dim3A_269 = vector.broadcast %and3A_268 : i32 to vector<16xi32>
          %gather3A_270 = tpu.vector_load_idx %arg8[%add3A_264, %broadcast_in_dim3A_269] : memref<2048x8xf32, #tpu.memory_space<vmem>>[vector<16xi32>, vector<16xi32>], vector<16xf32>,
          %mul3A_271 = arith.constant 16 : i32
          %mul3A_272 = arith.muli %add3A_253, %mul3A_271 : i32
          %swap3A_273 = arith.index_cast %mul3A_272 : i32 to index
          %swap3A_274 = tpu.vector_load %arg10[%swap3A_273] {strides = array<i32>} : memref<16384xf32, #tpu.memory_space<vmem>>, vector<16xf32>,
          tpu.vector_store %arg10[%swap3A_273], %gather3A_270 {strides = array<i32>} : memref<16384xf32, #tpu.memory_space<vmem>>, vector<16xf32>,
          %mul3A_275 = arith.constant 8 : i32
          %mul3A_276 = arith.muli %scan3A_128, %mul3A_275 : i32
          %add3A_277 = arith.constant 6 : i32
          %add3A_278 = arith.addi %mul3A_276, %add3A_277 : i32
          %shift_right_arithmetic3A_279 = arith.constant 6 : i32
          %shift_right_arithmetic3A_280 = arith.shrsi %add3A_278, %shift_right_arithmetic3A_279 : i32
          %mul3A_281 = arith.constant 128 : i32
          %mul3A_282 = arith.muli %shift_right_arithmetic3A_280, %mul3A_281 : i32
          %and3A_283 = arith.constant 7 : i32
          %and3A_284 = arith.andi %add3A_278, %and3A_283 : i32
          %mul3A_285 = arith.constant 16 : i32
          %mul3A_286 = arith.muli %and3A_284, %mul3A_285 : i32
          %add3A_287 = arith.addi %mul3A_282, %mul3A_286 : i32
          %add3A_288 = vector.broadcast %add3A_287 : i32 to vector<16xi32>
          %add3A_289 = arith.addi %add3A_288, %iota3A : vector<16xi32>
          %shift_right_arithmetic3A_290 = arith.constant 3 : i32
          %shift_right_arithmetic3A_291 = arith.shrsi %add3A_278, %shift_right_arithmetic3A_290 : i32
          %and3A_292 = arith.constant 7 : i32
          %and3A_293 = arith.andi %shift_right_arithmetic3A_291, %and3A_292 : i32
          %broadcast_in_dim3A_294 = vector.broadcast %and3A_293 : i32 to vector<16xi32>
          %gather3A_295 = tpu.vector_load_idx %arg8[%add3A_289, %broadcast_in_dim3A_294] : memref<2048x8xf32, #tpu.memory_space<vmem>>[vector<16xi32>, vector<16xi32>], vector<16xf32>,
          %mul3A_296 = arith.constant 16 : i32
          %mul3A_297 = arith.muli %add3A_278, %mul3A_296 : i32
          %swap3A_298 = arith.index_cast %mul3A_297 : i32 to index
          %swap3A_299 = tpu.vector_load %arg10[%swap3A_298] {strides = array<i32>} : memref<16384xf32, #tpu.memory_space<vmem>>, vector<16xf32>,
          tpu.vector_store %arg10[%swap3A_298], %gather3A_295 {strides = array<i32>} : memref<16384xf32, #tpu.memory_space<vmem>>, vector<16xf32>,
          %mul3A_300 = arith.constant 8 : i32
          %mul3A_301 = arith.muli %scan3A_128, %mul3A_300 : i32
          %add3A_302 = arith.constant 7 : i32
          %add3A_303 = arith.addi %mul3A_301, %add3A_302 : i32
          %shift_right_arithmetic3A_304 = arith.constant 6 : i32
          %shift_right_arithmetic3A_305 = arith.shrsi %add3A_303, %shift_right_arithmetic3A_304 : i32
          %mul3A_306 = arith.constant 128 : i32
          %mul3A_307 = arith.muli %shift_right_arithmetic3A_305, %mul3A_306 : i32
          %and3A_308 = arith.constant 7 : i32
          %and3A_309 = arith.andi %add3A_303, %and3A_308 : i32
          %mul3A_310 = arith.constant 16 : i32
          %mul3A_311 = arith.muli %and3A_309, %mul3A_310 : i32
          %add3A_312 = arith.addi %mul3A_307, %mul3A_311 : i32
          %add3A_313 = vector.broadcast %add3A_312 : i32 to vector<16xi32>
          %add3A_314 = arith.addi %add3A_313, %iota3A : vector<16xi32>
          %shift_right_arithmetic3A_315 = arith.constant 3 : i32
          %shift_right_arithmetic3A_316 = arith.shrsi %add3A_303, %shift_right_arithmetic3A_315 : i32
          %and3A_317 = arith.constant 7 : i32
          %and3A_318 = arith.andi %shift_right_arithmetic3A_316, %and3A_317 : i32
          %broadcast_in_dim3A_319 = vector.broadcast %and3A_318 : i32 to vector<16xi32>
          %gather3A_320 = tpu.vector_load_idx %arg8[%add3A_314, %broadcast_in_dim3A_319] : memref<2048x8xf32, #tpu.memory_space<vmem>>[vector<16xi32>, vector<16xi32>], vector<16xf32>,
          %mul3A_321 = arith.constant 16 : i32
          %mul3A_322 = arith.muli %add3A_303, %mul3A_321 : i32
          %swap3A_323 = arith.index_cast %mul3A_322 : i32 to index
          %swap3A_324 = tpu.vector_load %arg10[%swap3A_323] {strides = array<i32>} : memref<16384xf32, #tpu.memory_space<vmem>>, vector<16xf32>,
          tpu.vector_store %arg10[%swap3A_323], %gather3A_320 {strides = array<i32>} : memref<16384xf32, #tpu.memory_space<vmem>>, vector<16xf32>,
        }
        %scan3A_119 = arith.constant 128 : i32
        %mul3A_120 = arith.constant 2048 : i32
        %mul3A_121 = arith.muli %scan3A_81, %mul3A_120 : i32
        %add3A_122 = arith.addi %mul3A_2, %mul3A_121 : i32
        %multiple_of3A_123 = tpu.assume_multiple %add3A_122, 2048 : i32
        %mul3A_124 = arith.constant 8 : i32
        %mul3A_125 = arith.muli %multiple_of3A_123, %mul3A_124 : i32
        %dma_start3A_126 = tpu.memref_slice %arg4[%mul3A_125] : memref<67108864xf32, #tpu.memory_space<hbm>> -> memref<16384xf32, #tpu.memory_space<hbm>>
        %dma_start3A_127 = tpu.memref_slice %arg4[%mul3A_125] : memref<67108864xf32, #tpu.memory_space<hbm>> -> memref<16384xf32, #tpu.memory_space<hbm>>
        tpu.enqueue_dma source(%arg10 : memref<16384xf32, #tpu.memory_space<vmem>>) target(%dma_start3A_127 : memref<16384xf32, #tpu.memory_space<hbm>>) target_semaphore(%arg16 : memref<!tpu.dma_semaphore, #tpu.memory_space<semaphore_mem>>)
      } else {
      }
    }
    %scan3A_72 = arith.constant 128 : i32
    %dma_wait3A_73 = arith.constant 0 : i32
    %dma_wait3A_74 = tpu.memref_slice %arg4[%dma_wait3A_73] : memref<67108864xf32, #tpu.memory_space<hbm>> -> memref<16384xf32, #tpu.memory_space<hbm>>
    %dma_wait3A_75 = arith.constant 0 : i32
    %dma_wait3A_76 = tpu.memref_slice %arg4[%dma_wait3A_75] : memref<67108864xf32, #tpu.memory_space<hbm>> -> memref<16384xf32, #tpu.memory_space<hbm>>
    tpu.wait_dma2 semaphore(%arg15 : memref<!tpu.dma_semaphore, #tpu.memory_space<semaphore_mem>>) src(%dma_wait3A_76 : memref<16384xf32, #tpu.memory_space<hbm>>) dst(%arg9 : memref<16384xf32, #tpu.memory_space<vmem>>)
    %dma_wait3A_77 = arith.constant 0 : i32
    %dma_wait3A_78 = tpu.memref_slice %arg4[%dma_wait3A_77] : memref<67108864xf32, #tpu.memory_space<hbm>> -> memref<16384xf32, #tpu.memory_space<hbm>>
    %dma_wait3A_79 = arith.constant 0 : i32
    %dma_wait3A_80 = tpu.memref_slice %arg4[%dma_wait3A_79] : memref<67108864xf32, #tpu.memory_space<hbm>> -> memref<16384xf32, #tpu.memory_space<hbm>>
    tpu.wait_dma2 semaphore(%arg16 : memref<!tpu.dma_semaphore, #tpu.memory_space<semaphore_mem>>) src(%dma_wait3A_80 : memref<16384xf32, #tpu.memory_space<hbm>>) dst(%arg10 : memref<16384xf32, #tpu.memory_space<vmem>>)
    return
  }
}

module attributes {stable_mosaic.version = 14 : i64} {
  func.func @_idx_body(%arg0: i32, %arg1: i32, %arg2: memref<4x12xf32, #tpu.memory_space<smem>>, %arg3: memref<1x1x128x128xi32, #tpu.memory_space<vmem>>) attributes {dimension_semantics = [#tpu.dimension_semantics<arbitrary>, #tpu.dimension_semantics<arbitrary>], iteration_bounds = array<i64: 4, 128>, scalar_prefetch = 0 : i64, scratch_operands = 0 : i64, tpu.core_type = #tpu.core_type<tc>, window_params = [{transform_indices = @transform_0, window_bounds = array<i64: 4, 12>}, {transform_indices = @transform_1, window_bounds = array<i64: 1, 1, 128, 128>}]} {
    %convert_element_type3A = arith.sitofp %arg1 : i32 to f32
    %mul3A = arith.constant 0.0157480314 : f32
    %mul3A_0 = arith.mulf %convert_element_type3A, %mul3A : f32
    %sub3A = arith.constant 1.000000e+00 : f32
    %sub3A_1 = arith.subf %mul3A_0, %sub3A : f32
    %convert_element_type3A_2 = arith.truncf %sub3A_1 : f32 to bf16
    %convert_element_type3A_3 = arith.extf %convert_element_type3A_2 : bf16 to f32
    %iota3A = tpu.iota {dimensions = array<i32: 0>} : vector<128x128xi32>
    %convert_element_type3A_4 = arith.sitofp %iota3A : vector<128x128xi32> to vector<128x128xf32>
    %mul3A_5 = arith.constant 0.0157480314 : f32
    %mul3A_6 = vector.broadcast %mul3A_5 : f32 to vector<128x128xf32>
    %mul3A_7 = arith.mulf %convert_element_type3A_4, %mul3A_6 : vector<128x128xf32>
    %sub3A_8 = arith.constant 1.000000e+00 : f32
    %sub3A_9 = vector.broadcast %sub3A_8 : f32 to vector<128x128xf32>
    %sub3A_10 = arith.subf %mul3A_7, %sub3A_9 : vector<128x128xf32>
    %convert_element_type3A_11 = arith.truncf %sub3A_10 : vector<128x128xf32> to vector<128x128xbf16>
    %convert_element_type3A_12 = arith.extf %convert_element_type3A_11 : vector<128x128xbf16> to vector<128x128xf32>
    %iota3A_13 = tpu.iota {dimensions = array<i32: 1>} : vector<128x128xi32>
    %convert_element_type3A_14 = arith.sitofp %iota3A_13 : vector<128x128xi32> to vector<128x128xf32>
    %mul3A_15 = arith.constant 0.0157480314 : f32
    %mul3A_16 = vector.broadcast %mul3A_15 : f32 to vector<128x128xf32>
    %mul3A_17 = arith.mulf %convert_element_type3A_14, %mul3A_16 : vector<128x128xf32>
    %sub3A_18 = arith.constant 1.000000e+00 : f32
    %sub3A_19 = vector.broadcast %sub3A_18 : f32 to vector<128x128xf32>
    %sub3A_20 = arith.subf %mul3A_17, %sub3A_19 : vector<128x128xf32>
    %convert_element_type3A_21 = arith.truncf %sub3A_20 : vector<128x128xf32> to vector<128x128xbf16>
    %convert_element_type3A_22 = arith.extf %convert_element_type3A_21 : vector<128x128xbf16> to vector<128x128xf32>
    %get3A = arith.index_cast %arg0 : i32 to index
    %get3A_23 = arith.constant 0 : index
    %get3A_24 = memref.load %arg2[%get3A, %get3A_23] : memref<4x12xf32, #tpu.memory_space<smem>>
    %convert_element_type3A_25 = arith.truncf %get3A_24 : f32 to bf16
    %convert_element_type3A_26 = arith.extf %convert_element_type3A_25 : bf16 to f32
    %mul3A_27 = arith.mulf %convert_element_type3A_26, %convert_element_type3A_3 : f32
    %get3A_28 = arith.index_cast %arg0 : i32 to index
    %get3A_29 = arith.constant 1 : index
    %get3A_30 = memref.load %arg2[%get3A_28, %get3A_29] : memref<4x12xf32, #tpu.memory_space<smem>>
    %convert_element_type3A_31 = arith.truncf %get3A_30 : f32 to bf16
    %convert_element_type3A_32 = arith.extf %convert_element_type3A_31 : bf16 to f32
    %mul3A_33 = vector.broadcast %convert_element_type3A_32 : f32 to vector<128x128xf32>
    %mul3A_34 = arith.mulf %mul3A_33, %convert_element_type3A_12 : vector<128x128xf32>
    %get3A_35 = arith.index_cast %arg0 : i32 to index
    %get3A_36 = arith.constant 2 : index
    %get3A_37 = memref.load %arg2[%get3A_35, %get3A_36] : memref<4x12xf32, #tpu.memory_space<smem>>
    %convert_element_type3A_38 = arith.truncf %get3A_37 : f32 to bf16
    %convert_element_type3A_39 = arith.extf %convert_element_type3A_38 : bf16 to f32
    %mul3A_40 = vector.broadcast %convert_element_type3A_39 : f32 to vector<128x128xf32>
    %mul3A_41 = arith.mulf %mul3A_40, %convert_element_type3A_22 : vector<128x128xf32>
    %add3A = vector.broadcast %mul3A_27 : f32 to vector<128x128xf32>
    %add3A_42 = arith.addf %add3A, %mul3A_34 : vector<128x128xf32>
    %add3A_43 = arith.addf %add3A_42, %mul3A_41 : vector<128x128xf32>
    %get3A_44 = arith.index_cast %arg0 : i32 to index
    %get3A_45 = arith.constant 9 : index
    %get3A_46 = memref.load %arg2[%get3A_44, %get3A_45] : memref<4x12xf32, #tpu.memory_space<smem>>
    %add3A_47 = vector.broadcast %get3A_46 : f32 to vector<128x128xf32>
    %add3A_48 = arith.addf %add3A_43, %add3A_47 : vector<128x128xf32>
    %add3A_49 = arith.constant 1.000000e+00 : f32
    %add3A_50 = vector.broadcast %add3A_49 : f32 to vector<128x128xf32>
    %add3A_51 = arith.addf %add3A_48, %add3A_50 : vector<128x128xf32>
    %mul3A_52 = arith.constant 5.000000e-01 : f32
    %mul3A_53 = vector.broadcast %mul3A_52 : f32 to vector<128x128xf32>
    %mul3A_54 = arith.mulf %mul3A_53, %add3A_51 : vector<128x128xf32>
    %mul3A_55 = arith.constant 1.270000e+02 : f32
    %mul3A_56 = vector.broadcast %mul3A_55 : f32 to vector<128x128xf32>
    %mul3A_57 = arith.mulf %mul3A_54, %mul3A_56 : vector<128x128xf32>
    %get3A_58 = arith.index_cast %arg0 : i32 to index
    %get3A_59 = arith.constant 3 : index
    %get3A_60 = memref.load %arg2[%get3A_58, %get3A_59] : memref<4x12xf32, #tpu.memory_space<smem>>
    %convert_element_type3A_61 = arith.truncf %get3A_60 : f32 to bf16
    %convert_element_type3A_62 = arith.extf %convert_element_type3A_61 : bf16 to f32
    %mul3A_63 = arith.mulf %convert_element_type3A_62, %convert_element_type3A_3 : f32
    %get3A_64 = arith.index_cast %arg0 : i32 to index
    %get3A_65 = arith.constant 4 : index
    %get3A_66 = memref.load %arg2[%get3A_64, %get3A_65] : memref<4x12xf32, #tpu.memory_space<smem>>
    %convert_element_type3A_67 = arith.truncf %get3A_66 : f32 to bf16
    %convert_element_type3A_68 = arith.extf %convert_element_type3A_67 : bf16 to f32
    %mul3A_69 = vector.broadcast %convert_element_type3A_68 : f32 to vector<128x128xf32>
    %mul3A_70 = arith.mulf %mul3A_69, %convert_element_type3A_12 : vector<128x128xf32>
    %get3A_71 = arith.index_cast %arg0 : i32 to index
    %get3A_72 = arith.constant 5 : index
    %get3A_73 = memref.load %arg2[%get3A_71, %get3A_72] : memref<4x12xf32, #tpu.memory_space<smem>>
    %convert_element_type3A_74 = arith.truncf %get3A_73 : f32 to bf16
    %convert_element_type3A_75 = arith.extf %convert_element_type3A_74 : bf16 to f32
    %mul3A_76 = vector.broadcast %convert_element_type3A_75 : f32 to vector<128x128xf32>
    %mul3A_77 = arith.mulf %mul3A_76, %convert_element_type3A_22 : vector<128x128xf32>
    %add3A_78 = vector.broadcast %mul3A_63 : f32 to vector<128x128xf32>
    %add3A_79 = arith.addf %add3A_78, %mul3A_70 : vector<128x128xf32>
    %add3A_80 = arith.addf %add3A_79, %mul3A_77 : vector<128x128xf32>
    %get3A_81 = arith.index_cast %arg0 : i32 to index
    %get3A_82 = arith.constant 10 : index
    %get3A_83 = memref.load %arg2[%get3A_81, %get3A_82] : memref<4x12xf32, #tpu.memory_space<smem>>
    %add3A_84 = vector.broadcast %get3A_83 : f32 to vector<128x128xf32>
    %add3A_85 = arith.addf %add3A_80, %add3A_84 : vector<128x128xf32>
    %add3A_86 = arith.constant 1.000000e+00 : f32
    %add3A_87 = vector.broadcast %add3A_86 : f32 to vector<128x128xf32>
    %add3A_88 = arith.addf %add3A_85, %add3A_87 : vector<128x128xf32>
    %mul3A_89 = arith.constant 5.000000e-01 : f32
    %mul3A_90 = vector.broadcast %mul3A_89 : f32 to vector<128x128xf32>
    %mul3A_91 = arith.mulf %mul3A_90, %add3A_88 : vector<128x128xf32>
    %mul3A_92 = arith.constant 1.270000e+02 : f32
    %mul3A_93 = vector.broadcast %mul3A_92 : f32 to vector<128x128xf32>
    %mul3A_94 = arith.mulf %mul3A_91, %mul3A_93 : vector<128x128xf32>
    %get3A_95 = arith.index_cast %arg0 : i32 to index
    %get3A_96 = arith.constant 6 : index
    %get3A_97 = memref.load %arg2[%get3A_95, %get3A_96] : memref<4x12xf32, #tpu.memory_space<smem>>
    %convert_element_type3A_98 = arith.truncf %get3A_97 : f32 to bf16
    %convert_element_type3A_99 = arith.extf %convert_element_type3A_98 : bf16 to f32
    %mul3A_100 = arith.mulf %convert_element_type3A_99, %convert_element_type3A_3 : f32
    %get3A_101 = arith.index_cast %arg0 : i32 to index
    %get3A_102 = arith.constant 7 : index
    %get3A_103 = memref.load %arg2[%get3A_101, %get3A_102] : memref<4x12xf32, #tpu.memory_space<smem>>
    %convert_element_type3A_104 = arith.truncf %get3A_103 : f32 to bf16
    %convert_element_type3A_105 = arith.extf %convert_element_type3A_104 : bf16 to f32
    %mul3A_106 = vector.broadcast %convert_element_type3A_105 : f32 to vector<128x128xf32>
    %mul3A_107 = arith.mulf %mul3A_106, %convert_element_type3A_12 : vector<128x128xf32>
    %get3A_108 = arith.index_cast %arg0 : i32 to index
    %get3A_109 = arith.constant 8 : index
    %get3A_110 = memref.load %arg2[%get3A_108, %get3A_109] : memref<4x12xf32, #tpu.memory_space<smem>>
    %convert_element_type3A_111 = arith.truncf %get3A_110 : f32 to bf16
    %convert_element_type3A_112 = arith.extf %convert_element_type3A_111 : bf16 to f32
    %mul3A_113 = vector.broadcast %convert_element_type3A_112 : f32 to vector<128x128xf32>
    %mul3A_114 = arith.mulf %mul3A_113, %convert_element_type3A_22 : vector<128x128xf32>
    %add3A_115 = vector.broadcast %mul3A_100 : f32 to vector<128x128xf32>
    %add3A_116 = arith.addf %add3A_115, %mul3A_107 : vector<128x128xf32>
    %add3A_117 = arith.addf %add3A_116, %mul3A_114 : vector<128x128xf32>
    %get3A_118 = arith.index_cast %arg0 : i32 to index
    %get3A_119 = arith.constant 11 : index
    %get3A_120 = memref.load %arg2[%get3A_118, %get3A_119] : memref<4x12xf32, #tpu.memory_space<smem>>
    %add3A_121 = vector.broadcast %get3A_120 : f32 to vector<128x128xf32>
    %add3A_122 = arith.addf %add3A_117, %add3A_121 : vector<128x128xf32>
    %add3A_123 = arith.constant 1.000000e+00 : f32
    %add3A_124 = vector.broadcast %add3A_123 : f32 to vector<128x128xf32>
    %add3A_125 = arith.addf %add3A_122, %add3A_124 : vector<128x128xf32>
    %mul3A_126 = arith.constant 5.000000e-01 : f32
    %mul3A_127 = vector.broadcast %mul3A_126 : f32 to vector<128x128xf32>
    %mul3A_128 = arith.mulf %mul3A_127, %add3A_125 : vector<128x128xf32>
    %mul3A_129 = arith.constant 1.270000e+02 : f32
    %mul3A_130 = vector.broadcast %mul3A_129 : f32 to vector<128x128xf32>
    %mul3A_131 = arith.mulf %mul3A_128, %mul3A_130 : vector<128x128xf32>
    %floor3A = math.floor %mul3A_57 : vector<128x128xf32>
    %convert_element_type3A_132 = arith.fptosi %floor3A : vector<128x128xf32> to vector<128x128xi32>
    %jit3A = arith.constant 0 : i32
    %jit3A_133 = arith.constant 127 : i32
    %max3A = vector.broadcast %jit3A : i32 to vector<128x128xi32>
    %max3A_134 = arith.maxsi %max3A, %convert_element_type3A_132 : vector<128x128xi32>
    %min3A = vector.broadcast %jit3A_133 : i32 to vector<128x128xi32>
    %min3A_135 = arith.minsi %min3A, %max3A_134 : vector<128x128xi32>
    %floor3A_136 = math.floor %mul3A_94 : vector<128x128xf32>
    %convert_element_type3A_137 = arith.fptosi %floor3A_136 : vector<128x128xf32> to vector<128x128xi32>
    %jit3A_138 = arith.constant 0 : i32
    %jit3A_139 = arith.constant 127 : i32
    %max3A_140 = vector.broadcast %jit3A_138 : i32 to vector<128x128xi32>
    %max3A_141 = arith.maxsi %max3A_140, %convert_element_type3A_137 : vector<128x128xi32>
    %min3A_142 = vector.broadcast %jit3A_139 : i32 to vector<128x128xi32>
    %min3A_143 = arith.minsi %min3A_142, %max3A_141 : vector<128x128xi32>
    %floor3A_144 = math.floor %mul3A_131 : vector<128x128xf32>
    %convert_element_type3A_145 = arith.fptosi %floor3A_144 : vector<128x128xf32> to vector<128x128xi32>
    %jit3A_146 = arith.constant 0 : i32
    %jit3A_147 = arith.constant 127 : i32
    %max3A_148 = vector.broadcast %jit3A_146 : i32 to vector<128x128xi32>
    %max3A_149 = arith.maxsi %max3A_148, %convert_element_type3A_145 : vector<128x128xi32>
    %min3A_150 = vector.broadcast %jit3A_147 : i32 to vector<128x128xi32>
    %min3A_151 = arith.minsi %min3A_150, %max3A_149 : vector<128x128xi32>
    %mul3A_152 = arith.constant 128 : i32
    %mul3A_153 = arith.muli %arg0, %mul3A_152 : i32
    %add3A_154 = vector.broadcast %mul3A_153 : i32 to vector<128x128xi32>
    %add3A_155 = arith.addi %add3A_154, %min3A_135 : vector<128x128xi32>
    %mul3A_156 = arith.constant 128 : i32
    %mul3A_157 = vector.broadcast %mul3A_156 : i32 to vector<128x128xi32>
    %mul3A_158 = arith.muli %add3A_155, %mul3A_157 : vector<128x128xi32>
    %add3A_159 = arith.addi %mul3A_158, %min3A_143 : vector<128x128xi32>
    %mul3A_160 = arith.constant 128 : i32
    %mul3A_161 = vector.broadcast %mul3A_160 : i32 to vector<128x128xi32>
    %mul3A_162 = arith.muli %add3A_159, %mul3A_161 : vector<128x128xi32>
    %add3A_163 = arith.addi %mul3A_162, %min3A_151 : vector<128x128xi32>
    %swap3A = arith.constant 0 : index
    %swap3A_164 = arith.constant 0 : index
    %swap3A_165 = arith.constant 0 : index
    %swap3A_166 = arith.constant 0 : index
    %swap3A_167 = vector.load %arg3[%swap3A, %swap3A_164, %swap3A_165, %swap3A_166] : memref<1x1x128x128xi32, #tpu.memory_space<vmem>>, vector<1x1x128x128xi32>
    %swap3A_168 = vector.shape_cast %swap3A_167 : vector<1x1x128x128xi32> to vector<128x128xi32>
    %swap3A_169 = vector.shape_cast %add3A_163 : vector<128x128xi32> to vector<1x1x128x128xi32>
    tpu.vector_store %arg3[%swap3A, %swap3A_164, %swap3A_165, %swap3A_166], %swap3A_169 {strides = array<i32>} : memref<1x1x128x128xi32, #tpu.memory_space<vmem>>, vector<1x1x128x128xi32>,
    return
  }
  func.func @transform_0(%arg0: i32, %arg1: i32) -> (i32, i32) {
    %c0_i32 = arith.constant 0 : i32
    %c0_i32_0 = arith.constant 0 : i32
    %c0_i32_1 = arith.constant 0 : i32
    return %c0_i32, %c0_i32_0 : i32, i32
  }
  func.func @transform_1(%arg0: i32, %arg1: i32) -> (i32, i32, i32, i32) {
    %c0_i32 = arith.constant 0 : i32
    %c0_i32_0 = arith.constant 0 : i32
    %c0_i32_1 = arith.constant 0 : i32
    return %arg0, %arg1, %c0_i32, %c0_i32_0 : i32, i32, i32, i32
  }
}

module attributes {stable_mosaic.version = 14 : i64} {
  func.func @_combine_body(%arg0: i32, %arg1: memref<4x12xf32, #tpu.memory_space<smem>>, %arg2: memref<1x1024x128xf32, #tpu.memory_space<vmem>>, %arg3: memref<128x1024xf32, #tpu.memory_space<vmem>>, %arg4: memref<1x128x128xf32, #tpu.memory_space<vmem>>) attributes {dimension_semantics = [#tpu.dimension_semantics<arbitrary>], iteration_bounds = array<i64: 512>, scalar_prefetch = 0 : i64, scratch_operands = 0 : i64, tpu.core_type = #tpu.core_type<tc>, window_params = [{transform_indices = @transform_0, window_bounds = array<i64: 4, 12>}, {transform_indices = @transform_1, window_bounds = array<i64: 1, 1024, 128>}, {pipeline_mode = #tpu.pipeline_mode<synchronous>, transform_indices = @transform_2, window_bounds = array<i64: 128, 1024>}, {transform_indices = @transform_3, window_bounds = array<i64: 1, 128, 128>}]} {
    %add3A = arith.constant 0 : i32
    %add3A_0 = arith.addi %add3A, %arg0 : i32
    %jit3A = arith.constant 128 : i32
    %div3A = arith.divsi %add3A_0, %jit3A : i32
    %sign3A = arith.constant 0 : i32
    %sign3A_1 = arith.cmpi sgt, %add3A_0, %sign3A : i32
    %sign3A_2 = arith.extui %sign3A_1 : i1 to i32
    %sign3A_3 = arith.constant 0 : i32
    %sign3A_4 = arith.cmpi slt, %add3A_0, %sign3A_3 : i32
    %sign3A_5 = arith.extui %sign3A_4 : i1 to i32
    %sign3A_6 = arith.subi %sign3A_2, %sign3A_5 : i32
    %sign3A_7 = arith.constant 0 : i32
    %sign3A_8 = arith.cmpi sgt, %jit3A, %sign3A_7 : i32
    %sign3A_9 = arith.extui %sign3A_8 : i1 to i32
    %sign3A_10 = arith.constant 0 : i32
    %sign3A_11 = arith.cmpi slt, %jit3A, %sign3A_10 : i32
    %sign3A_12 = arith.extui %sign3A_11 : i1 to i32
    %sign3A_13 = arith.subi %sign3A_9, %sign3A_12 : i32
    %ne3A = arith.cmpi ne, %sign3A_6, %sign3A_13 : i32
    %rem3A = arith.remsi %add3A_0, %jit3A : i32
    %ne3A_14 = arith.constant 0 : i32
    %ne3A_15 = arith.cmpi ne, %rem3A, %ne3A_14 : i32
    %and3A = arith.andi %ne3A, %ne3A_15 : i1
    %sub3A = arith.constant 1 : i32
    %sub3A_16 = arith.subi %div3A, %sub3A : i32
    %select_n3A = arith.select %and3A, %sub3A_16, %div3A : i32
    %jit3A_17 = arith.constant 128 : i32
    %eq3A = arith.constant 0 : i32
    %eq3A_18 = arith.cmpi eq, %jit3A_17, %eq3A : i32
    %jit3A_19 = arith.constant 1 : i32
    %select_n3A_20 = arith.select %eq3A_18, %jit3A_19, %jit3A_17 : i32
    %rem3A_21 = arith.remsi %add3A_0, %select_n3A_20 : i32
    %ne3A_22 = arith.constant 0 : i32
    %ne3A_23 = arith.cmpi ne, %rem3A_21, %ne3A_22 : i32
    %lt3A = arith.constant 0 : i32
    %lt3A_24 = arith.cmpi slt, %rem3A_21, %lt3A : i32
    %lt3A_25 = arith.constant 0 : i32
    %lt3A_26 = arith.cmpi slt, %select_n3A_20, %lt3A_25 : i32
    %ne3A_27 = arith.xori %lt3A_24, %lt3A_26 : i1
    %and3A_28 = arith.andi %ne3A_27, %ne3A_23 : i1
    %add3A_29 = arith.addi %rem3A_21, %select_n3A_20 : i32
    %select_n3A_30 = arith.select %and3A_28, %add3A_29, %rem3A_21 : i32
    %convert_element_type3A = arith.sitofp %select_n3A_30 : i32 to f32
    %mul3A = arith.constant 0.0157480314 : f32
    %mul3A_31 = arith.mulf %convert_element_type3A, %mul3A : f32
    %sub3A_32 = arith.constant 1.000000e+00 : f32
    %sub3A_33 = arith.subf %mul3A_31, %sub3A_32 : f32
    %convert_element_type3A_34 = arith.truncf %sub3A_33 : f32 to bf16
    %convert_element_type3A_35 = arith.extf %convert_element_type3A_34 : bf16 to f32
    %iota3A = tpu.iota {dimensions = array<i32: 1>} : vector<1x1024x128xi32>
    %iota3A_36 = tpu.iota {dimensions = array<i32: 2>} : vector<1x1024x128xi32>
    %shift_right_arithmetic3A = arith.constant 3 : i32
    %shift_right_arithmetic3A_37 = vector.broadcast %shift_right_arithmetic3A : i32 to vector<1x1024x128xi32>
    %shift_right_arithmetic3A_38 = arith.shrsi %iota3A, %shift_right_arithmetic3A_37 : vector<1x1024x128xi32>
    %and3A_39 = arith.constant 7 : i32
    %and3A_40 = vector.broadcast %and3A_39 : i32 to vector<1x1024x128xi32>
    %and3A_41 = arith.andi %iota3A, %and3A_40 : vector<1x1024x128xi32>
    %convert_element_type3A_42 = arith.sitofp %shift_right_arithmetic3A_38 : vector<1x1024x128xi32> to vector<1x1024x128xf32>
    %mul3A_43 = arith.constant 0.0157480314 : f32
    %mul3A_44 = vector.broadcast %mul3A_43 : f32 to vector<1x1024x128xf32>
    %mul3A_45 = arith.mulf %convert_element_type3A_42, %mul3A_44 : vector<1x1024x128xf32>
    %sub3A_46 = arith.constant 1.000000e+00 : f32
    %sub3A_47 = vector.broadcast %sub3A_46 : f32 to vector<1x1024x128xf32>
    %sub3A_48 = arith.subf %mul3A_45, %sub3A_47 : vector<1x1024x128xf32>
    %convert_element_type3A_49 = arith.truncf %sub3A_48 : vector<1x1024x128xf32> to vector<1x1024x128xbf16>
    %convert_element_type3A_50 = arith.extf %convert_element_type3A_49 : vector<1x1024x128xbf16> to vector<1x1024x128xf32>
    %convert_element_type3A_51 = arith.sitofp %iota3A_36 : vector<1x1024x128xi32> to vector<1x1024x128xf32>
    %mul3A_52 = arith.constant 0.0157480314 : f32
    %mul3A_53 = vector.broadcast %mul3A_52 : f32 to vector<1x1024x128xf32>
    %mul3A_54 = arith.mulf %convert_element_type3A_51, %mul3A_53 : vector<1x1024x128xf32>
    %sub3A_55 = arith.constant 1.000000e+00 : f32
    %sub3A_56 = vector.broadcast %sub3A_55 : f32 to vector<1x1024x128xf32>
    %sub3A_57 = arith.subf %mul3A_54, %sub3A_56 : vector<1x1024x128xf32>
    %convert_element_type3A_58 = arith.truncf %sub3A_57 : vector<1x1024x128xf32> to vector<1x1024x128xbf16>
    %convert_element_type3A_59 = arith.extf %convert_element_type3A_58 : vector<1x1024x128xbf16> to vector<1x1024x128xf32>
    %get3A = arith.index_cast %select_n3A : i32 to index
    %get3A_60 = arith.constant 0 : index
    %get3A_61 = memref.load %arg1[%get3A, %get3A_60] : memref<4x12xf32, #tpu.memory_space<smem>>
    %convert_element_type3A_62 = arith.truncf %get3A_61 : f32 to bf16
    %convert_element_type3A_63 = arith.extf %convert_element_type3A_62 : bf16 to f32
    %mul3A_64 = arith.mulf %convert_element_type3A_63, %convert_element_type3A_35 : f32
    %get3A_65 = arith.index_cast %select_n3A : i32 to index
    %get3A_66 = arith.constant 1 : index
    %get3A_67 = memref.load %arg1[%get3A_65, %get3A_66] : memref<4x12xf32, #tpu.memory_space<smem>>
    %convert_element_type3A_68 = arith.truncf %get3A_67 : f32 to bf16
    %convert_element_type3A_69 = arith.extf %convert_element_type3A_68 : bf16 to f32
    %mul3A_70 = vector.broadcast %convert_element_type3A_69 : f32 to vector<1x1024x128xf32>
    %mul3A_71 = arith.mulf %mul3A_70, %convert_element_type3A_50 : vector<1x1024x128xf32>
    %get3A_72 = arith.index_cast %select_n3A : i32 to index
    %get3A_73 = arith.constant 2 : index
    %get3A_74 = memref.load %arg1[%get3A_72, %get3A_73] : memref<4x12xf32, #tpu.memory_space<smem>>
    %convert_element_type3A_75 = arith.truncf %get3A_74 : f32 to bf16
    %convert_element_type3A_76 = arith.extf %convert_element_type3A_75 : bf16 to f32
    %mul3A_77 = vector.broadcast %convert_element_type3A_76 : f32 to vector<1x1024x128xf32>
    %mul3A_78 = arith.mulf %mul3A_77, %convert_element_type3A_59 : vector<1x1024x128xf32>
    %add3A_79 = vector.broadcast %mul3A_64 : f32 to vector<1x1024x128xf32>
    %add3A_80 = arith.addf %add3A_79, %mul3A_71 : vector<1x1024x128xf32>
    %add3A_81 = arith.addf %add3A_80, %mul3A_78 : vector<1x1024x128xf32>
    %get3A_82 = arith.index_cast %select_n3A : i32 to index
    %get3A_83 = arith.constant 9 : index
    %get3A_84 = memref.load %arg1[%get3A_82, %get3A_83] : memref<4x12xf32, #tpu.memory_space<smem>>
    %add3A_85 = vector.broadcast %get3A_84 : f32 to vector<1x1024x128xf32>
    %add3A_86 = arith.addf %add3A_81, %add3A_85 : vector<1x1024x128xf32>
    %add3A_87 = arith.constant 1.000000e+00 : f32
    %add3A_88 = vector.broadcast %add3A_87 : f32 to vector<1x1024x128xf32>
    %add3A_89 = arith.addf %add3A_86, %add3A_88 : vector<1x1024x128xf32>
    %mul3A_90 = arith.constant 5.000000e-01 : f32
    %mul3A_91 = vector.broadcast %mul3A_90 : f32 to vector<1x1024x128xf32>
    %mul3A_92 = arith.mulf %mul3A_91, %add3A_89 : vector<1x1024x128xf32>
    %mul3A_93 = arith.constant 1.270000e+02 : f32
    %mul3A_94 = vector.broadcast %mul3A_93 : f32 to vector<1x1024x128xf32>
    %mul3A_95 = arith.mulf %mul3A_92, %mul3A_94 : vector<1x1024x128xf32>
    %get3A_96 = arith.index_cast %select_n3A : i32 to index
    %get3A_97 = arith.constant 3 : index
    %get3A_98 = memref.load %arg1[%get3A_96, %get3A_97] : memref<4x12xf32, #tpu.memory_space<smem>>
    %convert_element_type3A_99 = arith.truncf %get3A_98 : f32 to bf16
    %convert_element_type3A_100 = arith.extf %convert_element_type3A_99 : bf16 to f32
    %mul3A_101 = arith.mulf %convert_element_type3A_100, %convert_element_type3A_35 : f32
    %get3A_102 = arith.index_cast %select_n3A : i32 to index
    %get3A_103 = arith.constant 4 : index
    %get3A_104 = memref.load %arg1[%get3A_102, %get3A_103] : memref<4x12xf32, #tpu.memory_space<smem>>
    %convert_element_type3A_105 = arith.truncf %get3A_104 : f32 to bf16
    %convert_element_type3A_106 = arith.extf %convert_element_type3A_105 : bf16 to f32
    %mul3A_107 = vector.broadcast %convert_element_type3A_106 : f32 to vector<1x1024x128xf32>
    %mul3A_108 = arith.mulf %mul3A_107, %convert_element_type3A_50 : vector<1x1024x128xf32>
    %get3A_109 = arith.index_cast %select_n3A : i32 to index
    %get3A_110 = arith.constant 5 : index
    %get3A_111 = memref.load %arg1[%get3A_109, %get3A_110] : memref<4x12xf32, #tpu.memory_space<smem>>
    %convert_element_type3A_112 = arith.truncf %get3A_111 : f32 to bf16
    %convert_element_type3A_113 = arith.extf %convert_element_type3A_112 : bf16 to f32
    %mul3A_114 = vector.broadcast %convert_element_type3A_113 : f32 to vector<1x1024x128xf32>
    %mul3A_115 = arith.mulf %mul3A_114, %convert_element_type3A_59 : vector<1x1024x128xf32>
    %add3A_116 = vector.broadcast %mul3A_101 : f32 to vector<1x1024x128xf32>
    %add3A_117 = arith.addf %add3A_116, %mul3A_108 : vector<1x1024x128xf32>
    %add3A_118 = arith.addf %add3A_117, %mul3A_115 : vector<1x1024x128xf32>
    %get3A_119 = arith.index_cast %select_n3A : i32 to index
    %get3A_120 = arith.constant 10 : index
    %get3A_121 = memref.load %arg1[%get3A_119, %get3A_120] : memref<4x12xf32, #tpu.memory_space<smem>>
    %add3A_122 = vector.broadcast %get3A_121 : f32 to vector<1x1024x128xf32>
    %add3A_123 = arith.addf %add3A_118, %add3A_122 : vector<1x1024x128xf32>
    %add3A_124 = arith.constant 1.000000e+00 : f32
    %add3A_125 = vector.broadcast %add3A_124 : f32 to vector<1x1024x128xf32>
    %add3A_126 = arith.addf %add3A_123, %add3A_125 : vector<1x1024x128xf32>
    %mul3A_127 = arith.constant 5.000000e-01 : f32
    %mul3A_128 = vector.broadcast %mul3A_127 : f32 to vector<1x1024x128xf32>
    %mul3A_129 = arith.mulf %mul3A_128, %add3A_126 : vector<1x1024x128xf32>
    %mul3A_130 = arith.constant 1.270000e+02 : f32
    %mul3A_131 = vector.broadcast %mul3A_130 : f32 to vector<1x1024x128xf32>
    %mul3A_132 = arith.mulf %mul3A_129, %mul3A_131 : vector<1x1024x128xf32>
    %get3A_133 = arith.index_cast %select_n3A : i32 to index
    %get3A_134 = arith.constant 6 : index
    %get3A_135 = memref.load %arg1[%get3A_133, %get3A_134] : memref<4x12xf32, #tpu.memory_space<smem>>
    %convert_element_type3A_136 = arith.truncf %get3A_135 : f32 to bf16
    %convert_element_type3A_137 = arith.extf %convert_element_type3A_136 : bf16 to f32
    %mul3A_138 = arith.mulf %convert_element_type3A_137, %convert_element_type3A_35 : f32
    %get3A_139 = arith.index_cast %select_n3A : i32 to index
    %get3A_140 = arith.constant 7 : index
    %get3A_141 = memref.load %arg1[%get3A_139, %get3A_140] : memref<4x12xf32, #tpu.memory_space<smem>>
    %convert_element_type3A_142 = arith.truncf %get3A_141 : f32 to bf16
    %convert_element_type3A_143 = arith.extf %convert_element_type3A_142 : bf16 to f32
    %mul3A_144 = vector.broadcast %convert_element_type3A_143 : f32 to vector<1x1024x128xf32>
    %mul3A_145 = arith.mulf %mul3A_144, %convert_element_type3A_50 : vector<1x1024x128xf32>
    %get3A_146 = arith.index_cast %select_n3A : i32 to index
    %get3A_147 = arith.constant 8 : index
    %get3A_148 = memref.load %arg1[%get3A_146, %get3A_147] : memref<4x12xf32, #tpu.memory_space<smem>>
    %convert_element_type3A_149 = arith.truncf %get3A_148 : f32 to bf16
    %convert_element_type3A_150 = arith.extf %convert_element_type3A_149 : bf16 to f32
    %mul3A_151 = vector.broadcast %convert_element_type3A_150 : f32 to vector<1x1024x128xf32>
    %mul3A_152 = arith.mulf %mul3A_151, %convert_element_type3A_59 : vector<1x1024x128xf32>
    %add3A_153 = vector.broadcast %mul3A_138 : f32 to vector<1x1024x128xf32>
    %add3A_154 = arith.addf %add3A_153, %mul3A_145 : vector<1x1024x128xf32>
    %add3A_155 = arith.addf %add3A_154, %mul3A_152 : vector<1x1024x128xf32>
    %get3A_156 = arith.index_cast %select_n3A : i32 to index
    %get3A_157 = arith.constant 11 : index
    %get3A_158 = memref.load %arg1[%get3A_156, %get3A_157] : memref<4x12xf32, #tpu.memory_space<smem>>
    %add3A_159 = vector.broadcast %get3A_158 : f32 to vector<1x1024x128xf32>
    %add3A_160 = arith.addf %add3A_155, %add3A_159 : vector<1x1024x128xf32>
    %add3A_161 = arith.constant 1.000000e+00 : f32
    %add3A_162 = vector.broadcast %add3A_161 : f32 to vector<1x1024x128xf32>
    %add3A_163 = arith.addf %add3A_160, %add3A_162 : vector<1x1024x128xf32>
    %mul3A_164 = arith.constant 5.000000e-01 : f32
    %mul3A_165 = vector.broadcast %mul3A_164 : f32 to vector<1x1024x128xf32>
    %mul3A_166 = arith.mulf %mul3A_165, %add3A_163 : vector<1x1024x128xf32>
    %mul3A_167 = arith.constant 1.270000e+02 : f32
    %mul3A_168 = vector.broadcast %mul3A_167 : f32 to vector<1x1024x128xf32>
    %mul3A_169 = arith.mulf %mul3A_166, %mul3A_168 : vector<1x1024x128xf32>
    %shift_right_logical3A = arith.constant 2 : i32
    %shift_right_logical3A_170 = vector.broadcast %shift_right_logical3A : i32 to vector<1x1024x128xi32>
    %shift_right_logical3A_171 = arith.shrui %and3A_41, %shift_right_logical3A_170 : vector<1x1024x128xi32>
    %and3A_172 = arith.constant 1 : i32
    %and3A_173 = vector.broadcast %and3A_172 : i32 to vector<1x1024x128xi32>
    %and3A_174 = arith.andi %shift_right_logical3A_171, %and3A_173 : vector<1x1024x128xi32>
    %floor3A = math.floor %mul3A_95 : vector<1x1024x128xf32>
    %sub3A_175 = arith.subf %mul3A_95, %floor3A : vector<1x1024x128xf32>
    %eq3A_176 = arith.constant 1 : i32
    %eq3A_177 = vector.broadcast %eq3A_176 : i32 to vector<1x1024x128xi32>
    %eq3A_178 = arith.cmpi eq, %and3A_174, %eq3A_177 : vector<1x1024x128xi32>
    %sub3A_179 = arith.constant 1.000000e+00 : f32
    %sub3A_180 = vector.broadcast %sub3A_179 : f32 to vector<1x1024x128xf32>
    %sub3A_181 = arith.subf %sub3A_180, %sub3A_175 : vector<1x1024x128xf32>
    %select_n3A_182 = arith.select %eq3A_178, %sub3A_175, %sub3A_181 : vector<1x1024x128xi1>, vector<1x1024x128xf32>
    %convert_element_type3A_183 = arith.sitofp %and3A_174 : vector<1x1024x128xi32> to vector<1x1024x128xf32>
    %sub3A_184 = arith.constant 1.280000e+02 : f32
    %sub3A_185 = vector.broadcast %sub3A_184 : f32 to vector<1x1024x128xf32>
    %sub3A_186 = arith.subf %sub3A_185, %convert_element_type3A_183 : vector<1x1024x128xf32>
    %ge3A = arith.constant 0.000000e+00 : f32
    %ge3A_187 = vector.broadcast %ge3A : f32 to vector<1x1024x128xf32>
    %ge3A_188 = arith.cmpf oge, %mul3A_95, %ge3A_187 : vector<1x1024x128xf32>
    %lt3A_189 = arith.cmpf olt, %mul3A_95, %sub3A_186 : vector<1x1024x128xf32>
    %and3A_190 = arith.andi %ge3A_188, %lt3A_189 : vector<1x1024x128xi1>
    %jit3A_191 = arith.constant 0.000000e+00 : f32
    %broadcast_in_dim3A = vector.broadcast %jit3A_191 : f32 to vector<1x1024x128xf32>
    %select_n3A_192 = arith.select %and3A_190, %select_n3A_182, %broadcast_in_dim3A : vector<1x1024x128xi1>, vector<1x1024x128xf32>
    %shift_right_logical3A_193 = arith.constant 1 : i32
    %shift_right_logical3A_194 = vector.broadcast %shift_right_logical3A_193 : i32 to vector<1x1024x128xi32>
    %shift_right_logical3A_195 = arith.shrui %and3A_41, %shift_right_logical3A_194 : vector<1x1024x128xi32>
    %and3A_196 = arith.constant 1 : i32
    %and3A_197 = vector.broadcast %and3A_196 : i32 to vector<1x1024x128xi32>
    %and3A_198 = arith.andi %shift_right_logical3A_195, %and3A_197 : vector<1x1024x128xi32>
    %floor3A_199 = math.floor %mul3A_132 : vector<1x1024x128xf32>
    %sub3A_200 = arith.subf %mul3A_132, %floor3A_199 : vector<1x1024x128xf32>
    %eq3A_201 = arith.constant 1 : i32
    %eq3A_202 = vector.broadcast %eq3A_201 : i32 to vector<1x1024x128xi32>
    %eq3A_203 = arith.cmpi eq, %and3A_198, %eq3A_202 : vector<1x1024x128xi32>
    %sub3A_204 = arith.constant 1.000000e+00 : f32
    %sub3A_205 = vector.broadcast %sub3A_204 : f32 to vector<1x1024x128xf32>
    %sub3A_206 = arith.subf %sub3A_205, %sub3A_200 : vector<1x1024x128xf32>
    %select_n3A_207 = arith.select %eq3A_203, %sub3A_200, %sub3A_206 : vector<1x1024x128xi1>, vector<1x1024x128xf32>
    %convert_element_type3A_208 = arith.sitofp %and3A_198 : vector<1x1024x128xi32> to vector<1x1024x128xf32>
    %sub3A_209 = arith.constant 1.280000e+02 : f32
    %sub3A_210 = vector.broadcast %sub3A_209 : f32 to vector<1x1024x128xf32>
    %sub3A_211 = arith.subf %sub3A_210, %convert_element_type3A_208 : vector<1x1024x128xf32>
    %ge3A_212 = arith.constant 0.000000e+00 : f32
    %ge3A_213 = vector.broadcast %ge3A_212 : f32 to vector<1x1024x128xf32>
    %ge3A_214 = arith.cmpf oge, %mul3A_132, %ge3A_213 : vector<1x1024x128xf32>
    %lt3A_215 = arith.cmpf olt, %mul3A_132, %sub3A_211 : vector<1x1024x128xf32>
    %and3A_216 = arith.andi %ge3A_214, %lt3A_215 : vector<1x1024x128xi1>
    %jit3A_217 = arith.constant 0.000000e+00 : f32
    %broadcast_in_dim3A_218 = vector.broadcast %jit3A_217 : f32 to vector<1x1024x128xf32>
    %select_n3A_219 = arith.select %and3A_216, %select_n3A_207, %broadcast_in_dim3A_218 : vector<1x1024x128xi1>, vector<1x1024x128xf32>
    %and3A_220 = arith.constant 1 : i32
    %and3A_221 = vector.broadcast %and3A_220 : i32 to vector<1x1024x128xi32>
    %and3A_222 = arith.andi %and3A_41, %and3A_221 : vector<1x1024x128xi32>
    %floor3A_223 = math.floor %mul3A_169 : vector<1x1024x128xf32>
    %sub3A_224 = arith.subf %mul3A_169, %floor3A_223 : vector<1x1024x128xf32>
    %eq3A_225 = arith.constant 1 : i32
    %eq3A_226 = vector.broadcast %eq3A_225 : i32 to vector<1x1024x128xi32>
    %eq3A_227 = arith.cmpi eq, %and3A_222, %eq3A_226 : vector<1x1024x128xi32>
    %sub3A_228 = arith.constant 1.000000e+00 : f32
    %sub3A_229 = vector.broadcast %sub3A_228 : f32 to vector<1x1024x128xf32>
    %sub3A_230 = arith.subf %sub3A_229, %sub3A_224 : vector<1x1024x128xf32>
    %select_n3A_231 = arith.select %eq3A_227, %sub3A_224, %sub3A_230 : vector<1x1024x128xi1>, vector<1x1024x128xf32>
    %convert_element_type3A_232 = arith.sitofp %and3A_222 : vector<1x1024x128xi32> to vector<1x1024x128xf32>
    %sub3A_233 = arith.constant 1.280000e+02 : f32
    %sub3A_234 = vector.broadcast %sub3A_233 : f32 to vector<1x1024x128xf32>
    %sub3A_235 = arith.subf %sub3A_234, %convert_element_type3A_232 : vector<1x1024x128xf32>
    %ge3A_236 = arith.constant 0.000000e+00 : f32
    %ge3A_237 = vector.broadcast %ge3A_236 : f32 to vector<1x1024x128xf32>
    %ge3A_238 = arith.cmpf oge, %mul3A_169, %ge3A_237 : vector<1x1024x128xf32>
    %lt3A_239 = arith.cmpf olt, %mul3A_169, %sub3A_235 : vector<1x1024x128xf32>
    %and3A_240 = arith.andi %ge3A_238, %lt3A_239 : vector<1x1024x128xi1>
    %jit3A_241 = arith.constant 0.000000e+00 : f32
    %broadcast_in_dim3A_242 = vector.broadcast %jit3A_241 : f32 to vector<1x1024x128xf32>
    %select_n3A_243 = arith.select %and3A_240, %select_n3A_231, %broadcast_in_dim3A_242 : vector<1x1024x128xi1>, vector<1x1024x128xf32>
    %get3A_244 = arith.constant 0 : index
    %get3A_245 = arith.constant 0 : index
    %get3A_246 = arith.constant 0 : index
    %get3A_247 = vector.load %arg2[%get3A_244, %get3A_245, %get3A_246] : memref<1x1024x128xf32, #tpu.memory_space<vmem>>, vector<1x1024x128xf32>
    %mul3A_248 = arith.mulf %select_n3A_192, %select_n3A_219 : vector<1x1024x128xf32>
    %mul3A_249 = arith.mulf %mul3A_248, %select_n3A_243 : vector<1x1024x128xf32>
    %mul3A_250 = arith.mulf %get3A_247, %mul3A_249 : vector<1x1024x128xf32>
    %reshape3A = vector.shape_cast %mul3A_250 : vector<1x1024x128xf32> to vector<1024x128xf32>
    %get3A_251 = arith.constant 0 : index
    %get3A_252 = arith.constant 0 : index
    %get3A_253 = vector.load %arg3[%get3A_251, %get3A_252] : memref<128x1024xf32, #tpu.memory_space<vmem>>, vector<128x1024xf32>
    %dot_general3A = arith.constant dense<0.000000e+00> : vector<128x128xf32>
    %dot_general3A_254 = tpu.matmul %get3A_253, %reshape3A, %dot_general3A {dimension_numbers = #tpu.dot_dimension_numbers<[1], [0], [0], [1], [0, 0, 1, 1], [], []>, precision = #tpu.contract_precision<fp32>, transpose_lhs_hint = false} : vector<128x1024xf32>, vector<1024x128xf32>, vector<128x128xf32> -> vector<128x128xf32>
    %reshape3A_255 = vector.shape_cast %dot_general3A_254 : vector<128x128xf32> to vector<1x128x128xf32>
    %swap3A = arith.constant 0 : index
    %swap3A_256 = arith.constant 0 : index
    %swap3A_257 = arith.constant 0 : index
    %swap3A_258 = vector.load %arg4[%swap3A, %swap3A_256, %swap3A_257] : memref<1x128x128xf32, #tpu.memory_space<vmem>>, vector<1x128x128xf32>
    tpu.vector_store %arg4[%swap3A, %swap3A_256, %swap3A_257], %reshape3A_255 {strides = array<i32>} : memref<1x128x128xf32, #tpu.memory_space<vmem>>, vector<1x128x128xf32>,
    return
  }
  func.func @transform_0(%arg0: i32) -> (i32, i32) {
    %c0_i32 = arith.constant 0 : i32
    %c0_i32_0 = arith.constant 0 : i32
    %c0_i32_1 = arith.constant 0 : i32
    return %c0_i32, %c0_i32_0 : i32, i32
  }
  func.func @transform_1(%arg0: i32) -> (i32, i32, i32) {
    %c0_i32 = arith.constant 0 : i32
    %c0_i32_0 = arith.constant 0 : i32
    %c0_i32_1 = arith.constant 0 : i32
    return %arg0, %c0_i32, %c0_i32_0 : i32, i32, i32
  }
  func.func @transform_2(%arg0: i32) -> (i32, i32) {
    %c0_i32 = arith.constant 0 : i32
    %c0_i32_0 = arith.constant 0 : i32
    %c0_i32_1 = arith.constant 0 : i32
    return %c0_i32, %c0_i32_0 : i32, i32
  }
  func.func @transform_3(%arg0: i32) -> (i32, i32, i32) {
    %c0_i32 = arith.constant 0 : i32
    %c0_i32_0 = arith.constant 0 : i32
    %c0_i32_1 = arith.constant 0 : i32
    return %arg0, %c0_i32, %c0_i32_0 : i32, i32, i32
  }
}

</mosaic_0001>

<sc_bundles>
// kernel: kernel.6.cloned.1.call-start
scs
__scs_entry_jumppad:
0x0: {  	(pc) =	sbr.rel $0x88, $3  }
0x1: {  	(tag) =	ssettag $0x0;
	lr =	simm.s32 $0x1  }
0x2: {  	[smem:$0x3F9F] =	sst lr;
	_ =	strace $0xD0000000  }
0x3: {  	_ = 	snop  }
0x4: {  	_ = 	snop  }
0x5: {  	_ = 	snop  }
0x6: {  	_ = 	snop  }
0x7: {  	_ = 	snop  }
__scs_overlays_trampoline_lowered:
0x8: {  	[smem:$0x3FAE] =	sst s0  }
0x9: {  	[smem:$0x3FAF] =	sst s1  }
0xa: {  	[smem:$0x3FB0] =	sst s2  }
0xb: {  	[smem:$0x3FB1] =	sst s3  }
0xc: {  	[smem:$0x3FB2] =	sst s4  }
0xd: {  	[smem:$0x3FB3] =	sst s5  }
0xe: {  	[smem:$0x3FB4] =	sst s6  }
0xf: {  	[smem:$0x3FB5] =	sst s7  }
0x10: {  	[smem:$0x3FB6] =	sst s8  }
0x11: {  	[smem:$0x3FB7] =	sst s9;
	s0 =	simm.s32 @!p0 $0x0  }
0x12: {  	s1 =	sld [smem:$0x3F9D];
	s0 =	simm.s32 @p0 $0x1  }
0x13: {  	[smem:$0x3FB8] =	sst s0;
	s0 =	simm.s32 @!p1 $0x0  }
0x14: {  	s2 =	sld [smem:$0x3F9C];
	s0 =	simm.s32 @p1 $0x1  }
0x15: {  	[smem:$0x3FB9] =	sst s0;
	s0 =	simm.s32 @!p2 $0x0  }
0x16: {  	s3 =	sld [smem:$0x3FDB];
	s0 =	simm.s32 @p2 $0x1  }
0x17: {  	s4 =	simm.s32 $0x1BF5;
	[smem:$0x3FBB] =	sst s0  }
0x18: {  	s0 =	sld [smem:$0x3F9E];
	_ =	swait.ge [sflag:s4], $0x0  }
0x19: {  	s7 =	sld [smem:$0x3F9F]  }
0x1a: {  	s8 =	sadd.s32 $0xFFFFE003, lr  }
0x1b: {  	s9 =	sadd.s32 $0xFFFFFEF7, lr;
	s5 =	simm.s32 $0xFFFFFFFF;
	p2 =	slt.u32 s8, $0xFFFFF086  }
0x1c: {  	p1 =	slt.u32 s9, $0xF7A;
	s5 =	simm.s32 @!p2 $0x0  }
0x1d: {  	s5 =	simm.s32 @p1 $0x1;
	p0 =	seq.s32 s7, s2  }
0x1e: {  	s7 =	smul.u32 @!p0 $0xF7A, s2;
	p2 =	seq.s32 @!p0 s5, $0x0  }
0x1f: {  	s9 =	smul.u32 $0xF7A, s1;
	s8 =	simm.s32 @!p0 $0x1BF5;
	p2 =	por !p2, p0  }
0x20: {  	[sflag:s8] =	ssyncset.s32 @!p0 $0xFFFFF086;
	s6 =	sadd.s32 @!p0 s3, s7;
	s7 =	simm.s32 @!p0 $0x108  }
0x21: {  	s3 =	sadd.s32 s3, s9;
	s6 =	sadd.s32 @!p0 $0x88, s6;
	s7 =	simm.s32 @p2 $0x1082  }
0x22: {  	[simem:s7], [sflag:s8] =	dma.local @!p0 [hbm:s6], $0xF7A  }
0x23: {  	s9 =	sor.u32 $0xD0000000, s2;
	s6 =	simm.s32 $0x108;
	_ =	swait.ge @!p0 [sflag:s8], $0x0  }
0x24: {  	s3 =	sadd.s32 $0x88, s3;
	s6 =	simm.s32 @!p1 $0x1082;
	[sflag:s4] =	ssyncset.s32 $0xFFFFF086  }
0x25: {  	[simem:s6], [sflag:s4] =	dma.local [hbm:s3], $0xF7A  }
0x26: {  	[smem:$0x3F9F] =	sst s1;
	(tag) =	ssettag s2;
	_ =	strace s9  }
0x27: {  	s1 =	sld [smem:$0x3FAF]  }
0x28: {  	s2 =	sld [smem:$0x3FB0]  }
0x29: {  	s4 =	sld [smem:$0x3FB2]  }
0x2a: {  	p0 =	seq.s32 s5, $0x0;
	s5 =	sld [smem:$0x3FB3]  }
0x2b: {  	s6 =	sld [smem:$0x3FB4]  }
0x2c: {  	s7 =	sld [smem:$0x3FB5]  }
0x2d: {  	s3 =	simm.s32 $0x108;
	s8 =	sld [smem:$0x3FB6]  }
0x2e: {  	s3 =	simm.s32 @!p0 $0x1082;
	s9 =	sld [smem:$0x3FB7]  }
0x2f: {  	lr =	sadd.s32 s0, s3;
	s0 =	sld [smem:$0x3FAE]  }
0x30: {  	s3 =	sld [smem:$0x3FB1]  }
0x31: {  	[smem:$0x3FBA] =	sst s10  }
0x32: {  	s10 =	sld [smem:$0x3FB8];
	_ =	sdelay $0x3  }
0x33: {  	p0 =	seq.s32 s10, $0x1;
	s10 =	sld [smem:$0x3FBA];
	_ =	sdelay $0x3  }
0x34: {  	[smem:$0x3FBA] =	sst s10  }
0x35: {  	s10 =	sld [smem:$0x3FB9];
	_ =	sdelay $0x3  }
0x36: {  	p1 =	seq.s32 s10, $0x1;
	s10 =	sld [smem:$0x3FBA];
	_ =	sdelay $0x3  }
0x37: {  	[smem:$0x3FBA] =	sst s10  }
0x38: {  	s10 =	sld [smem:$0x3FBB]  }
0x39: {  	_ = 	snop;
	(pc) =	sbr.ind lr, $3  }
0x3a: {  	_ = 	snop  }
0x3b: {  	_ = 	snop  }
0x3c: {  	p2 =	seq.s32 s10, $0x1;
	s10 =	sld [smem:$0x3FBA]  }
0x3d: {  	_ =	shalt  }
0x3e: {  	_ =	shalt  }
0x3f: {  	_ =	shalt  }
0x40: {  	_ =	shalt  }
0x41: {  	_ =	shalt  }
0x42: {  	_ =	shalt  }
0x43: {  	_ =	shalt  }
0x44: {  	_ =	shalt  }
0x45: {  	_ =	shalt  }
0x46: {  	_ =	shalt  }
0x47: {  	_ =	shalt  }
0x48: {  	_ =	shalt  }
0x49: {  	_ =	shalt  }
0x4a: {  	_ =	shalt  }
0x4b: {  	_ =	shalt  }
0x4c: {  	_ =	shalt  }
0x4d: {  	_ =	shalt  }
0x4e: {  	_ =	shalt  }
0x4f: {  	_ =	shalt  }
0x50: {  	_ =	shalt  }
0x51: {  	_ =	shalt  }
0x52: {  	_ =	shalt  }
0x53: {  	_ =	shalt  }
0x54: {  	_ =	shalt  }
0x55: {  	_ =	shalt  }
0x56: {  	_ =	shalt  }
0x57: {  	_ =	shalt  }
0x58: {  	_ =	shalt  }
0x59: {  	_ =	shalt  }
0x5a: {  	_ =	shalt  }
0x5b: {  	_ =	shalt  }
0x5c: {  	_ =	shalt  }
0x5d: {  	_ =	shalt  }
0x5e: {  	_ =	shalt  }
0x5f: {  	_ =	shalt  }
0x60: {  	_ =	shalt  }
0x61: {  	_ =	shalt  }
0x62: {  	_ =	shalt  }
0x63: {  	_ =	shalt  }
0x64: {  	_ =	shalt  }
0x65: {  	_ =	shalt  }
0x66: {  	_ =	shalt  }
0x67: {  	_ =	shalt  }
0x68: {  	_ =	shalt  }
0x69: {  	_ =	shalt  }
0x6a: {  	_ =	shalt  }
0x6b: {  	_ =	shalt  }
0x6c: {  	_ =	shalt  }
0x6d: {  	_ =	shalt  }
0x6e: {  	_ =	shalt  }
0x6f: {  	_ =	shalt  }
0x70: {  	_ =	shalt  }
0x71: {  	_ =	shalt  }
0x72: {  	_ =	shalt  }
0x73: {  	_ =	shalt  }
0x74: {  	_ =	shalt  }
0x75: {  	_ =	shalt  }
0x76: {  	_ =	shalt  }
0x77: {  	_ =	shalt  }
0x78: {  	_ =	shalt  }
0x79: {  	_ =	shalt  }
0x7a: {  	_ =	shalt  }
0x7b: {  	_ =	shalt  }
0x7c: {  	_ =	shalt  }
0x7d: {  	_ =	shalt  }
0x7e: {  	_ =	shalt  }
0x7f: {  	_ =	shalt  }
0x80: {  	_ =	shalt  }
0x81: {  	_ =	shalt  }
0x82: {  	_ =	shalt  }
0x83: {  	_ =	shalt  }
0x84: {  	_ =	shalt  }
0x85: {  	_ =	shalt  }
0x86: {  	_ =	shalt  }
0x87: {  	_ =	shalt  }
.Lfunc_end0:
.L_simem_size_0:
called_computation_lowered:
.L_overlay_start_0:
0x88: {  	s2 =	sld [smem:$0x3FD9]  }
0x89: {  	s3 =	sld [smem:$0x3FFE];
	_ =	sdelay $0x1  }
0x8a: {  	s1 =	srdreg.scid  }
0x8b: {  	s0 =	sand.u32 $0x1, s1  }
0x8c: {  	s16 =	sshll.u32 s0, $0xA;
	s2 =	sadd.s32 s3, s2  }
0x8d: {  	s2 =	sadd.s32 s2, s16  }
0x8e: {  	[smem:$0x3FC6] =	sst s2  }
0x8f: {  	_ = 	snop  }
0x90: {  	(tm) =	ssettm $0x1  }
0x91: {  	s17 =	sld [smem:$0x3FFB];
	_ =	sdelay $0x3  }
0x92: {  	_ =	strace s17  }
0x93: {  	s2 =	sld [smem:$0x3FFC];
	_ =	sdelay $0x3  }
0x94: {  	_ =	strace s2  }
0x95: {  	s2 =	sld [smem:$0x3FFD];
	_ =	sdelay $0x3  }
0x96: {  	_ =	strace s2  }
0x97: {  	_ =	strace $0x8FFFFFFF  }
0x98: {  	s18 =	sld [smem:$0x3FDB];
	_ =	sdelay $0x1  }
0x99: {  	s19 =	simm.s32 $_scs_section_size  }
0x9a: {  	s4 =	simm.s32 $_size__tile_overlayer_lowered;
	s5 =	simm.s32 $_tile_overlayer_lowered  }
0x9b: {  	s22 =	simm.s32 $0x1BFF;
	s21 =	sshll.u32 s5, $0x1;
	s2 =	sadd.s32 s19, s18  }
0x9c: {  	s6 =	simm.s32 $0x0;
	s20 =	sshll.u32 s4, $0x1;
	s4 =	sadd.s32 s21, s2  }
0x9d: {  	[timem:s6], [sflag:s22] =	dma.local [hbm:s4], s20  }
0x9e: {  	_ =	swait.ge [sflag:s22], s20  }
0x9f: {  	s3 =	ssub.s32 $0x0, s20;
	[sflag:s22] =	ssyncset.done $0x0  }
0xa0: {  	[sflag:s22] =	ssyncadd.s32 s3;
	_ =	sdelay $0x1  }
0xa1: {  	s23 =	simm.s32 $0x1B8B  }
0xa2: {  	_ =	swait.ge [sflag:s23], $0x1  }
0xa3: {  	[sflag:s23] =	ssyncset.done $0x0  }
0xa4: {  	s25 =	simm.s32 $0x1B8E;
	s24 =	sld [smem:$0x3FFE];
	[sflag:s23] =	ssyncadd.s32 $0xFFFFFFFF  }
0xa5: {  	s26 =	simm.s32 $execute0_lowered;
	[smem:$0x3FD2] =	sst s25  }
0xa6: {  	s4 =	sshll.u32 s26, $0x1;
	_ =	strace $0x80000046;
	[dreg:$0x1] =	wrdreg $0xFFFFFFFF  }
0xa7: {  	s28 =	simm.s32 $_size_execute0_lowered;
	s2 =	sadd.s32 s2, s4;
	[dreg:$0x0] =	wrdreg $0x0  }
0xa8: {  	s4 =	sshll.u32 s28, $0x1;
	[dreg:$0x2] =	wrdreg s2  }
0xa9: {  	[dreg:$0x3] =	wrdreg s4  }
0xaa: {  	[dreg:$0x4] =	wrdreg $0xC0  }
0xab: {  	_ =	task [dreg:s6], $0x5FFFF  }
0xac: {  	[dreg:$0x1] =	wrdreg $0xFFFFFFFF  }
0xad: {  	[dreg:$0x0] =	wrdreg $0x60  }
0xae: {  	[dreg:$0x2] =	wrdreg s24  }
0xaf: {  	[dreg:$0x3] =	wrdreg $0x9  }
0xb0: {  	_ =	task.clear_ibuf [dreg:s6], $0x4FFFF;
	_ =	strace $0x90000046  }
0xb1: {  	s29 =	simm.s32 $0x9;
	_ =	strace $0x80000048  }
0xb2: {  	_ =	swait.ge [sflag:s29], $0x1  }
0xb3: {  	[sflag:s29] =	ssyncadd.s32 $0xFFFFFFFF  }
0xb4: {  	_ =	strace $0x90000048  }
0xb5: {  	_ =	sfence  }
0xb6: {  	s30 =	sld [smem:$0x0];
	_ =	sdelay $0x2  }
0xb7: {  	s31 =	sshll.u32 s1, $0xD;
	s1 =	sshrl.u32 s1, $0x2  }
0xb8: {  	s3 =	sand.u32 $0x4000, s31;
	s1 =	sadd.s32 s1, s30  }
0xb9: {  	s0 =	sor.u32 s3, s0;
	s1 =	sshll.u32 s1, $0x11  }
0xba: {  	s0 =	sor.u32 s1, s0  }
0xbb: {  	s0 =	sadd.s32 $0x8F2B, s0  }
0xbc: {  	[sflag:s0] =	ssyncadd.remote.s32 $0x1  }
0xbd: {  	_ =	sfence.sel $0xFFFF  }
0xbe: {  	[dreg:$0x0] =	wrdreg $0xFFFFFFFF;
	(pc) =	sbr.abs _section_cstart, $3  }
0xbf: {  	[dreg:$0x1] =	wrdreg $0xFFFFFFFF  }
0xc0: {  	_ =	task.clear_ibuf [dreg:s6], $0x2FFFF;
	_ =	strace $0x9FFFFFFF  }
0xc1: {  	(tm) =	ssettm $0x7FFFFFFF  }
tec
execute0_lowered:
.L_overlay_start_1:
0x0: {  	(tag) =	ssettag $0x1  }
0x1: {  	v0 =	vimm.s32 $0x81800100  }
0x2: {  	v0 =	vunpack.c.0.s8.s32 v0  }
0x3: {  	s4 =	rddreg [dreg:$0x0]  }
0x4: {  	vm0 =	vcmask $0xF00;
	s0 =	rddreg [dreg:$0x1];
	s1 =	simm.s32 $0x0;
	vm8 =	vcmask $0x1310;
	v0 =	vand.u32 $0xFF, v0  }
0x5: {  	vm9 =	vcmask $0x1714;
	s3 =	srdreg.scid;
	s2 =	stileid.u32;
	v1 =	vimm.s32 $0x82810201;
	s9 =	simm.s32 $0x4;
	v0 =	vnsel vm0, $0x4082, v0  }
0x6: {  	vm10 =	vcmask $0x1B18;
	v2 =	vimm.s32 $0x99994444;
	s10 =	simm.s32 $0x5088;
	s11 =	simm.s32 $0x12110;
	s12 =	simm.s32 $0x3;
	v0 =	vsel vm8, $0x4000, v0  }
0x7: {  	s13 =	simm.s32 $0x1;
	s14 =	simm.s32 $0xA110;
	s15 =	simm.s32 $0x0;
	v1 =	vunpack.c.0.s8.s32 v1;
	v2 =	vunpack.c.l.s2.s4 v2;
	v0 =	vsel vm9, $0x4001, v0  }
0x8: {  	vm11 =	vcmask $0x1F1C;
	vm12 =	vcmask $0x2F20;
	[smem:$0x7FF] =	sst s1;
	s3 =	sand.u32 $0x1, s3;
	s5 =	sshll.u32 s2, $0x13;
	v0 =	vsel vm10, $0x4080, v0  }
.Ltmp0:
0x9: {  	_ =	strace $0x80000047;
	s6 =	sshll.u32 s3, $0x12;
	v1 =	vand.u32 $0xFF, v1;
	v2 =	vunpack.c.l.s4.s8 v2;
	v0 =	vsel vm11, $0x4081, v0;
	(pc) =	sbr.rel .LBB2_1-.Ltmp0, $4  }
0xa: {  	vm13 =	vcmask $0x3330;
	s7 =	ssub.s32 $0x2, s3;
	s3 =	sadd.s32 $0xC00, s4;
	s5 =	sor.u32 s6, s5;
	v0 =	vsel vm12, v1, v0  }
0xb: {  	vm14 =	vcmask $0x3734;
	s30 =	sshrl.u32 s7, $0x1;
	s8 =	sadd.s32 s5, s4;
	s31 =	sshrl.u32 s5, $0x3;
	v1 =	vunpack.c.0.s8.s32 v2;
	v0 =	vsel vm13, $0x4001, v0  }
0xc: {  	vm15 =	vcmask $0x3B38;
	s7 =	ssub.s32 s7, s30;
	s5 =	sor.u32 $0x1000, s5;
	s4 =	sadd.s32 s3, s31;
	v0 =	vsel vm14, $0x4002, v0  }
0xd: {  	s6 =	sadd.s32 $0x101600, s8;
	s7 =	smax.u32 s7, $0x1;
	s8 =	simm.s32 $0x2;
	v1 =	vand.u32 $0x3, v1;
	v0 =	vsel vm15, $0x4081, v0  }
.LBB2_10:
0xe: {  	s15 =	sadd.s32 $0x1, s15  }
0xf: {  	_ =	swait.ge [sflag:s12], $0x8000;
	p0 =	sne.s32 s15, s7  }
.Ltmp1:
0x10: {  	[sflag:s12] =	ssyncset.done $0x0;
	(pc) =	sbr.rel @!p0 .LBB2_11-.Ltmp1, $4  }
0x11: {  	[sflag:s12] =	ssyncadd.s32 $0xFFFF8000  }
0x12: {  	_ =	swait.ge [sflag:s9], $0x8000  }
0x13: {  	[sflag:s9] =	ssyncset.done $0x0  }
0x14: {  	[sflag:s9] =	ssyncadd.s32 $0xFFFF8000  }
.LBB2_1:
.Ltmp2:
0x15: {  	(pc) =	sbr.rel .LBB2_2-.Ltmp2, $3  }
0x16: {  	_ =	sdelay $0x1  }
0x17: {  	[tilespmem:s1], [sflag:$0x1] =	stream.linear.gather [hbm4b:s4+s1], $0x5088, $0x38;
	[tilespmem:$0x1A110] =	vst v63  }
0x18: {  	s16 =	simm.s32 $0x0  }
.LBB2_5:
0x19: {  	v3 =	vand.u32 $0x5FF0, v3  }
0x1a: {  	v3 =	vor.u32 v1, v3;
	_ =	sdelay $0x3  }
0x1b: {  	[tilespmem:s18+$0x30] =	vst v2  }
0x1c: {  	s20 =	sadd.s32 $0x2, s19;
	v2 =	vld.idx.msk [tilespmem:v3+s1+$0x0], $0xffff  }
0x1d: {  	v3 =	vadd.s32 s20, v0;
	_ =	sdelay $0x2  }
0x1e: {  	s24 =	sadd.s32 $0x80, s18  }
0x1f: {  	[tilespmem:s24+$0xFFFFFFC0] =	vst v2  }
0x20: {  	s25 =	sadd.s32 $0x4, s19;
	v2 =	vld.idx.msk [tilespmem:v3+s1+$0x0], $0xffff  }
0x21: {  	v3 =	vadd.s32 s25, v0;
	_ =	sdelay $0x3  }
0x22: {  	[tilespmem:s24+$0xFFFFFFD0] =	vst v2  }
0x23: {  	s26 =	sadd.s32 $0x6, s19;
	v2 =	vld.idx.msk [tilespmem:v3+s1+$0x0], $0xffff  }
0x24: {  	v3 =	vadd.s32 s26, v0;
	_ =	sdelay $0x2  }
0x25: {  	s28 =	sadd.s32 $0x8, s19  }
0x26: {  	[tilespmem:s24+$0xFFFFFFE0] =	vst v2;
	v2 =	vadd.s32 s28, v0  }
0x27: {  	v3 =	vld.idx.msk [tilespmem:v3+s1+$0x0], $0xffff;
	v2 =	vand.u32 $0x7FFFFFF8, v2  }
0x28: {  	v2 =	vor.u32 v1, v2;
	_ =	sdelay $0x3  }
0x29: {  	[tilespmem:s24+$0xFFFFFFF0] =	vst v3  }
0x2a: {  	s29 =	sadd.s32 $0xA, s19;
	v2 =	vld.idx.msk [tilespmem:v2+s1+$0x0], $0xffff  }
0x2b: {  	v3 =	vadd.s32 s29, v0;
	_ =	sdelay $0x3  }
0x2c: {  	[tilespmem:s24+$0x0] =	vst v2  }
0x2d: {  	s30 =	sadd.s32 $0xC, s19;
	v2 =	vld.idx.msk [tilespmem:v3+s1+$0x0], $0xffff  }
0x2e: {  	v3 =	vadd.s32 s30, v0;
	_ =	sdelay $0x3  }
0x2f: {  	[tilespmem:s24+$0x10] =	vst v2  }
0x30: {  	s31 =	sadd.s32 $0xE, s19;
	v2 =	vld.idx.msk [tilespmem:v3+s1+$0x0], $0xffff  }
0x31: {  	v3 =	vadd.s32 s31, v0;
	_ =	sdelay $0x3  }
0x32: {  	[tilespmem:s24+$0x20] =	vst v2  }
0x33: {  	v2 =	vld.idx.msk [tilespmem:v3+s1+$0x0], $0xffff;
	_ =	sdelay $0x4  }
0x34: {  	s17 =	sadd.s32 s17, s6;
	[tilespmem:s24+$0x30] =	vst v2  }
0x35: {  	[hbm4b:s17+s1] =	stream.linear.scatter [tilespmem:s14], [sflag:$0x3], $0x8000, $0x38;
	[tilespmem:$0x1A110] =	vst v63  }
.LBB2_9:
0x36: {  	s16 =	sadd.s32 $0x1, s16  }
0x37: {  	p0 =	sne.s32 s16, $0x40  }
.Ltmp3:
0x38: {  	_ = 	snop;
	(pc) =	sbr.rel @!p0 .LBB2_10-.Ltmp3, $1  }
0x39: {  	_ =	sdelay $0x3  }
.LBB2_2:
0x3a: {  	s17 =	sand.u32 $0x1, s16  }
0x3b: {  	p0 =	seq.s32 s17, $0x1  }
.Ltmp4:
0x3c: {  	_ = 	snop;
	(pc) =	sbr.rel @!p0 .LBB2_3-.Ltmp4, $1  }
0x3d: {  	_ =	sdelay $0x3  }
0x3e: {  	p0 =	seq.s32 s16, $0x3F  }
0x3f: {  	s17 =	sshll.u32 @!p0 s16, $0xC  }
0x40: {  	_ =	swait.ge [sflag:s8], $0x5088;
	s23 =	simm.s32 $0x0;
	s17 =	sadd.s32 @!p0 s17, s5  }
0x41: {  	[sflag:s8] =	ssyncset.done $0x0;
	s18 =	simm.s32 @!p0 $0x0;
	v2 =	vadd.s32 s23, v0;
	s17 =	sshrl.u32 @!p0 s17, $0x3  }
0x42: {  	p1 =	slt.u32 @!p0 s16, $0x2;
	[sflag:s8] =	ssyncadd.s32 $0xFFFFAF78;
	v2 =	vand.u32 $0x5FF0, v2;
	s17 =	sadd.s32 @!p0 s3, s17  }
0x43: {  	v2 =	vor.u32 v1, v2;
	[tilespmem:s18], [sflag:$0x1] =	stream.linear.gather @!p0 [hbm4b:s17+s18], $0x5088, $0x38;
	[tilespmem:$0x1A110] =	vst v63  }
0x44: {  	p0 =	por p0, !p1  }
0x45: {  	_ =	swait.ge @p0 [sflag:s9], $0x8000  }
0x46: {  	[sflag:s9] =	ssyncset.done @p0 $0x0  }
0x47: {  	[sflag:s9] =	ssyncadd.s32 @p0 $0xFFFF8000  }
0x48: {  	s24 =	simm.s32 $0x2;
	v2 =	vld.idx.msk [tilespmem:v2+s10+$0x0], $0xffff  }
0x49: {  	v3 =	vadd.s32 s24, v0;
	_ =	sdelay $0x2  }
0x4a: {  	s17 =	simm.s32 $0x12150  }
0x4b: {  	[tilespmem:s17+$0xFFFFFFC0] =	vst v2  }
0x4c: {  	s25 =	simm.s32 $0x4;
	v2 =	vld.idx.msk [tilespmem:v3+s10+$0x0], $0xffff  }
0x4d: {  	v3 =	vadd.s32 s25, v0;
	_ =	sdelay $0x3  }
0x4e: {  	[tilespmem:s17+$0xFFFFFFD0] =	vst v2  }
0x4f: {  	s26 =	simm.s32 $0x6;
	v2 =	vld.idx.msk [tilespmem:v3+s10+$0x0], $0xffff  }
0x50: {  	v3 =	vadd.s32 s26, v0;
	_ =	sdelay $0x2  }
0x51: {  	s28 =	simm.s32 $0x8  }
0x52: {  	[tilespmem:s17+$0xFFFFFFE0] =	vst v2;
	v2 =	vadd.s32 s28, v0  }
0x53: {  	v3 =	vld.idx.msk [tilespmem:v3+s10+$0x0], $0xffff;
	v2 =	vand.u32 $0x7FFFFFF8, v2  }
0x54: {  	v2 =	vor.u32 v1, v2;
	_ =	sdelay $0x3  }
0x55: {  	[tilespmem:s17+$0xFFFFFFF0] =	vst v3  }
0x56: {  	s29 =	simm.s32 $0xA;
	v2 =	vld.idx.msk [tilespmem:v2+s10+$0x0], $0xffff  }
0x57: {  	v3 =	vadd.s32 s29, v0;
	_ =	sdelay $0x3  }
0x58: {  	[tilespmem:s17+$0x0] =	vst v2  }
0x59: {  	s30 =	simm.s32 $0xC;
	v2 =	vld.idx.msk [tilespmem:v3+s10+$0x0], $0xffff  }
0x5a: {  	v3 =	vadd.s32 s30, v0;
	_ =	sdelay $0x3  }
0x5b: {  	[tilespmem:s17+$0x10] =	vst v2  }
0x5c: {  	s31 =	simm.s32 $0xE;
	v2 =	vld.idx.msk [tilespmem:v3+s10+$0x0], $0xffff  }
0x5d: {  	v4 =	vadd.s32 s31, v0;
	_ =	sdelay $0x3  }
0x5e: {  	s18 =	simm.s32 $0x10;
	[tilespmem:s17+$0x20] =	vst v2  }
0x5f: {  	s19 =	simm.s32 $0x20;
	v3 =	vadd.s32 s18, v0;
	v2 =	vld.idx.msk [tilespmem:v4+s10+$0x0], $0xffff  }
.LBB2_7:
0x60: {  	p0 =	sne.s32 s19, $0xFF0;
	v3 =	vand.u32 $0x5FF0, v3  }
0x61: {  	v3 =	vor.u32 v1, v3;
	_ =	sdelay $0x3  }
0x62: {  	[tilespmem:s17+$0x30] =	vst v2  }
0x63: {  	v2 =	vld.idx.msk [tilespmem:v3+s10+$0x0], $0xffff  }
0x64: {  	s20 =	sadd.s32 $0x2, s18  }
0x65: {  	v3 =	vadd.s32 s20, v0;
	_ =	sdelay $0x2  }
0x66: {  	s17 =	sadd.s32 $0x80, s17  }
0x67: {  	[tilespmem:s17+$0xFFFFFFC0] =	vst v2  }
0x68: {  	v2 =	vld.idx.msk [tilespmem:v3+s10+$0x0], $0xffff  }
0x69: {  	s20 =	sadd.s32 $0x4, s18  }
0x6a: {  	v3 =	vadd.s32 s20, v0;
	_ =	sdelay $0x3  }
0x6b: {  	[tilespmem:s17+$0xFFFFFFD0] =	vst v2  }
0x6c: {  	v2 =	vld.idx.msk [tilespmem:v3+s10+$0x0], $0xffff  }
0x6d: {  	s20 =	sadd.s32 $0x6, s18  }
0x6e: {  	v3 =	vadd.s32 s20, v0;
	_ =	sdelay $0x3  }
0x6f: {  	s20 =	sadd.s32 $0x8, s18;
	[tilespmem:s17+$0xFFFFFFE0] =	vst v2  }
0x70: {  	v2 =	vld.idx.msk [tilespmem:v3+s10+$0x0], $0xffff;
	v3 =	vadd.s32 s20, v0  }
0x71: {  	v3 =	vand.u32 $0x7FFFFFF8, v3  }
0x72: {  	v3 =	vor.u32 v1, v3;
	_ =	sdelay $0x3  }
0x73: {  	[tilespmem:s17+$0xFFFFFFF0] =	vst v2  }
0x74: {  	v2 =	vld.idx.msk [tilespmem:v3+s10+$0x0], $0xffff  }
0x75: {  	s20 =	sadd.s32 $0xA, s18  }
0x76: {  	v3 =	vadd.s32 s20, v0;
	_ =	sdelay $0x3  }
0x77: {  	[tilespmem:s17+$0x0] =	vst v2  }
0x78: {  	v2 =	vld.idx.msk [tilespmem:v3+s10+$0x0], $0xffff  }
0x79: {  	s20 =	sadd.s32 $0xC, s18  }
0x7a: {  	v3 =	vadd.s32 s20, v0;
	_ =	sdelay $0x3  }
0x7b: {  	[tilespmem:s17+$0x10] =	vst v2  }
0x7c: {  	v2 =	vld.idx.msk [tilespmem:v3+s10+$0x0], $0xffff  }
0x7d: {  	s20 =	sadd.s32 $0xE, s18;
	s18 =	smov.u32 s19  }
0x7e: {  	v4 =	vadd.s32 s20, v0  }
.Ltmp5:
0x7f: {  	(pc) =	sbr.rel @p0 .LBB2_7-.Ltmp5, $3  }
0x80: {  	_ =	sdelay $0x1  }
0x81: {  	[tilespmem:s17+$0x20] =	vst v2  }
0x82: {  	s19 =	sadd.s32 $0x10, s19;
	v3 =	vadd.s32 s18, v0;
	v2 =	vld.idx.msk [tilespmem:v4+s10+$0x0], $0xffff  }
0x83: {  	v3 =	vand.u32 $0x5FF0, v3  }
0x84: {  	v3 =	vor.u32 v1, v3;
	_ =	sdelay $0x3  }
0x85: {  	[tilespmem:s17+$0x30] =	vst v2  }
0x86: {  	s19 =	sadd.s32 $0x2, s18;
	v2 =	vld.idx.msk [tilespmem:v3+s10+$0x0], $0xffff  }
0x87: {  	v3 =	vadd.s32 s19, v0;
	_ =	sdelay $0x2  }
0x88: {  	s22 =	sadd.s32 $0x80, s17  }
0x89: {  	[tilespmem:s22+$0xFFFFFFC0] =	vst v2  }
0x8a: {  	s23 =	sadd.s32 $0x4, s18;
	v2 =	vld.idx.msk [tilespmem:v3+s10+$0x0], $0xffff  }
0x8b: {  	v3 =	vadd.s32 s23, v0;
	_ =	sdelay $0x3  }
0x8c: {  	[tilespmem:s22+$0xFFFFFFD0] =	vst v2  }
0x8d: {  	s24 =	sadd.s32 $0x6, s18;
	v2 =	vld.idx.msk [tilespmem:v3+s10+$0x0], $0xffff  }
0x8e: {  	v3 =	vadd.s32 s24, v0;
	_ =	sdelay $0x2  }
0x8f: {  	s25 =	sadd.s32 $0x8, s18  }
0x90: {  	[tilespmem:s22+$0xFFFFFFE0] =	vst v2;
	v2 =	vadd.s32 s25, v0  }
0x91: {  	v3 =	vld.idx.msk [tilespmem:v3+s10+$0x0], $0xffff;
	v2 =	vand.u32 $0x7FFFFFF8, v2  }
0x92: {  	v2 =	vor.u32 v1, v2;
	_ =	sdelay $0x3  }
0x93: {  	[tilespmem:s22+$0xFFFFFFF0] =	vst v3  }
0x94: {  	s26 =	sadd.s32 $0xA, s18;
	v2 =	vld.idx.msk [tilespmem:v2+s10+$0x0], $0xffff  }
0x95: {  	v3 =	vadd.s32 s26, v0;
	_ =	sdelay $0x3  }
0x96: {  	[tilespmem:s22+$0x0] =	vst v2  }
0x97: {  	s28 =	sadd.s32 $0xC, s18;
	v2 =	vld.idx.msk [tilespmem:v3+s10+$0x0], $0xffff  }
0x98: {  	v3 =	vadd.s32 s28, v0;
	_ =	sdelay $0x3  }
0x99: {  	[tilespmem:s22+$0x10] =	vst v2  }
0x9a: {  	s29 =	sadd.s32 $0xE, s18;
	v2 =	vld.idx.msk [tilespmem:v3+s10+$0x0], $0xffff  }
0x9b: {  	v3 =	vadd.s32 s29, v0;
	_ =	sdelay $0x3  }
0x9c: {  	[tilespmem:s22+$0x20] =	vst v2  }
0x9d: {  	v2 =	vld.idx.msk [tilespmem:v3+s10+$0x0], $0xffff;
	_ =	sdelay $0x1  }
.Ltmp6:
0x9e: {  	_ = 	snop;
	(pc) =	sbr.rel .LBB2_9-.Ltmp6, $4  }
0x9f: {  	_ = 	snop  }
0xa0: {  	s30 =	sshll.u32 s16, $0xC  }
0xa1: {  	s31 =	sadd.s32 s30, s6;
	[tilespmem:s22+$0x30] =	vst v2  }
0xa2: {  	[hbm4b:s31+s1] =	stream.linear.scatter [tilespmem:s11], [sflag:$0x4], $0x8000, $0x38;
	[tilespmem:$0x1A110] =	vst v63  }
.LBB2_3:
0xa3: {  	s17 =	sshll.u32 s16, $0xC  }
0xa4: {  	_ =	swait.ge [sflag:s13], $0x5088;
	s19 =	simm.s32 $0x0;
	s18 =	sadd.s32 s5, s17  }
0xa5: {  	[sflag:s13] =	ssyncset.done $0x0;
	v2 =	vadd.s32 s19, v0;
	s18 =	sshrl.u32 s18, $0x3  }
0xa6: {  	p0 =	slt.u32 s16, $0x2;
	[sflag:s13] =	ssyncadd.s32 $0xFFFFAF78;
	v2 =	vand.u32 $0x5FF0, v2;
	s18 =	sadd.s32 s3, s18  }
0xa7: {  	v2 =	vor.u32 v1, v2;
	[tilespmem:s10], [sflag:$0x2] =	stream.linear.gather [hbm4b:s18+s1], $0x5088, $0x38;
	[tilespmem:$0x1A110] =	vst v63  }
0xa8: {  	s18 =	simm.s32 @!p0 $0x3  }
0xa9: {  	_ =	swait.ge @!p0 [sflag:s18], $0x8000  }
0xaa: {  	[sflag:s18] =	ssyncset.done @!p0 $0x0  }
0xab: {  	[sflag:s18] =	ssyncadd.s32 @!p0 $0xFFFF8000  }
0xac: {  	s24 =	simm.s32 $0x2;
	v2 =	vld.idx.msk [tilespmem:v2+s1+$0x0], $0xffff  }
0xad: {  	v3 =	vadd.s32 s24, v0;
	_ =	sdelay $0x2  }
0xae: {  	s18 =	simm.s32 $0xA150  }
0xaf: {  	[tilespmem:s18+$0xFFFFFFC0] =	vst v2  }
0xb0: {  	s25 =	simm.s32 $0x4;
	v2 =	vld.idx.msk [tilespmem:v3+s1+$0x0], $0xffff  }
0xb1: {  	v3 =	vadd.s32 s25, v0;
	_ =	sdelay $0x3  }
0xb2: {  	[tilespmem:s18+$0xFFFFFFD0] =	vst v2  }
0xb3: {  	s26 =	simm.s32 $0x6;
	v2 =	vld.idx.msk [tilespmem:v3+s1+$0x0], $0xffff  }
0xb4: {  	v3 =	vadd.s32 s26, v0;
	_ =	sdelay $0x2  }
0xb5: {  	s28 =	simm.s32 $0x8  }
0xb6: {  	[tilespmem:s18+$0xFFFFFFE0] =	vst v2;
	v2 =	vadd.s32 s28, v0  }
0xb7: {  	v3 =	vld.idx.msk [tilespmem:v3+s1+$0x0], $0xffff;
	v2 =	vand.u32 $0x7FFFFFF8, v2  }
0xb8: {  	v2 =	vor.u32 v1, v2;
	_ =	sdelay $0x3  }
0xb9: {  	[tilespmem:s18+$0xFFFFFFF0] =	vst v3  }
0xba: {  	s29 =	simm.s32 $0xA;
	v2 =	vld.idx.msk [tilespmem:v2+s1+$0x0], $0xffff  }
0xbb: {  	v3 =	vadd.s32 s29, v0;
	_ =	sdelay $0x3  }
0xbc: {  	[tilespmem:s18+$0x0] =	vst v2  }
0xbd: {  	s30 =	simm.s32 $0xC;
	v2 =	vld.idx.msk [tilespmem:v3+s1+$0x0], $0xffff  }
0xbe: {  	v3 =	vadd.s32 s30, v0;
	_ =	sdelay $0x3  }
0xbf: {  	[tilespmem:s18+$0x10] =	vst v2  }
0xc0: {  	s31 =	simm.s32 $0xE;
	v2 =	vld.idx.msk [tilespmem:v3+s1+$0x0], $0xffff  }
0xc1: {  	v4 =	vadd.s32 s31, v0;
	_ =	sdelay $0x3  }
0xc2: {  	s19 =	simm.s32 $0x10;
	[tilespmem:s18+$0x20] =	vst v2  }
0xc3: {  	s20 =	simm.s32 $0x20;
	v3 =	vadd.s32 s19, v0;
	v2 =	vld.idx.msk [tilespmem:v4+s1+$0x0], $0xffff  }
.LBB2_4:
0xc4: {  	p0 =	sne.s32 s20, $0xFF0;
	v3 =	vand.u32 $0x5FF0, v3  }
0xc5: {  	v3 =	vor.u32 v1, v3;
	_ =	sdelay $0x3  }
0xc6: {  	[tilespmem:s18+$0x30] =	vst v2  }
0xc7: {  	v2 =	vld.idx.msk [tilespmem:v3+s1+$0x0], $0xffff  }
0xc8: {  	s21 =	sadd.s32 $0x2, s19  }
0xc9: {  	v3 =	vadd.s32 s21, v0;
	_ =	sdelay $0x2  }
0xca: {  	s18 =	sadd.s32 $0x80, s18  }
0xcb: {  	[tilespmem:s18+$0xFFFFFFC0] =	vst v2  }
0xcc: {  	v2 =	vld.idx.msk [tilespmem:v3+s1+$0x0], $0xffff  }
0xcd: {  	s21 =	sadd.s32 $0x4, s19  }
0xce: {  	v3 =	vadd.s32 s21, v0;
	_ =	sdelay $0x3  }
0xcf: {  	[tilespmem:s18+$0xFFFFFFD0] =	vst v2  }
0xd0: {  	v2 =	vld.idx.msk [tilespmem:v3+s1+$0x0], $0xffff  }
0xd1: {  	s21 =	sadd.s32 $0x6, s19  }
0xd2: {  	v3 =	vadd.s32 s21, v0;
	_ =	sdelay $0x3  }
0xd3: {  	s21 =	sadd.s32 $0x8, s19;
	[tilespmem:s18+$0xFFFFFFE0] =	vst v2  }
0xd4: {  	v2 =	vld.idx.msk [tilespmem:v3+s1+$0x0], $0xffff;
	v3 =	vadd.s32 s21, v0  }
0xd5: {  	v3 =	vand.u32 $0x7FFFFFF8, v3  }
0xd6: {  	v3 =	vor.u32 v1, v3;
	_ =	sdelay $0x3  }
0xd7: {  	[tilespmem:s18+$0xFFFFFFF0] =	vst v2  }
0xd8: {  	v2 =	vld.idx.msk [tilespmem:v3+s1+$0x0], $0xffff  }
0xd9: {  	s21 =	sadd.s32 $0xA, s19  }
0xda: {  	v3 =	vadd.s32 s21, v0;
	_ =	sdelay $0x3  }
0xdb: {  	[tilespmem:s18+$0x0] =	vst v2  }
0xdc: {  	v2 =	vld.idx.msk [tilespmem:v3+s1+$0x0], $0xffff  }
0xdd: {  	s21 =	sadd.s32 $0xC, s19  }
0xde: {  	v3 =	vadd.s32 s21, v0;
	_ =	sdelay $0x3  }
0xdf: {  	[tilespmem:s18+$0x10] =	vst v2  }
0xe0: {  	v2 =	vld.idx.msk [tilespmem:v3+s1+$0x0], $0xffff  }
0xe1: {  	s21 =	sadd.s32 $0xE, s19;
	s19 =	smov.u32 s20  }
0xe2: {  	v4 =	vadd.s32 s21, v0  }
.Ltmp7:
0xe3: {  	(pc) =	sbr.rel @p0 .LBB2_4-.Ltmp7, $3  }
0xe4: {  	_ =	sdelay $0x1  }
0xe5: {  	[tilespmem:s18+$0x20] =	vst v2  }
0xe6: {  	s20 =	sadd.s32 $0x10, s20;
	v3 =	vadd.s32 s19, v0;
	v2 =	vld.idx.msk [tilespmem:v4+s1+$0x0], $0xffff  }
.Ltmp8:
0xe7: {  	_ = 	snop;
	(pc) =	sbr.rel .LBB2_5-.Ltmp8, $1  }
0xe8: {  	_ =	sdelay $0x3  }
.LBB2_11:
0xe9: {  	_ =	sfence.sel $0x180000  }
0xea: {  	[bflag:$0x0] =	sbarrier.arrive $0xFFFF  }
0xeb: {  	p0 =	sne.s32 s2, $0x0;
	_ =	strace $0x90000047  }
0xec: {  	s0 =	sadd.s32 @!p0 $0x100000, s0;
	[bflag:$0x2] =	sbarrier.arrive $0xFFFF  }
0xed: {  	[sflag:s0] =	ssyncadd.tile.s32 @!p0 $0x1;
	_ =	shalt  }
.Lfunc_end2:
_tile_overlayer_lowered:
.L_overlay_start_2:
0xee: {  	(tag) =	ssettag $0x2  }
0xef: {  	s0 =	rddreg [dreg:$0x0];
	s2 =	stileid.u32  }
0xf0: {  	s1 =	rddreg [dreg:$0x1];
	p0 =	sne.s32 s2, $0x0  }
0xf1: {  	s3 =	rddreg [dreg:$0x2];
	[bflag:$0x3] =	sbarrier.arrive $0xFFFF;
	s2 =	simm.s32 @!p0 $0x1C05  }
0xf2: {  	[timem:s3], [sflag:s2] =	dma.local @!p0 [hbm:s0], s1  }
0xf3: {  	s0 =	simm.s32 @!p0 $0x5  }
0xf4: {  	_ =	swait.ge @!p0 [sflag:s0], s1  }
0xf5: {  	s1 =	ssub.s32 @!p0 $0x0, s1;
	[sflag:s0] =	ssyncset.done @!p0 $0x0  }
0xf6: {  	[sflag:s0] =	ssyncadd.s32 @!p0 s1  }
0xf7: {  	[bflag:$0x3] =	sbarrier.arrive $0xFFFF  }
0xf8: {  	_ =	shalt  }

// kernel: kernel.9.cloned.1.call-start
scs
__scs_entry_jumppad:
0x0: {  	(pc) =	sbr.rel $0x88, $3  }
0x1: {  	(tag) =	ssettag $0x0;
	lr =	simm.s32 $0x1  }
0x2: {  	[smem:$0x3F9F] =	sst lr;
	_ =	strace $0xD0000000  }
0x3: {  	_ = 	snop  }
0x4: {  	_ = 	snop  }
0x5: {  	_ = 	snop  }
0x6: {  	_ = 	snop  }
0x7: {  	_ = 	snop  }
__scs_overlays_trampoline_lowered:
0x8: {  	[smem:$0x3FAE] =	sst s0  }
0x9: {  	[smem:$0x3FAF] =	sst s1  }
0xa: {  	[smem:$0x3FB0] =	sst s2  }
0xb: {  	[smem:$0x3FB1] =	sst s3  }
0xc: {  	[smem:$0x3FB2] =	sst s4  }
0xd: {  	[smem:$0x3FB3] =	sst s5  }
0xe: {  	[smem:$0x3FB4] =	sst s6  }
0xf: {  	[smem:$0x3FB5] =	sst s7  }
0x10: {  	[smem:$0x3FB6] =	sst s8  }
0x11: {  	[smem:$0x3FB7] =	sst s9;
	s0 =	simm.s32 @!p0 $0x0  }
0x12: {  	s1 =	sld [smem:$0x3F9D];
	s0 =	simm.s32 @p0 $0x1  }
0x13: {  	[smem:$0x3FB8] =	sst s0;
	s0 =	simm.s32 @!p1 $0x0  }
0x14: {  	s2 =	sld [smem:$0x3F9C];
	s0 =	simm.s32 @p1 $0x1  }
0x15: {  	[smem:$0x3FB9] =	sst s0;
	s0 =	simm.s32 @!p2 $0x0  }
0x16: {  	s3 =	sld [smem:$0x3FDB];
	s0 =	simm.s32 @p2 $0x1  }
0x17: {  	s4 =	simm.s32 $0x1BF5;
	[smem:$0x3FBB] =	sst s0  }
0x18: {  	s0 =	sld [smem:$0x3F9E];
	_ =	swait.ge [sflag:s4], $0x0  }
0x19: {  	s7 =	sld [smem:$0x3F9F]  }
0x1a: {  	s8 =	sadd.s32 $0xFFFFE003, lr  }
0x1b: {  	s9 =	sadd.s32 $0xFFFFFEF7, lr;
	s5 =	simm.s32 $0xFFFFFFFF;
	p2 =	slt.u32 s8, $0xFFFFF086  }
0x1c: {  	p1 =	slt.u32 s9, $0xF7A;
	s5 =	simm.s32 @!p2 $0x0  }
0x1d: {  	s5 =	simm.s32 @p1 $0x1;
	p0 =	seq.s32 s7, s2  }
0x1e: {  	s7 =	smul.u32 @!p0 $0xF7A, s2;
	p2 =	seq.s32 @!p0 s5, $0x0  }
0x1f: {  	s9 =	smul.u32 $0xF7A, s1;
	s8 =	simm.s32 @!p0 $0x1BF5;
	p2 =	por !p2, p0  }
0x20: {  	[sflag:s8] =	ssyncset.s32 @!p0 $0xFFFFF086;
	s6 =	sadd.s32 @!p0 s3, s7;
	s7 =	simm.s32 @!p0 $0x108  }
0x21: {  	s3 =	sadd.s32 s3, s9;
	s6 =	sadd.s32 @!p0 $0x88, s6;
	s7 =	simm.s32 @p2 $0x1082  }
0x22: {  	[simem:s7], [sflag:s8] =	dma.local @!p0 [hbm:s6], $0xF7A  }
0x23: {  	s9 =	sor.u32 $0xD0000000, s2;
	s6 =	simm.s32 $0x108;
	_ =	swait.ge @!p0 [sflag:s8], $0x0  }
0x24: {  	s3 =	sadd.s32 $0x88, s3;
	s6 =	simm.s32 @!p1 $0x1082;
	[sflag:s4] =	ssyncset.s32 $0xFFFFF086  }
0x25: {  	[simem:s6], [sflag:s4] =	dma.local [hbm:s3], $0xF7A  }
0x26: {  	[smem:$0x3F9F] =	sst s1;
	(tag) =	ssettag s2;
	_ =	strace s9  }
0x27: {  	s1 =	sld [smem:$0x3FAF]  }
0x28: {  	s2 =	sld [smem:$0x3FB0]  }
0x29: {  	s4 =	sld [smem:$0x3FB2]  }
0x2a: {  	p0 =	seq.s32 s5, $0x0;
	s5 =	sld [smem:$0x3FB3]  }
0x2b: {  	s6 =	sld [smem:$0x3FB4]  }
0x2c: {  	s7 =	sld [smem:$0x3FB5]  }
0x2d: {  	s3 =	simm.s32 $0x108;
	s8 =	sld [smem:$0x3FB6]  }
0x2e: {  	s3 =	simm.s32 @!p0 $0x1082;
	s9 =	sld [smem:$0x3FB7]  }
0x2f: {  	lr =	sadd.s32 s0, s3;
	s0 =	sld [smem:$0x3FAE]  }
0x30: {  	s3 =	sld [smem:$0x3FB1]  }
0x31: {  	[smem:$0x3FBA] =	sst s10  }
0x32: {  	s10 =	sld [smem:$0x3FB8];
	_ =	sdelay $0x3  }
0x33: {  	p0 =	seq.s32 s10, $0x1;
	s10 =	sld [smem:$0x3FBA];
	_ =	sdelay $0x3  }
0x34: {  	[smem:$0x3FBA] =	sst s10  }
0x35: {  	s10 =	sld [smem:$0x3FB9];
	_ =	sdelay $0x3  }
0x36: {  	p1 =	seq.s32 s10, $0x1;
	s10 =	sld [smem:$0x3FBA];
	_ =	sdelay $0x3  }
0x37: {  	[smem:$0x3FBA] =	sst s10  }
0x38: {  	s10 =	sld [smem:$0x3FBB]  }
0x39: {  	_ = 	snop;
	(pc) =	sbr.ind lr, $3  }
0x3a: {  	_ = 	snop  }
0x3b: {  	_ = 	snop  }
0x3c: {  	p2 =	seq.s32 s10, $0x1;
	s10 =	sld [smem:$0x3FBA]  }
0x3d: {  	_ =	shalt  }
0x3e: {  	_ =	shalt  }
0x3f: {  	_ =	shalt  }
0x40: {  	_ =	shalt  }
0x41: {  	_ =	shalt  }
0x42: {  	_ =	shalt  }
0x43: {  	_ =	shalt  }
0x44: {  	_ =	shalt  }
0x45: {  	_ =	shalt  }
0x46: {  	_ =	shalt  }
0x47: {  	_ =	shalt  }
0x48: {  	_ =	shalt  }
0x49: {  	_ =	shalt  }
0x4a: {  	_ =	shalt  }
0x4b: {  	_ =	shalt  }
0x4c: {  	_ =	shalt  }
0x4d: {  	_ =	shalt  }
0x4e: {  	_ =	shalt  }
0x4f: {  	_ =	shalt  }
0x50: {  	_ =	shalt  }
0x51: {  	_ =	shalt  }
0x52: {  	_ =	shalt  }
0x53: {  	_ =	shalt  }
0x54: {  	_ =	shalt  }
0x55: {  	_ =	shalt  }
0x56: {  	_ =	shalt  }
0x57: {  	_ =	shalt  }
0x58: {  	_ =	shalt  }
0x59: {  	_ =	shalt  }
0x5a: {  	_ =	shalt  }
0x5b: {  	_ =	shalt  }
0x5c: {  	_ =	shalt  }
0x5d: {  	_ =	shalt  }
0x5e: {  	_ =	shalt  }
0x5f: {  	_ =	shalt  }
0x60: {  	_ =	shalt  }
0x61: {  	_ =	shalt  }
0x62: {  	_ =	shalt  }
0x63: {  	_ =	shalt  }
0x64: {  	_ =	shalt  }
0x65: {  	_ =	shalt  }
0x66: {  	_ =	shalt  }
0x67: {  	_ =	shalt  }
0x68: {  	_ =	shalt  }
0x69: {  	_ =	shalt  }
0x6a: {  	_ =	shalt  }
0x6b: {  	_ =	shalt  }
0x6c: {  	_ =	shalt  }
0x6d: {  	_ =	shalt  }
0x6e: {  	_ =	shalt  }
0x6f: {  	_ =	shalt  }
0x70: {  	_ =	shalt  }
0x71: {  	_ =	shalt  }
0x72: {  	_ =	shalt  }
0x73: {  	_ =	shalt  }
0x74: {  	_ =	shalt  }
0x75: {  	_ =	shalt  }
0x76: {  	_ =	shalt  }
0x77: {  	_ =	shalt  }
0x78: {  	_ =	shalt  }
0x79: {  	_ =	shalt  }
0x7a: {  	_ =	shalt  }
0x7b: {  	_ =	shalt  }
0x7c: {  	_ =	shalt  }
0x7d: {  	_ =	shalt  }
0x7e: {  	_ =	shalt  }
0x7f: {  	_ =	shalt  }
0x80: {  	_ =	shalt  }
0x81: {  	_ =	shalt  }
0x82: {  	_ =	shalt  }
0x83: {  	_ =	shalt  }
0x84: {  	_ =	shalt  }
0x85: {  	_ =	shalt  }
0x86: {  	_ =	shalt  }
0x87: {  	_ =	shalt  }
.Lfunc_end0:
.L_simem_size_0:
called_computation.1_lowered:
.L_overlay_start_0:
0x88: {  	s2 =	sld [smem:$0x3FD9]  }
0x89: {  	s3 =	sld [smem:$0x3FFE];
	_ =	sdelay $0x1  }
0x8a: {  	s1 =	srdreg.scid  }
0x8b: {  	s0 =	sand.u32 $0x1, s1  }
0x8c: {  	s17 =	sshll.u32 s0, $0xA;
	s2 =	sadd.s32 s3, s2  }
0x8d: {  	s2 =	sadd.s32 s2, s17  }
0x8e: {  	[smem:$0x3FC6] =	sst s2  }
0x8f: {  	_ = 	snop  }
0x90: {  	s2 =	sld [smem:$0x3FD0];
	(tm) =	ssettm $0x1  }
0x91: {  	s18 =	sld [smem:$0x3FFB];
	_ =	sdelay $0x3  }
0x92: {  	_ =	strace s18  }
0x93: {  	s3 =	sld [smem:$0x3FFC];
	_ =	sdelay $0x3  }
0x94: {  	_ =	strace s3  }
0x95: {  	s3 =	sld [smem:$0x3FFD];
	_ =	sdelay $0x3  }
0x96: {  	_ =	strace s3  }
0x97: {  	_ =	strace $0x8FFFFFFF  }
0x98: {  	s19 =	sld [smem:$0x3FDB];
	_ =	sdelay $0x1  }
0x99: {  	s4 =	simm.s32 $_scs_section_size  }
0x9a: {  	s5 =	simm.s32 $_size__tile_overlayer_lowered;
	s6 =	simm.s32 $_tile_overlayer_lowered  }
0x9b: {  	s22 =	simm.s32 $0x1BFF;
	s21 =	sshll.u32 s6, $0x1;
	s3 =	sadd.s32 s4, s19  }
0x9c: {  	s7 =	simm.s32 $0x0;
	s20 =	sshll.u32 s5, $0x1;
	s5 =	sadd.s32 s21, s3  }
0x9d: {  	[timem:s7], [sflag:s22] =	dma.local [hbm:s5], s20  }
0x9e: {  	_ =	swait.ge [sflag:s22], s20  }
0x9f: {  	s4 =	ssub.s32 $0x0, s20;
	[sflag:s22] =	ssyncset.done $0x0  }
0xa0: {  	[sflag:s22] =	ssyncadd.s32 s4;
	_ =	sdelay $0x1  }
0xa1: {  	s23 =	simm.s32 $0x1B8B  }
0xa2: {  	_ =	swait.ge [sflag:s23], $0x1  }
0xa3: {  	[sflag:s23] =	ssyncset.done $0x0  }
0xa4: {  	s25 =	simm.s32 $0x1B8E;
	s24 =	sld [smem:$0x3FFE];
	[sflag:s23] =	ssyncadd.s32 $0xFFFFFFFF  }
0xa5: {  	s26 =	simm.s32 $execute0_lowered;
	[smem:$0x3FD2] =	sst s25  }
0xa6: {  	s5 =	sshll.u32 s26, $0x1;
	_ =	strace $0x80000049;
	[dreg:$0x1] =	wrdreg $0xFFFFFFFF  }
0xa7: {  	s28 =	simm.s32 $_size_execute0_lowered;
	s3 =	sadd.s32 s3, s5;
	[dreg:$0x0] =	wrdreg $0x0  }
0xa8: {  	s5 =	sshll.u32 s28, $0x1;
	[dreg:$0x2] =	wrdreg s3  }
0xa9: {  	[dreg:$0x3] =	wrdreg s5  }
0xaa: {  	[dreg:$0x4] =	wrdreg $0xC0  }
0xab: {  	_ =	task [dreg:s7], $0x5FFFF  }
0xac: {  	[dreg:$0x1] =	wrdreg $0xFFFFFFFF  }
0xad: {  	[dreg:$0x0] =	wrdreg $0x60  }
0xae: {  	[dreg:$0x2] =	wrdreg s24  }
0xaf: {  	[dreg:$0x3] =	wrdreg s2  }
0xb0: {  	[dreg:$0x4] =	wrdreg $0x9  }
0xb1: {  	_ =	task.clear_ibuf [dreg:s7], $0x5FFFF;
	_ =	strace $0x90000049  }
0xb2: {  	s29 =	simm.s32 $0x9;
	_ =	strace $0x8000004B  }
0xb3: {  	_ =	swait.ge [sflag:s29], $0x1  }
0xb4: {  	[sflag:s29] =	ssyncadd.s32 $0xFFFFFFFF  }
0xb5: {  	_ =	strace $0x9000004B  }
0xb6: {  	_ =	sfence  }
0xb7: {  	s30 =	sld [smem:$0x0];
	_ =	sdelay $0x2  }
0xb8: {  	s31 =	sshll.u32 s1, $0xD;
	s1 =	sshrl.u32 s1, $0x2  }
0xb9: {  	s3 =	sand.u32 $0x4000, s31;
	s1 =	sadd.s32 s1, s30  }
0xba: {  	s0 =	sor.u32 s3, s0;
	s1 =	sshll.u32 s1, $0x11  }
0xbb: {  	s0 =	sor.u32 s1, s0  }
0xbc: {  	s0 =	sadd.s32 $0x8F2B, s0  }
0xbd: {  	[sflag:s0] =	ssyncadd.remote.s32 $0x1  }
0xbe: {  	_ =	sfence.sel $0xFFFF  }
0xbf: {  	[dreg:$0x0] =	wrdreg $0xFFFFFFFF;
	(pc) =	sbr.abs _section_cstart, $3  }
0xc0: {  	[dreg:$0x1] =	wrdreg $0xFFFFFFFF  }
0xc1: {  	_ =	task.clear_ibuf [dreg:s7], $0x2FFFF;
	_ =	strace $0x9FFFFFFF  }
0xc2: {  	(tm) =	ssettm $0x7FFFFFFF  }
0xc3: {  	_ =	shalt  }
tec
execute0_lowered:
.L_overlay_start_1:
0x0: {  	(tag) =	ssettag $0x1  }
0x1: {  	s0 =	rddreg [dreg:$0x0]  }
0x2: {  	s2 =	rddreg [dreg:$0x1];
	s1 =	srdreg.scid  }
0x3: {  	s4 =	stileid.u32;
	s3 =	simm.s32 $0x0;
	s11 =	simm.s32 $0x80  }
0x4: {  	s12 =	simm.s32 $0x1000;
	s22 =	simm.s32 $0x800;
	s23 =	simm.s32 $0x4  }
0x5: {  	s24 =	simm.s32 $0x6;
	s25 =	simm.s32 $0x5000;
	s28 =	simm.s32 $0x5  }
0x6: {  	s29 =	simm.s32 $0x3;
	s30 =	simm.s32 $0x2;
	s15 =	simm.s32 $0xE00  }
0x7: {  	s16 =	simm.s32 $0x8000;
	s17 =	simm.s32 $0xE80;
	s18 =	simm.s32 $0x8400  }
0x8: {  	s19 =	simm.s32 $0xF00;
	s20 =	simm.s32 $0x8800;
	s21 =	simm.s32 $0xF80  }
0x9: {  	s9 =	simm.s32 $0x9000;
	s1 =	sand.u32 $0x1, s1;
	[smem:$0x7FF] =	sst s3  }
0xa: {  	s4 =	sshll.u32 s4, $0x13;
	s5 =	sshll.u32 s1, $0x12;
	_ =	strace $0x8000004A  }
0xb: {  	s1 =	ssub.s32 $0x2, s1;
	s5 =	sor.u32 s5, s4;
	s4 =	sadd.s32 $0x101600, s0  }
.Ltmp0:
0xc: {  	s7 =	sshrl.u32 s1, $0x1;
	s6 =	sshrl.u32 s5, $0x3;
	(pc) =	sbr.rel .LBB2_1-.Ltmp0, $4  }
0xd: {  	s0 =	sadd.s32 s5, s0;
	s1 =	ssub.s32 s1, s7;
	s6 =	sadd.s32 s2, s6  }
0xe: {  	s7 =	sor.u32 $0x1000, s5;
	s31 =	smax.u32 s1, $0x1;
	[dreg:$0x3] =	wrdreg s6  }
0xf: {  	v0 =	vlaneseq.u32;
	s8 =	sadd.s32 $0x901600, s0;
	s6 =	sadd.s32 $0x100, s6;
	[dreg:$0x5] =	wrdreg s31  }
0x10: {  	v0 =	vmul.u32 $0x8, v0;
	s1 =	simm.s32 $0x0;
	[dreg:$0x4] =	wrdreg s6;
	s6 =	simm.s32 $0x8C00  }
.LBB2_10:
0x11: {  	_ =	swait.ge [sflag:s28], $0x4000  }
0x12: {  	[sflag:s28] =	ssyncset.done $0x0  }
0x13: {  	[sflag:s28] =	ssyncadd.s32 $0xFFFFC000  }
0x14: {  	_ =	swait.ge [sflag:s24], $0x4000  }
0x15: {  	s1 =	rddreg [dreg:$0x6]  }
0x16: {  	s0 =	rddreg [dreg:$0x5];
	s1 =	sadd.s32 $0x1, s1  }
0x17: {  	p0 =	sne.s32 s1, s0  }
.Ltmp1:
0x18: {  	_ = 	snop;
	(pc) =	sbr.rel @!p0 .LBB2_11-.Ltmp1, $3  }
0x19: {  	_ =	sdelay $0x1  }
0x1a: {  	[sflag:s24] =	ssyncset.done $0x0  }
0x1b: {  	[sflag:s24] =	ssyncadd.s32 $0xFFFFC000  }
.LBB2_1:
0x1c: {  	[dreg:$0x6] =	wrdreg s1  }
0x1d: {  	s0 =	rddreg [dreg:$0x3];
	s5 =	simm.s32 $0x1  }
0x1e: {  	[tilespmem:s3], [sflag:$0x1] =	stream.linear.gather [hbm4b:s0+s3], $0x800, $0x38;
	[tilespmem:$0x11000] =	vst v63  }
0x1f: {  	_ =	swait.ge [sflag:s5], $0x800  }
0x20: {  	[sflag:s5] =	ssyncset.done $0x0  }
0x21: {  	[sflag:s5] =	ssyncadd.s32 $0xFFFFF800  }
0x22: {  	[tilespmem:s12], [sflag:$0x3] =	stream.indirect.gather [hbm4b:s4+s11], $0x8, s3, s11, $0xb8;
	[tilespmem:$0x11000] =	vst v63  }
0x23: {  	s10 =	simm.s32 $0x1400  }
0x24: {  	[tilespmem:s10], [sflag:$0x3] =	stream.indirect.gather [hbm4b:s4+s11], $0x8, s11, s11, $0xb8;
	[tilespmem:$0x11000] =	vst v63  }
0x25: {  	s13 =	simm.s32 $0x100;
	s14 =	simm.s32 $0x1800  }
0x26: {  	[tilespmem:s14], [sflag:$0x3] =	stream.indirect.gather [hbm4b:s4+s11], $0x8, s13, s11, $0xb8;
	[tilespmem:$0x11000] =	vst v63  }
0x27: {  	s26 =	simm.s32 $0x180;
	s31 =	simm.s32 $0x1C00  }
0x28: {  	[tilespmem:s31], [sflag:$0x3] =	stream.indirect.gather [hbm4b:s4+s11], $0x8, s26, s11, $0xb8;
	[tilespmem:$0x11000] =	vst v63  }
0x29: {  	s5 =	simm.s32 $0x200;
	s10 =	simm.s32 $0x2000  }
0x2a: {  	[tilespmem:s10], [sflag:$0x3] =	stream.indirect.gather [hbm4b:s4+s11], $0x8, s5, s11, $0xb8;
	[tilespmem:$0x11000] =	vst v63  }
0x2b: {  	s13 =	simm.s32 $0x280;
	s14 =	simm.s32 $0x2400  }
0x2c: {  	[tilespmem:s14], [sflag:$0x3] =	stream.indirect.gather [hbm4b:s4+s11], $0x8, s13, s11, $0xb8;
	[tilespmem:$0x11000] =	vst v63  }
0x2d: {  	s26 =	simm.s32 $0x300;
	s31 =	simm.s32 $0x2800  }
0x2e: {  	[tilespmem:s31], [sflag:$0x3] =	stream.indirect.gather [hbm4b:s4+s11], $0x8, s26, s11, $0xb8;
	[tilespmem:$0x11000] =	vst v63  }
0x2f: {  	s5 =	simm.s32 $0x380;
	s10 =	simm.s32 $0x2C00  }
0x30: {  	[tilespmem:s10], [sflag:$0x3] =	stream.indirect.gather [hbm4b:s4+s11], $0x8, s5, s11, $0xb8;
	[tilespmem:$0x11000] =	vst v63  }
0x31: {  	s13 =	simm.s32 $0x400;
	s14 =	simm.s32 $0x3000  }
0x32: {  	[tilespmem:s14], [sflag:$0x3] =	stream.indirect.gather [hbm4b:s4+s11], $0x8, s13, s11, $0xb8;
	[tilespmem:$0x11000] =	vst v63  }
0x33: {  	s26 =	simm.s32 $0x480;
	s31 =	simm.s32 $0x3400  }
0x34: {  	[tilespmem:s31], [sflag:$0x3] =	stream.indirect.gather [hbm4b:s4+s11], $0x8, s26, s11, $0xb8;
	[tilespmem:$0x11000] =	vst v63  }
0x35: {  	s5 =	simm.s32 $0x500;
	s10 =	simm.s32 $0x3800  }
0x36: {  	[tilespmem:s10], [sflag:$0x3] =	stream.indirect.gather [hbm4b:s4+s11], $0x8, s5, s11, $0xb8;
	[tilespmem:$0x11000] =	vst v63  }
0x37: {  	s13 =	simm.s32 $0x580;
	s14 =	simm.s32 $0x3C00  }
0x38: {  	[tilespmem:s14], [sflag:$0x3] =	stream.indirect.gather [hbm4b:s4+s11], $0x8, s13, s11, $0xb8;
	[tilespmem:$0x11000] =	vst v63  }
0x39: {  	s26 =	simm.s32 $0x600;
	s31 =	simm.s32 $0x4000  }
0x3a: {  	[tilespmem:s31], [sflag:$0x3] =	stream.indirect.gather [hbm4b:s4+s11], $0x8, s26, s11, $0xb8;
	[tilespmem:$0x11000] =	vst v63  }
0x3b: {  	s1 =	simm.s32 $0x680;
	s5 =	simm.s32 $0x4400  }
0x3c: {  	[tilespmem:s5], [sflag:$0x3] =	stream.indirect.gather [hbm4b:s4+s11], $0x8, s1, s11, $0xb8;
	[tilespmem:$0x11000] =	vst v63  }
0x3d: {  	s10 =	simm.s32 $0x700;
	s13 =	simm.s32 $0x4800  }
0x3e: {  	[tilespmem:s13], [sflag:$0x3] =	stream.indirect.gather [hbm4b:s4+s11], $0x8, s10, s11, $0xb8;
	[tilespmem:$0x11000] =	vst v63  }
.Ltmp2:
0x3f: {  	_ = 	snop;
	(pc) =	sbr.rel .LBB2_2-.Ltmp2, $4  }
0x40: {  	s14 =	simm.s32 $0x780;
	s26 =	simm.s32 $0x4C00  }
0x41: {  	[tilespmem:s26], [sflag:$0x3] =	stream.indirect.gather [hbm4b:s4+s11], $0x8, s14, s11, $0xb8;
	[tilespmem:$0x11000] =	vst v63  }
0x42: {  	s31 =	rddreg [dreg:$0x4];
	s5 =	simm.s32 $0x0  }
0x43: {  	[tilespmem:s22], [sflag:$0x2] =	stream.linear.gather [hbm4b:s31+s3], $0x800, $0x38;
	[tilespmem:$0x11000] =	vst v63  }
.LBB2_5:
0x44: {  	_ =	sdelay $0x1  }
0x45: {  	v3 =	vmov s31  }
0x46: {  	[tilespmem:s10+$0x20] =	vst v1;
	v1 =	vshll.u32 v3, $0x3  }
0x47: {  	s0 =	sand.u32 $0x7, s0;
	v2 =	vld.idx.msk [tilespmem:v2+s12+$0x0], $0xffff;
	v1 =	vor.u32 v0, v1  }
0x48: {  	v1 =	vor.u32 s0, v1;
	_ =	sdelay $0x1  }
0x49: {  	s1 =	sor.u32 $0x10, s31  }
0x4a: {  	v3 =	vmov s1  }
0x4b: {  	[tilespmem:s10+$0x30] =	vst v2;
	v2 =	vshll.u32 v3, $0x3  }
0x4c: {  	v2 =	vor.u32 v0, v2;
	v1 =	vld.idx.msk [tilespmem:v1+s12+$0x0], $0xffff  }
0x4d: {  	v2 =	vor.u32 s0, v2;
	_ =	sdelay $0x1  }
0x4e: {  	s14 =	sor.u32 $0x20, s31  }
0x4f: {  	s10 =	sadd.s32 $0x80, s10;
	v3 =	vmov s14  }
0x50: {  	[tilespmem:s10+$0xFFFFFFC0] =	vst v1;
	v1 =	vshll.u32 v3, $0x3  }
0x51: {  	v2 =	vld.idx.msk [tilespmem:v2+s12+$0x0], $0xffff;
	v1 =	vor.u32 v0, v1  }
0x52: {  	v1 =	vor.u32 s0, v1;
	_ =	sdelay $0x1  }
0x53: {  	s13 =	sor.u32 $0x30, s31  }
0x54: {  	v3 =	vmov s13  }
0x55: {  	[tilespmem:s10+$0xFFFFFFD0] =	vst v2;
	v2 =	vshll.u32 v3, $0x3  }
0x56: {  	v1 =	vld.idx.msk [tilespmem:v1+s12+$0x0], $0xffff;
	v2 =	vor.u32 v0, v2  }
0x57: {  	v2 =	vor.u32 s0, v2;
	_ =	sdelay $0x1  }
0x58: {  	s14 =	sor.u32 $0x40, s31  }
0x59: {  	v3 =	vmov s14  }
0x5a: {  	[tilespmem:s10+$0xFFFFFFE0] =	vst v1;
	v1 =	vshll.u32 v3, $0x3  }
0x5b: {  	v2 =	vld.idx.msk [tilespmem:v2+s12+$0x0], $0xffff;
	v1 =	vor.u32 v0, v1  }
0x5c: {  	v1 =	vor.u32 s0, v1;
	_ =	sdelay $0x1  }
0x5d: {  	s13 =	sor.u32 $0x50, s31  }
0x5e: {  	v3 =	vmov s13  }
0x5f: {  	[tilespmem:s10+$0xFFFFFFF0] =	vst v2;
	v2 =	vshll.u32 v3, $0x3  }
0x60: {  	v1 =	vld.idx.msk [tilespmem:v1+s12+$0x0], $0xffff;
	v2 =	vor.u32 v0, v2  }
0x61: {  	v2 =	vor.u32 s0, v2;
	_ =	sdelay $0x1  }
0x62: {  	s14 =	sor.u32 $0x60, s31  }
0x63: {  	v3 =	vmov s14  }
0x64: {  	[tilespmem:s10+$0x0] =	vst v1;
	v1 =	vshll.u32 v3, $0x3  }
0x65: {  	v2 =	vld.idx.msk [tilespmem:v2+s12+$0x0], $0xffff;
	v1 =	vor.u32 v0, v1  }
0x66: {  	v1 =	vor.u32 s0, v1;
	_ =	sdelay $0x1  }
0x67: {  	s26 =	sor.u32 $0x70, s26  }
0x68: {  	v3 =	vmov s26  }
0x69: {  	[tilespmem:s10+$0x10] =	vst v2;
	v2 =	vshll.u32 v3, $0x3  }
0x6a: {  	v1 =	vld.idx.msk [tilespmem:v1+s12+$0x0], $0xffff;
	v2 =	vor.u32 v0, v2  }
0x6b: {  	v2 =	vor.u32 s0, v2;
	_ =	sdelay $0x3  }
0x6c: {  	[tilespmem:s10+$0x20] =	vst v1  }
0x6d: {  	v1 =	vld.idx.msk [tilespmem:v2+s12+$0x0], $0xffff;
	_ =	sdelay $0x3  }
0x6e: {  	s31 =	sshll.u32 s5, $0xB  }
0x6f: {  	s0 =	sadd.s32 s31, s8;
	[tilespmem:s10+$0x30] =	vst v1  }
0x70: {  	[hbm4b:s0+s3] =	stream.linear.scatter [tilespmem:s9], [sflag:$0x5], $0x4000, $0x38;
	[tilespmem:$0x11000] =	vst v63  }
.LBB2_9:
0x71: {  	s5 =	sadd.s32 $0x1, s5  }
0x72: {  	p0 =	sne.s32 s5, $0x80  }
.Ltmp3:
0x73: {  	_ = 	snop;
	(pc) =	sbr.rel @!p0 .LBB2_10-.Ltmp3, $1  }
0x74: {  	_ =	sdelay $0x3  }
.LBB2_2:
0x75: {  	s0 =	sand.u32 $0x1, s5  }
0x76: {  	p0 =	seq.s32 s0, $0x1  }
.Ltmp4:
0x77: {  	_ = 	snop;
	(pc) =	sbr.rel @!p0 .LBB2_3-.Ltmp4, $1  }
0x78: {  	_ =	sdelay $0x3  }
0x79: {  	_ =	swait.ge [sflag:s23], $0x4000  }
0x7a: {  	p0 =	seq.s32 s5, $0x7F;
	[sflag:s23] =	ssyncset.done $0x0  }
0x7b: {  	s0 =	simm.s32 @!p0 $0x1;
	[sflag:s23] =	ssyncadd.s32 $0xFFFFC000  }
0x7c: {  	_ =	swait.ge @!p0 [sflag:s0], $0x800  }
0x7d: {  	s1 =	simm.s32 @!p0 $0x0;
	[sflag:s0] =	ssyncset.done @!p0 $0x0  }
0x7e: {  	s10 =	simm.s32 @!p0 $0x1000;
	[sflag:s0] =	ssyncadd.s32 @!p0 $0xFFFFF800;
	s0 =	simm.s32 @!p0 $0x80  }
0x7f: {  	[tilespmem:s10], [sflag:$0x3] =	stream.indirect.gather @!p0 [hbm4b:s4+s0], $0x8, s1, s0, $0xb8;
	[tilespmem:$0x11000] =	vst v63  }
0x80: {  	s1 =	simm.s32 @!p0 $0x1400  }
0x81: {  	[tilespmem:s1], [sflag:$0x3] =	stream.indirect.gather @!p0 [hbm4b:s4+s0], $0x8, s0, s0, $0xb8;
	[tilespmem:$0x11000] =	vst v63  }
0x82: {  	s10 =	simm.s32 @!p0 $0x1800;
	s1 =	simm.s32 @!p0 $0x100  }
0x83: {  	[tilespmem:s10], [sflag:$0x3] =	stream.indirect.gather @!p0 [hbm4b:s4+s0], $0x8, s1, s0, $0xb8;
	[tilespmem:$0x11000] =	vst v63  }
0x84: {  	s1 =	simm.s32 @!p0 $0x180;
	s10 =	simm.s32 @!p0 $0x1C00  }
0x85: {  	[tilespmem:s10], [sflag:$0x3] =	stream.indirect.gather @!p0 [hbm4b:s4+s0], $0x8, s1, s0, $0xb8;
	[tilespmem:$0x11000] =	vst v63  }
0x86: {  	s1 =	simm.s32 @!p0 $0x200;
	s10 =	simm.s32 @!p0 $0x2000  }
0x87: {  	[tilespmem:s10], [sflag:$0x3] =	stream.indirect.gather @!p0 [hbm4b:s4+s0], $0x8, s1, s0, $0xb8;
	[tilespmem:$0x11000] =	vst v63  }
0x88: {  	s1 =	simm.s32 @!p0 $0x280;
	s10 =	simm.s32 @!p0 $0x2400  }
0x89: {  	[tilespmem:s10], [sflag:$0x3] =	stream.indirect.gather @!p0 [hbm4b:s4+s0], $0x8, s1, s0, $0xb8;
	[tilespmem:$0x11000] =	vst v63  }
0x8a: {  	s1 =	simm.s32 @!p0 $0x300;
	s10 =	simm.s32 @!p0 $0x2800  }
0x8b: {  	[tilespmem:s10], [sflag:$0x3] =	stream.indirect.gather @!p0 [hbm4b:s4+s0], $0x8, s1, s0, $0xb8;
	[tilespmem:$0x11000] =	vst v63  }
0x8c: {  	s1 =	simm.s32 @!p0 $0x380;
	s10 =	simm.s32 @!p0 $0x2C00  }
0x8d: {  	[tilespmem:s10], [sflag:$0x3] =	stream.indirect.gather @!p0 [hbm4b:s4+s0], $0x8, s1, s0, $0xb8;
	[tilespmem:$0x11000] =	vst v63  }
0x8e: {  	s1 =	simm.s32 @!p0 $0x400;
	s10 =	simm.s32 @!p0 $0x3000  }
0x8f: {  	[tilespmem:s10], [sflag:$0x3] =	stream.indirect.gather @!p0 [hbm4b:s4+s0], $0x8, s1, s0, $0xb8;
	[tilespmem:$0x11000] =	vst v63  }
0x90: {  	s1 =	simm.s32 @!p0 $0x480;
	s10 =	simm.s32 @!p0 $0x3400  }
0x91: {  	[tilespmem:s10], [sflag:$0x3] =	stream.indirect.gather @!p0 [hbm4b:s4+s0], $0x8, s1, s0, $0xb8;
	[tilespmem:$0x11000] =	vst v63  }
0x92: {  	s1 =	simm.s32 @!p0 $0x500;
	s10 =	simm.s32 @!p0 $0x3800  }
0x93: {  	[tilespmem:s10], [sflag:$0x3] =	stream.indirect.gather @!p0 [hbm4b:s4+s0], $0x8, s1, s0, $0xb8;
	[tilespmem:$0x11000] =	vst v63  }
0x94: {  	s1 =	simm.s32 @!p0 $0x580;
	s10 =	simm.s32 @!p0 $0x3C00  }
0x95: {  	[tilespmem:s10], [sflag:$0x3] =	stream.indirect.gather @!p0 [hbm4b:s4+s0], $0x8, s1, s0, $0xb8;
	[tilespmem:$0x11000] =	vst v63  }
0x96: {  	s1 =	simm.s32 @!p0 $0x600;
	s10 =	simm.s32 @!p0 $0x4000  }
0x97: {  	[tilespmem:s10], [sflag:$0x3] =	stream.indirect.gather @!p0 [hbm4b:s4+s0], $0x8, s1, s0, $0xb8;
	[tilespmem:$0x11000] =	vst v63  }
0x98: {  	s1 =	simm.s32 @!p0 $0x680;
	s10 =	simm.s32 @!p0 $0x4400  }
0x99: {  	[tilespmem:s10], [sflag:$0x3] =	stream.indirect.gather @!p0 [hbm4b:s4+s0], $0x8, s1, s0, $0xb8;
	[tilespmem:$0x11000] =	vst v63  }
0x9a: {  	s1 =	simm.s32 @!p0 $0x700;
	s10 =	simm.s32 @!p0 $0x4800  }
0x9b: {  	[tilespmem:s10], [sflag:$0x3] =	stream.indirect.gather @!p0 [hbm4b:s4+s0], $0x8, s1, s0, $0xb8;
	[tilespmem:$0x11000] =	vst v63  }
0x9c: {  	p1 =	sgt.u32 @!p0 s5, $0x7D;
	s1 =	simm.s32 @!p0 $0x780;
	s10 =	simm.s32 @!p0 $0x4C00  }
0x9d: {  	[tilespmem:s10], [sflag:$0x3] =	stream.indirect.gather @!p0 [hbm4b:s4+s0], $0x8, s1, s0, $0xb8;
	[tilespmem:$0x11000] =	vst v63  }
0x9e: {  	p0 =	por p0, p1  }
0x9f: {  	s0 =	sshll.u32 @!p0 s5, $0xB  }
0xa0: {  	s0 =	sadd.s32 @!p0 s0, s7  }
0xa1: {  	s0 =	sshrl.u32 @!p0 s0, $0x3  }
0xa2: {  	s1 =	simm.s32 @!p0 $0x0;
	s10 =	simm.s32 @!p0 $0x800;
	s0 =	sadd.s32 @!p0 s2, s0  }
0xa3: {  	[tilespmem:s10], [sflag:$0x2] =	stream.linear.gather @!p0 [hbm4b:s0+s1], $0x800, $0x38;
	[tilespmem:$0x11000] =	vst v63  }
0xa4: {  	s0 =	simm.s32 $0x0  }
0xa5: {  	s1 =	sand.u32 $0x780, s0  }
0xa6: {  	v1 =	vmov s1  }
0xa7: {  	v1 =	vshll.u32 v1, $0x3  }
0xa8: {  	s13 =	sand.u32 $0x7, s0;
	v1 =	vor.u32 v0, v1  }
0xa9: {  	p1 =	slt.u32 @!p0 s5, $0x2;
	v1 =	vor.u32 s13, v1  }
0xaa: {  	p0 =	por p0, !p1  }
0xab: {  	_ =	swait.ge @p0 [sflag:s24], $0x4000;
	s14 =	sor.u32 $0x10, s1  }
0xac: {  	[sflag:s24] =	ssyncset.done @p0 $0x0;
	v2 =	vmov s14  }
0xad: {  	[sflag:s24] =	ssyncadd.s32 @p0 $0xFFFFC000;
	v2 =	vshll.u32 v2, $0x3  }
0xae: {  	v2 =	vor.u32 v0, v2;
	v1 =	vld.idx.msk [tilespmem:v1+s25+$0x0], $0xffff  }
0xaf: {  	v2 =	vor.u32 s13, v2;
	_ =	sdelay $0x1  }
0xb0: {  	s14 =	sor.u32 $0x20, s1  }
0xb1: {  	s10 =	simm.s32 $0xD040;
	v3 =	vmov s14  }
0xb2: {  	[tilespmem:s10+$0xFFFFFFC0] =	vst v1;
	v1 =	vshll.u32 v3, $0x3  }
0xb3: {  	v2 =	vld.idx.msk [tilespmem:v2+s25+$0x0], $0xffff;
	v1 =	vor.u32 v0, v1  }
0xb4: {  	v1 =	vor.u32 s13, v1;
	_ =	sdelay $0x1  }
0xb5: {  	s26 =	sor.u32 $0x30, s1  }
0xb6: {  	v3 =	vmov s26  }
0xb7: {  	[tilespmem:s10+$0xFFFFFFD0] =	vst v2;
	v2 =	vshll.u32 v3, $0x3  }
0xb8: {  	v1 =	vld.idx.msk [tilespmem:v1+s25+$0x0], $0xffff;
	v2 =	vor.u32 v0, v2  }
0xb9: {  	v2 =	vor.u32 s13, v2;
	_ =	sdelay $0x1  }
0xba: {  	s26 =	sor.u32 $0x40, s1  }
0xbb: {  	v3 =	vmov s26  }
0xbc: {  	[tilespmem:s10+$0xFFFFFFE0] =	vst v1;
	v1 =	vshll.u32 v3, $0x3  }
0xbd: {  	v2 =	vld.idx.msk [tilespmem:v2+s25+$0x0], $0xffff;
	v1 =	vor.u32 v0, v1  }
0xbe: {  	v1 =	vor.u32 s13, v1;
	_ =	sdelay $0x1  }
0xbf: {  	s26 =	sor.u32 $0x50, s1  }
0xc0: {  	v3 =	vmov s26  }
0xc1: {  	[tilespmem:s10+$0xFFFFFFF0] =	vst v2;
	v2 =	vshll.u32 v3, $0x3  }
0xc2: {  	v1 =	vld.idx.msk [tilespmem:v1+s25+$0x0], $0xffff;
	v2 =	vor.u32 v0, v2  }
0xc3: {  	v2 =	vor.u32 s13, v2;
	_ =	sdelay $0x1  }
0xc4: {  	s1 =	sor.u32 $0x60, s1  }
0xc5: {  	v3 =	vmov s1  }
0xc6: {  	[tilespmem:s10+$0x0] =	vst v1;
	v1 =	vshll.u32 v3, $0x3  }
0xc7: {  	v2 =	vld.idx.msk [tilespmem:v2+s25+$0x0], $0xffff;
	v1 =	vor.u32 v0, v1  }
0xc8: {  	v1 =	vor.u32 s13, v1;
	_ =	sdelay $0x1  }
0xc9: {  	s0 =	sor.u32 $0x70, s0  }
0xca: {  	v3 =	vmov s0  }
0xcb: {  	v3 =	vshll.u32 v3, $0x3;
	[tilespmem:s10+$0x10] =	vst v2  }
0xcc: {  	v2 =	vor.u32 v0, v3;
	v1 =	vld.idx.msk [tilespmem:v1+s25+$0x0], $0xffff  }
0xcd: {  	v2 =	vor.u32 s13, v2;
	_ =	sdelay $0x1  }
0xce: {  	s26 =	simm.s32 $0x10  }
0xcf: {  	s31 =	sand.u32 $0x780, s26;
	s1 =	simm.s32 $0x2;
	s0 =	simm.s32 $0x1  }
.LBB2_7:
0xd0: {  	p0 =	sne.s32 s1, $0x7F;
	v3 =	vmov s31;
	[tilespmem:s10+$0x20] =	vst v1  }
0xd1: {  	v1 =	vshll.u32 v3, $0x3;
	v2 =	vld.idx.msk [tilespmem:v2+s25+$0x0], $0xffff  }
0xd2: {  	s13 =	sand.u32 $0x7, s0;
	s0 =	smov.u32 s1;
	v1 =	vor.u32 v0, v1  }
0xd3: {  	v1 =	vor.u32 s13, v1;
	_ =	sdelay $0x2  }
0xd4: {  	s14 =	sor.u32 $0x10, s31  }
0xd5: {  	v3 =	vmov s14;
	[tilespmem:s10+$0x30] =	vst v2  }
0xd6: {  	v2 =	vshll.u32 v3, $0x3;
	v1 =	vld.idx.msk [tilespmem:v1+s25+$0x0], $0xffff  }
0xd7: {  	v2 =	vor.u32 v0, v2  }
0xd8: {  	v2 =	vor.u32 s13, v2;
	_ =	sdelay $0x2  }
0xd9: {  	s14 =	sor.u32 $0x20, s31;
	s10 =	sadd.s32 $0x80, s10  }
0xda: {  	[tilespmem:s10+$0xFFFFFFC0] =	vst v1;
	v1 =	vmov s14  }
0xdb: {  	v2 =	vld.idx.msk [tilespmem:v2+s25+$0x0], $0xffff;
	v1 =	vshll.u32 v1, $0x3  }
0xdc: {  	v1 =	vor.u32 v0, v1  }
0xdd: {  	v1 =	vor.u32 s13, v1;
	_ =	sdelay $0x2  }
0xde: {  	s14 =	sor.u32 $0x30, s31  }
0xdf: {  	[tilespmem:s10+$0xFFFFFFD0] =	vst v2;
	v2 =	vmov s14  }
0xe0: {  	v1 =	vld.idx.msk [tilespmem:v1+s25+$0x0], $0xffff;
	v2 =	vshll.u32 v2, $0x3  }
0xe1: {  	v2 =	vor.u32 v0, v2  }
0xe2: {  	v2 =	vor.u32 s13, v2;
	_ =	sdelay $0x2  }
0xe3: {  	s14 =	sor.u32 $0x40, s31  }
0xe4: {  	[tilespmem:s10+$0xFFFFFFE0] =	vst v1;
	v1 =	vmov s14  }
0xe5: {  	v2 =	vld.idx.msk [tilespmem:v2+s25+$0x0], $0xffff;
	v1 =	vshll.u32 v1, $0x3  }
0xe6: {  	v1 =	vor.u32 v0, v1  }
0xe7: {  	v1 =	vor.u32 s13, v1;
	_ =	sdelay $0x2  }
0xe8: {  	s14 =	sor.u32 $0x50, s31  }
0xe9: {  	[tilespmem:s10+$0xFFFFFFF0] =	vst v2;
	v2 =	vmov s14  }
0xea: {  	v1 =	vld.idx.msk [tilespmem:v1+s25+$0x0], $0xffff;
	v2 =	vshll.u32 v2, $0x3  }
0xeb: {  	v2 =	vor.u32 v0, v2  }
0xec: {  	v2 =	vor.u32 s13, v2;
	_ =	sdelay $0x2  }
0xed: {  	s14 =	sor.u32 $0x60, s31  }
0xee: {  	[tilespmem:s10+$0x0] =	vst v1;
	v1 =	vmov s14  }
0xef: {  	v2 =	vld.idx.msk [tilespmem:v2+s25+$0x0], $0xffff;
	v1 =	vshll.u32 v1, $0x3  }
0xf0: {  	v1 =	vor.u32 v0, v1  }
0xf1: {  	v1 =	vor.u32 s13, v1;
	_ =	sdelay $0x2  }
0xf2: {  	s14 =	sor.u32 $0x70, s26  }
0xf3: {  	[tilespmem:s10+$0x10] =	vst v2;
	v2 =	vmov s14  }
0xf4: {  	v1 =	vld.idx.msk [tilespmem:v1+s25+$0x0], $0xffff;
	v2 =	vshll.u32 v2, $0x3  }
.Ltmp5:
0xf5: {  	v2 =	vor.u32 v0, v2;
	(pc) =	sbr.rel @p0 .LBB2_7-.Ltmp5, $3  }
0xf6: {  	v2 =	vor.u32 s13, v2;
	_ =	sdelay $0x1  }
0xf7: {  	s26 =	sadd.s32 $0x10, s26  }
0xf8: {  	s1 =	sadd.s32 $0x1, s1;
	s31 =	sand.u32 $0x780, s26  }
0xf9: {  	_ =	sdelay $0x1  }
0xfa: {  	v3 =	vmov s31  }
0xfb: {  	[tilespmem:s10+$0x20] =	vst v1;
	v1 =	vshll.u32 v3, $0x3  }
0xfc: {  	s0 =	sand.u32 $0x7, s0;
	v2 =	vld.idx.msk [tilespmem:v2+s25+$0x0], $0xffff;
	v1 =	vor.u32 v0, v1  }
0xfd: {  	v1 =	vor.u32 s0, v1;
	_ =	sdelay $0x1  }
0xfe: {  	s1 =	sor.u32 $0x10, s31  }
0xff: {  	v3 =	vmov s1  }
0x100: {  	[tilespmem:s10+$0x30] =	vst v2;
	v2 =	vshll.u32 v3, $0x3  }
0x101: {  	v2 =	vor.u32 v0, v2;
	v1 =	vld.idx.msk [tilespmem:v1+s25+$0x0], $0xffff  }
0x102: {  	v2 =	vor.u32 s0, v2;
	_ =	sdelay $0x1  }
0x103: {  	s13 =	sor.u32 $0x20, s31  }
0x104: {  	s10 =	sadd.s32 $0x80, s10;
	v3 =	vmov s13  }
0x105: {  	[tilespmem:s10+$0xFFFFFFC0] =	vst v1;
	v1 =	vshll.u32 v3, $0x3  }
0x106: {  	v2 =	vld.idx.msk [tilespmem:v2+s25+$0x0], $0xffff;
	v1 =	vor.u32 v0, v1  }
0x107: {  	v1 =	vor.u32 s0, v1;
	_ =	sdelay $0x1  }
0x108: {  	s14 =	sor.u32 $0x30, s31  }
0x109: {  	v3 =	vmov s14  }
0x10a: {  	[tilespmem:s10+$0xFFFFFFD0] =	vst v2;
	v2 =	vshll.u32 v3, $0x3  }
0x10b: {  	v1 =	vld.idx.msk [tilespmem:v1+s25+$0x0], $0xffff;
	v2 =	vor.u32 v0, v2  }
0x10c: {  	v2 =	vor.u32 s0, v2;
	_ =	sdelay $0x1  }
0x10d: {  	s13 =	sor.u32 $0x40, s31  }
0x10e: {  	v3 =	vmov s13  }
0x10f: {  	[tilespmem:s10+$0xFFFFFFE0] =	vst v1;
	v1 =	vshll.u32 v3, $0x3  }
0x110: {  	v2 =	vld.idx.msk [tilespmem:v2+s25+$0x0], $0xffff;
	v1 =	vor.u32 v0, v1  }
0x111: {  	v1 =	vor.u32 s0, v1;
	_ =	sdelay $0x1  }
0x112: {  	s14 =	sor.u32 $0x50, s31  }
0x113: {  	v3 =	vmov s14  }
0x114: {  	[tilespmem:s10+$0xFFFFFFF0] =	vst v2;
	v2 =	vshll.u32 v3, $0x3  }
0x115: {  	v1 =	vld.idx.msk [tilespmem:v1+s25+$0x0], $0xffff;
	v2 =	vor.u32 v0, v2  }
0x116: {  	v2 =	vor.u32 s0, v2;
	_ =	sdelay $0x1  }
0x117: {  	s13 =	sor.u32 $0x60, s31  }
0x118: {  	v3 =	vmov s13  }
0x119: {  	[tilespmem:s10+$0x0] =	vst v1;
	v1 =	vshll.u32 v3, $0x3  }
0x11a: {  	v2 =	vld.idx.msk [tilespmem:v2+s25+$0x0], $0xffff;
	v1 =	vor.u32 v0, v1  }
0x11b: {  	v1 =	vor.u32 s0, v1;
	_ =	sdelay $0x1  }
0x11c: {  	s14 =	sor.u32 $0x70, s26  }
0x11d: {  	v3 =	vmov s14  }
0x11e: {  	[tilespmem:s10+$0x10] =	vst v2;
	v2 =	vshll.u32 v3, $0x3  }
0x11f: {  	v1 =	vld.idx.msk [tilespmem:v1+s25+$0x0], $0xffff;
	v2 =	vor.u32 v0, v2  }
0x120: {  	v2 =	vor.u32 s0, v2;
	_ =	sdelay $0x3  }
0x121: {  	[tilespmem:s10+$0x20] =	vst v1  }
0x122: {  	v1 =	vld.idx.msk [tilespmem:v2+s25+$0x0], $0xffff;
	_ =	sdelay $0x1  }
.Ltmp6:
0x123: {  	_ = 	snop;
	(pc) =	sbr.rel .LBB2_9-.Ltmp6, $4  }
0x124: {  	_ = 	snop  }
0x125: {  	s26 =	sshll.u32 s5, $0xB  }
0x126: {  	s31 =	simm.s32 $0xD000;
	s0 =	sadd.s32 s26, s8;
	[tilespmem:s10+$0x30] =	vst v1  }
0x127: {  	[hbm4b:s0+s3] =	stream.linear.scatter [tilespmem:s31], [sflag:$0x6], $0x4000, $0x38;
	[tilespmem:$0x11000] =	vst v63  }
.LBB2_3:
0x128: {  	_ =	swait.ge [sflag:s29], $0x4000  }
0x129: {  	[sflag:s29] =	ssyncset.done $0x0  }
0x12a: {  	[sflag:s29] =	ssyncadd.s32 $0xFFFFC000  }
0x12b: {  	_ =	swait.ge [sflag:s30], $0x800  }
0x12c: {  	[sflag:s30] =	ssyncset.done $0x0  }
0x12d: {  	[sflag:s30] =	ssyncadd.s32 $0xFFFFF800  }
0x12e: {  	[tilespmem:s25], [sflag:$0x4] =	stream.indirect.gather [hbm4b:s4+s11], $0x8, s22, s11, $0xb8;
	[tilespmem:$0x11000] =	vst v63  }
0x12f: {  	s0 =	simm.s32 $0x880;
	s1 =	simm.s32 $0x5400  }
0x130: {  	[tilespmem:s1], [sflag:$0x4] =	stream.indirect.gather [hbm4b:s4+s11], $0x8, s0, s11, $0xb8;
	[tilespmem:$0x11000] =	vst v63  }
0x131: {  	s14 =	simm.s32 $0x900;
	s26 =	simm.s32 $0x5800  }
0x132: {  	[tilespmem:s26], [sflag:$0x4] =	stream.indirect.gather [hbm4b:s4+s11], $0x8, s14, s11, $0xb8;
	[tilespmem:$0x11000] =	vst v63  }
0x133: {  	s10 =	simm.s32 $0x980;
	s13 =	simm.s32 $0x5C00  }
0x134: {  	[tilespmem:s13], [sflag:$0x4] =	stream.indirect.gather [hbm4b:s4+s11], $0x8, s10, s11, $0xb8;
	[tilespmem:$0x11000] =	vst v63  }
0x135: {  	s14 =	simm.s32 $0xA00;
	s26 =	simm.s32 $0x6000  }
0x136: {  	[tilespmem:s26], [sflag:$0x4] =	stream.indirect.gather [hbm4b:s4+s11], $0x8, s14, s11, $0xb8;
	[tilespmem:$0x11000] =	vst v63  }
0x137: {  	s10 =	simm.s32 $0xA80;
	s13 =	simm.s32 $0x6400  }
0x138: {  	[tilespmem:s13], [sflag:$0x4] =	stream.indirect.gather [hbm4b:s4+s11], $0x8, s10, s11, $0xb8;
	[tilespmem:$0x11000] =	vst v63  }
0x139: {  	s14 =	simm.s32 $0xB00;
	s26 =	simm.s32 $0x6800  }
0x13a: {  	[tilespmem:s26], [sflag:$0x4] =	stream.indirect.gather [hbm4b:s4+s11], $0x8, s14, s11, $0xb8;
	[tilespmem:$0x11000] =	vst v63  }
0x13b: {  	s10 =	simm.s32 $0xB80;
	s13 =	simm.s32 $0x6C00  }
0x13c: {  	[tilespmem:s13], [sflag:$0x4] =	stream.indirect.gather [hbm4b:s4+s11], $0x8, s10, s11, $0xb8;
	[tilespmem:$0x11000] =	vst v63  }
0x13d: {  	s14 =	simm.s32 $0xC00;
	s26 =	simm.s32 $0x7000  }
0x13e: {  	[tilespmem:s26], [sflag:$0x4] =	stream.indirect.gather [hbm4b:s4+s11], $0x8, s14, s11, $0xb8;
	[tilespmem:$0x11000] =	vst v63  }
0x13f: {  	s10 =	simm.s32 $0xC80;
	s13 =	simm.s32 $0x7400  }
0x140: {  	[tilespmem:s13], [sflag:$0x4] =	stream.indirect.gather [hbm4b:s4+s11], $0x8, s10, s11, $0xb8;
	[tilespmem:$0x11000] =	vst v63  }
0x141: {  	s14 =	simm.s32 $0xD00;
	s26 =	simm.s32 $0x7800  }
0x142: {  	[tilespmem:s26], [sflag:$0x4] =	stream.indirect.gather [hbm4b:s4+s11], $0x8, s14, s11, $0xb8;
	[tilespmem:$0x11000] =	vst v63  }
0x143: {  	s10 =	simm.s32 $0xD80;
	s13 =	simm.s32 $0x7C00  }
0x144: {  	[tilespmem:s13], [sflag:$0x4] =	stream.indirect.gather [hbm4b:s4+s11], $0x8, s10, s11, $0xb8;
	[tilespmem:$0x11000] =	vst v63  }
0x145: {  	p0 =	sgt.u32 s5, $0x7D  }
0x146: {  	[tilespmem:s16], [sflag:$0x4] =	stream.indirect.gather [hbm4b:s4+s11], $0x8, s15, s11, $0xb8;
	[tilespmem:$0x11000] =	vst v63  }
0x147: {  	s0 =	sshll.u32 @!p0 s5, $0xB  }
0x148: {  	[tilespmem:s18], [sflag:$0x4] =	stream.indirect.gather [hbm4b:s4+s11], $0x8, s17, s11, $0xb8;
	[tilespmem:$0x11000] =	vst v63  }
0x149: {  	s0 =	sadd.s32 @!p0 s0, s7  }
0x14a: {  	[tilespmem:s20], [sflag:$0x4] =	stream.indirect.gather [hbm4b:s4+s11], $0x8, s19, s11, $0xb8;
	[tilespmem:$0x11000] =	vst v63  }
0x14b: {  	s0 =	sshrl.u32 @!p0 s0, $0x3  }
0x14c: {  	[tilespmem:s6], [sflag:$0x4] =	stream.indirect.gather [hbm4b:s4+s11], $0x8, s21, s11, $0xb8;
	[tilespmem:$0x11000] =	vst v63  }
0x14d: {  	s1 =	simm.s32 @!p0 $0x0;
	s0 =	sadd.s32 @!p0 s2, s0  }
0x14e: {  	[tilespmem:s1], [sflag:$0x1] =	stream.linear.gather @!p0 [hbm4b:s0+s1], $0x800, $0x38;
	[tilespmem:$0x11000] =	vst v63  }
0x14f: {  	s0 =	simm.s32 $0x0  }
0x150: {  	s1 =	sand.u32 $0x780, s0  }
0x151: {  	v1 =	vmov s1  }
0x152: {  	v1 =	vshll.u32 v1, $0x3  }
0x153: {  	s13 =	sand.u32 $0x7, s0;
	v1 =	vor.u32 v0, v1  }
0x154: {  	p1 =	slt.u32 @!p0 s5, $0x2;
	v1 =	vor.u32 s13, v1  }
0x155: {  	p0 =	por p0, !p1  }
0x156: {  	_ =	swait.ge @p0 [sflag:s28], $0x4000;
	s10 =	sor.u32 $0x10, s1  }
0x157: {  	[sflag:s28] =	ssyncset.done @p0 $0x0;
	v2 =	vmov s10  }
0x158: {  	[sflag:s28] =	ssyncadd.s32 @p0 $0xFFFFC000;
	v2 =	vshll.u32 v2, $0x3  }
0x159: {  	v2 =	vor.u32 v0, v2;
	v1 =	vld.idx.msk [tilespmem:v1+s12+$0x0], $0xffff  }
0x15a: {  	v2 =	vor.u32 s13, v2;
	_ =	sdelay $0x1  }
0x15b: {  	s26 =	sor.u32 $0x20, s1  }
0x15c: {  	s10 =	simm.s32 $0x9040;
	v3 =	vmov s26  }
0x15d: {  	[tilespmem:s10+$0xFFFFFFC0] =	vst v1;
	v1 =	vshll.u32 v3, $0x3  }
0x15e: {  	v2 =	vld.idx.msk [tilespmem:v2+s12+$0x0], $0xffff;
	v1 =	vor.u32 v0, v1  }
0x15f: {  	v1 =	vor.u32 s13, v1;
	_ =	sdelay $0x1  }
0x160: {  	s14 =	sor.u32 $0x30, s1  }
0x161: {  	v3 =	vmov s14  }
0x162: {  	[tilespmem:s10+$0xFFFFFFD0] =	vst v2;
	v2 =	vshll.u32 v3, $0x3  }
0x163: {  	v1 =	vld.idx.msk [tilespmem:v1+s12+$0x0], $0xffff;
	v2 =	vor.u32 v0, v2  }
0x164: {  	v2 =	vor.u32 s13, v2;
	_ =	sdelay $0x1  }
0x165: {  	s14 =	sor.u32 $0x40, s1  }
0x166: {  	v3 =	vmov s14  }
0x167: {  	[tilespmem:s10+$0xFFFFFFE0] =	vst v1;
	v1 =	vshll.u32 v3, $0x3  }
0x168: {  	v2 =	vld.idx.msk [tilespmem:v2+s12+$0x0], $0xffff;
	v1 =	vor.u32 v0, v1  }
0x169: {  	v1 =	vor.u32 s13, v1;
	_ =	sdelay $0x1  }
0x16a: {  	s14 =	sor.u32 $0x50, s1  }
0x16b: {  	v3 =	vmov s14  }
0x16c: {  	[tilespmem:s10+$0xFFFFFFF0] =	vst v2;
	v2 =	vshll.u32 v3, $0x3  }
0x16d: {  	v1 =	vld.idx.msk [tilespmem:v1+s12+$0x0], $0xffff;
	v2 =	vor.u32 v0, v2  }
0x16e: {  	v2 =	vor.u32 s13, v2;
	_ =	sdelay $0x1  }
0x16f: {  	s1 =	sor.u32 $0x60, s1  }
0x170: {  	v3 =	vmov s1  }
0x171: {  	[tilespmem:s10+$0x0] =	vst v1;
	v1 =	vshll.u32 v3, $0x3  }
0x172: {  	v2 =	vld.idx.msk [tilespmem:v2+s12+$0x0], $0xffff;
	v1 =	vor.u32 v0, v1  }
0x173: {  	v1 =	vor.u32 s13, v1;
	_ =	sdelay $0x1  }
0x174: {  	s0 =	sor.u32 $0x70, s0  }
0x175: {  	v3 =	vmov s0  }
0x176: {  	v3 =	vshll.u32 v3, $0x3;
	[tilespmem:s10+$0x10] =	vst v2  }
0x177: {  	v2 =	vor.u32 v0, v3;
	v1 =	vld.idx.msk [tilespmem:v1+s12+$0x0], $0xffff  }
0x178: {  	v2 =	vor.u32 s13, v2;
	_ =	sdelay $0x1  }
0x179: {  	s26 =	simm.s32 $0x10  }
0x17a: {  	s31 =	sand.u32 $0x780, s26;
	s1 =	simm.s32 $0x2;
	s0 =	simm.s32 $0x1  }
.LBB2_4:
0x17b: {  	p0 =	sne.s32 s1, $0x7F;
	v3 =	vmov s31;
	[tilespmem:s10+$0x20] =	vst v1  }
0x17c: {  	v1 =	vshll.u32 v3, $0x3;
	v2 =	vld.idx.msk [tilespmem:v2+s12+$0x0], $0xffff  }
0x17d: {  	s13 =	sand.u32 $0x7, s0;
	s0 =	smov.u32 s1;
	v1 =	vor.u32 v0, v1  }
0x17e: {  	v1 =	vor.u32 s13, v1;
	_ =	sdelay $0x2  }
0x17f: {  	s14 =	sor.u32 $0x10, s31  }
0x180: {  	v3 =	vmov s14;
	[tilespmem:s10+$0x30] =	vst v2  }
0x181: {  	v2 =	vshll.u32 v3, $0x3;
	v1 =	vld.idx.msk [tilespmem:v1+s12+$0x0], $0xffff  }
0x182: {  	v2 =	vor.u32 v0, v2  }
0x183: {  	v2 =	vor.u32 s13, v2;
	_ =	sdelay $0x2  }
0x184: {  	s14 =	sor.u32 $0x20, s31;
	s10 =	sadd.s32 $0x80, s10  }
0x185: {  	[tilespmem:s10+$0xFFFFFFC0] =	vst v1;
	v1 =	vmov s14  }
0x186: {  	v2 =	vld.idx.msk [tilespmem:v2+s12+$0x0], $0xffff;
	v1 =	vshll.u32 v1, $0x3  }
0x187: {  	v1 =	vor.u32 v0, v1  }
0x188: {  	v1 =	vor.u32 s13, v1;
	_ =	sdelay $0x2  }
0x189: {  	s14 =	sor.u32 $0x30, s31  }
0x18a: {  	[tilespmem:s10+$0xFFFFFFD0] =	vst v2;
	v2 =	vmov s14  }
0x18b: {  	v1 =	vld.idx.msk [tilespmem:v1+s12+$0x0], $0xffff;
	v2 =	vshll.u32 v2, $0x3  }
0x18c: {  	v2 =	vor.u32 v0, v2  }
0x18d: {  	v2 =	vor.u32 s13, v2;
	_ =	sdelay $0x2  }
0x18e: {  	s14 =	sor.u32 $0x40, s31  }
0x18f: {  	[tilespmem:s10+$0xFFFFFFE0] =	vst v1;
	v1 =	vmov s14  }
0x190: {  	v2 =	vld.idx.msk [tilespmem:v2+s12+$0x0], $0xffff;
	v1 =	vshll.u32 v1, $0x3  }
0x191: {  	v1 =	vor.u32 v0, v1  }
0x192: {  	v1 =	vor.u32 s13, v1;
	_ =	sdelay $0x2  }
0x193: {  	s14 =	sor.u32 $0x50, s31  }
0x194: {  	[tilespmem:s10+$0xFFFFFFF0] =	vst v2;
	v2 =	vmov s14  }
0x195: {  	v1 =	vld.idx.msk [tilespmem:v1+s12+$0x0], $0xffff;
	v2 =	vshll.u32 v2, $0x3  }
0x196: {  	v2 =	vor.u32 v0, v2  }
0x197: {  	v2 =	vor.u32 s13, v2;
	_ =	sdelay $0x2  }
0x198: {  	s14 =	sor.u32 $0x60, s31  }
0x199: {  	[tilespmem:s10+$0x0] =	vst v1;
	v1 =	vmov s14  }
0x19a: {  	v2 =	vld.idx.msk [tilespmem:v2+s12+$0x0], $0xffff;
	v1 =	vshll.u32 v1, $0x3  }
0x19b: {  	v1 =	vor.u32 v0, v1  }
0x19c: {  	v1 =	vor.u32 s13, v1;
	_ =	sdelay $0x2  }
0x19d: {  	s14 =	sor.u32 $0x70, s26  }
0x19e: {  	[tilespmem:s10+$0x10] =	vst v2;
	v2 =	vmov s14  }
0x19f: {  	v1 =	vld.idx.msk [tilespmem:v1+s12+$0x0], $0xffff;
	v2 =	vshll.u32 v2, $0x3  }
.Ltmp7:
0x1a0: {  	v2 =	vor.u32 v0, v2;
	(pc) =	sbr.rel @p0 .LBB2_4-.Ltmp7, $3  }
0x1a1: {  	v2 =	vor.u32 s13, v2;
	_ =	sdelay $0x1  }
0x1a2: {  	s26 =	sadd.s32 $0x10, s26  }
0x1a3: {  	s1 =	sadd.s32 $0x1, s1;
	s31 =	sand.u32 $0x780, s26  }
.Ltmp8:
0x1a4: {  	_ = 	snop;
	(pc) =	sbr.rel .LBB2_5-.Ltmp8, $1  }
0x1a5: {  	_ =	sdelay $0x3  }
.LBB2_11:
0x1a6: {  	_ =	sfence.sel $0x180000  }
0x1a7: {  	[bflag:$0x0] =	sbarrier.arrive $0xFFFF  }
0x1a8: {  	_ =	strace $0x9000004A  }
0x1a9: {  	s0 =	stileid.u32;
	[bflag:$0x2] =	sbarrier.arrive $0xFFFF  }
0x1aa: {  	p0 =	sne.s32 s0, $0x0;
	s0 =	rddreg [dreg:$0x2]  }
0x1ab: {  	s0 =	sadd.s32 @!p0 $0x100000, s0  }
0x1ac: {  	[sflag:s0] =	ssyncadd.tile.s32 @!p0 $0x1;
	_ =	shalt  }
.Lfunc_end2:
_tile_overlayer_lowered:
.L_overlay_start_2:
0x1ad: {  	(tag) =	ssettag $0x2  }
0x1ae: {  	s0 =	rddreg [dreg:$0x0];
	s2 =	stileid.u32  }
0x1af: {  	s1 =	rddreg [dreg:$0x1];
	p0 =	sne.s32 s2, $0x0  }
0x1b0: {  	s3 =	rddreg [dreg:$0x2];
	[bflag:$0x3] =	sbarrier.arrive $0xFFFF;
	s2 =	simm.s32 @!p0 $0x1C07  }
0x1b1: {  	[timem:s3], [sflag:s2] =	dma.local @!p0 [hbm:s0], s1  }
0x1b2: {  	s0 =	simm.s32 @!p0 $0x7  }
0x1b3: {  	_ =	swait.ge @!p0 [sflag:s0], s1  }
0x1b4: {  	s1 =	ssub.s32 @!p0 $0x0, s1;
	[sflag:s0] =	ssyncset.done @!p0 $0x0  }
0x1b5: {  	[sflag:s0] =	ssyncadd.s32 @!p0 s1  }
0x1b6: {  	[bflag:$0x3] =	sbarrier.arrive $0xFFFF  }
0x1b7: {  	_ =	shalt  }

</sc_bundles>
